<compile_context>
chip_gen: v7x
topology: tpu7x:2x2x1
jax: 0.10.2.dev20260603
libtpu: 0.0.44.dev20260713+nightly
codegen_flags: <defaults>
</compile_context>

<pallas_src>
import functools

import jax
import jax.numpy as jnp
from jax import lax
from jax.experimental import pallas as pl
from jax.experimental.pallas import tpu as pltpu
from jax.experimental.pallas import tpu_sc as plsc

L = 16
NUM_CORES = 2
NUM_SUBCORES = 16
NUM_WORKERS = NUM_CORES * NUM_SUBCORES
EPSILON = 1.0


def _stats_body(x_ref, s_ref, m_ref):
    xb = x_ref[...]
    s_ref[...] = (jnp.max(jnp.abs(xb)) + 1e-6).reshape(1, 1)
    m_ref[...] = jnp.broadcast_to(jnp.mean(xb, axis=1, keepdims=True),
                                  (xb.shape[0], L))


def _make_sc_kernel(batch, n_in, n_out, rows_per_w, ch):
    n_groups = n_out // L
    mesh = plsc.VectorSubcoreMesh(
        core_axis_name="c", subcore_axis_name="s",
        num_cores=NUM_CORES, num_subcores=NUM_SUBCORES)

    @functools.partial(
        pl.kernel,
        out_type=jax.ShapeDtypeStruct((batch * n_out,), jnp.float32),
        mesh=mesh,
        scratch_types=[
            pltpu.VMEM((n_out * L,), jnp.int32),
            pltpu.VMEM((n_out * L,), jnp.float32),
            pltpu.VMEM((ch * n_in,), jnp.float32),
            pltpu.VMEM((ch // 2 * n_in,), jnp.int32),
            pltpu.VMEM((ch * n_out,), jnp.float32),
            pltpu.VMEM((rows_per_w * L,), jnp.float32),
            pltpu.VMEM((L,), jnp.float32),
        ],
        compiler_params=pltpu.CompilerParams(needs_layout_passes=False),
    )
    def sc_kernel(x_hbm, idx_hbm, w_hbm, mean_hbm, s_hbm, out_hbm,
                  idx_v, sw_v, x_v, y_v, out_v, mean_v, s_v):
        wid = lax.axis_index("s") * NUM_CORES + lax.axis_index("c")
        row0 = wid * rows_per_w
        npair = ch // 2

        pltpu.sync_copy(idx_hbm, idx_v)
        pltpu.sync_copy(w_hbm, sw_v)
        pltpu.sync_copy(s_hbm, s_v)
        pltpu.sync_copy(mean_hbm.at[pl.ds(row0 * L, rows_per_w * L)], mean_v)

        s_vec = s_v[...]
        inv_vec = 1.0 / s_vec
        s_scalar = s_vec[0]
        zeros = jnp.zeros((L,), jnp.float32)
        zeros2 = jnp.zeros((2 * L,), jnp.bfloat16)
        neginf = jnp.full((L,), -jnp.inf, jnp.float32)
        neginf2 = jnp.full((2 * L,), -jnp.inf, jnp.bfloat16)

        @plsc.parallel_loop(0, n_out, 1, unroll=4)
        def wmul(i):
            sv = sw_v[pl.ds(i * L, L)] * s_vec
            swp = plsc.pack(sv, sv, format=plsc.PackFormat.INTERLEAVED)
            sw_v[pl.ds(i * L, L)] = plsc.bitcast(swp, jnp.float32)

        for c in range(rows_per_w // ch):
            base = row0 + c * ch
            pltpu.sync_copy(x_hbm.at[pl.ds(base * n_in, ch * n_in)], x_v)

            def enc_pair(p, gm_pair):
                mb0 = mean_v[pl.ds((c * ch + 2 * p) * L, L)]
                mb1 = mean_v[pl.ds((c * ch + 2 * p + 1) * L, L)]

                @plsc.parallel_loop(0, n_in // L, 1, unroll=4,
                                    carry=gm_pair)
                def enc_i(i, gm):
                    x0 = x_v[pl.ds(2 * p * n_in + i * L, L)]
                    x1 = x_v[pl.ds((2 * p + 1) * n_in + i * L, L)]
                    a0 = jnp.abs(x0 - mb0)
                    a1 = jnp.abs(x1 - mb1)
                    y0 = jnp.where(a0 < s_vec, x0, neginf)
                    y1 = jnp.where(a1 < s_vec, x1, neginf)
                    yp = plsc.pack(y0, y1,
                                   format=plsc.PackFormat.INTERLEAVED)
                    y_v[pl.ds(p * n_in + i * L, L)] = plsc.bitcast(
                        yp, jnp.int32)
                    return jnp.maximum(gm, jnp.maximum(a0, a1))

                return enc_i

            gmax = lax.fori_loop(0, npair, enc_pair, zeros)
            any_closed = lax.reduce_max(gmax, axes=(0,)) >= s_scalar

            def make_chunk_fn(slow):
                def chunk_fn():
                    def og_body(og, _):
                        ivs = [idx_v[pl.ds(og * (L * L) + k * L, L)]
                               for k in range(L)]
                        sws = [plsc.bitcast(
                                   sw_v[pl.ds(og * (L * L) + k * L, L)],
                                   jnp.bfloat16)
                               for k in range(L)]

                        @plsc.parallel_loop(0, npair, 1, unroll=2)
                        def p_body(p):
                            row = y_v.at[pl.ds(p * n_in, n_in)]
                            accs = [None] * 4
                            for k in range(L):
                                gi = plsc.load_gather(row, [ivs[k]])
                                gb = plsc.bitcast(gi, jnp.bfloat16)
                                v = gb + sws[k]
                                if slow:
                                    v = jnp.where(gb == neginf2, zeros2, v)
                                a = accs[k % 4]
                                accs[k % 4] = (v if a is None
                                               else jnp.maximum(a, v))
                            acc = jnp.maximum(
                                jnp.maximum(accs[0], accs[1]),
                                jnp.maximum(accs[2], accs[3]))
                            r0, r1 = plsc.unpack(
                                acc, format=plsc.PackFormat.INTERLEAVED)
                            o0 = 2 * p * n_out + og * L
                            out_v[pl.ds(o0, L)] = r0 * inv_vec
                            out_v[pl.ds(o0 + n_out, L)] = r1 * inv_vec

                        return 0

                    lax.fori_loop(0, n_groups, og_body, 0)
                return chunk_fn

            lax.cond(any_closed, make_chunk_fn(True), make_chunk_fn(False))
            pltpu.sync_copy(out_v, out_hbm.at[pl.ds(base * n_out, ch * n_out)])

    return sc_kernel


def kernel(x, weights, src_idx):
    batch, n_in = x.shape
    n_out = src_idx.shape[0] // L
    rows_per_w = batch // NUM_WORKERS
    ch = min(rows_per_w, 32)

    s11, m2d = pl.pallas_call(
        _stats_body,
        out_shape=[
            jax.ShapeDtypeStruct((1, 1), jnp.float32),
            jax.ShapeDtypeStruct((batch, L), jnp.float32),
        ],
    )(x)

    s_vec = jnp.broadcast_to(s11[0, 0], (L,))
    means = m2d.reshape(-1)

    idx_t = src_idx.reshape(n_out // L, L, L).transpose(0, 2, 1).reshape(-1)
    w_t = weights.reshape(n_out // L, L, L).transpose(0, 2, 1).reshape(-1)

    sc = _make_sc_kernel(batch, n_in, n_out, rows_per_w, ch)
    return sc(x.reshape(-1), idx_t, w_t, means, s_vec).reshape(batch, n_out)

# --- scband reference (transcript-rebuilt; emitter-appended) ---
"""Pipeline reference for scband-fast-teixido-kernel-4647154614912 (READ-ONLY COPY).

The authoritative reference and input builder live on the scoring server;
editing this copy changes nothing except your own understanding.
"""

import jax, jax.numpy as jnp
import numpy as np

N_IN = 1024
N_OUT = 1024
DEGREE = 16
EPSILON = 1.0
BATCH = 2048


def setup_inputs(seed: int = 0) -> dict:
    key = jax.random.key(seed)
    kx, kw = jax.random.split(key)
    x = jax.random.normal(kx, (BATCH, N_IN), dtype=jnp.float32)
    # Build synaptic indices exactly like the torch module: for each output
    # neuron, a random permutation of inputs truncated to `degree`.
    rng = np.random.default_rng(0)
    idx = np.stack([rng.permutation(N_IN)[:DEGREE] for _ in range(N_OUT)], axis=0)  # [n_out, degree]
    src_idx = jnp.asarray(idx.reshape(-1), dtype=jnp.int32)  # row 1 of synaptic_indices, length n_out*degree
    weights = jax.random.normal(kw, (N_OUT * DEGREE,), dtype=jnp.float32) * 0.05
    return {"x": x, "weights": weights, "src_idx": src_idx}


def reference(x, weights, src_idx):
    batch_size = x.shape[0]
    x_norm = x / (jnp.max(jnp.abs(x)) + 1e-06)
    consensus = jnp.mean(x_norm, axis=1, keepdims=True)  # [B, 1]
    active_inputs = jnp.take(x_norm, src_idx, axis=1)  # gather -> [B, n_out*degree]
    hub_vals = jnp.broadcast_to(consensus, active_inputs.shape)
    gate = (jnp.abs(active_inputs - hub_vals) < EPSILON).astype(jnp.float32)
    combined = (active_inputs + weights) * gate
    z_forest = combined.reshape(batch_size, N_OUT, DEGREE)
    output = jnp.max(z_forest, axis=2)  # segment-style max reduce over degree
    return output

if __name__ == "__main__":
    import jax
    _d = setup_inputs()
    print(jax.jit(kernel)(*tuple(_d.values())))

</pallas_src>

<mosaic_0001>
#map = affine_map<(d0, d1) -> (0)>
module attributes {stable_mosaic.version = 14 : i64} {
  func.func @sc_kernel(%arg0: i32, %arg1: i32, %arg2: memref<2097152xf32, #tpu.memory_space<hbm>>, %arg3: memref<16384xi32, #tpu.memory_space<hbm>>, %arg4: memref<16384xf32, #tpu.memory_space<hbm>>, %arg5: memref<32768xf32, #tpu.memory_space<hbm>>, %arg6: memref<16xf32, #tpu.memory_space<hbm>>, %arg7: memref<2097152xf32, #tpu.memory_space<hbm>>, %arg8: memref<16384xi32, #tpu.memory_space<vmem>>, %arg9: memref<16384xf32, #tpu.memory_space<vmem>>, %arg10: memref<32768xf32, #tpu.memory_space<vmem>>, %arg11: memref<16384xi32, #tpu.memory_space<vmem>>, %arg12: memref<32768xf32, #tpu.memory_space<vmem>>, %arg13: memref<1024xf32, #tpu.memory_space<vmem>>, %arg14: memref<16xf32, #tpu.memory_space<vmem>>) attributes {dimension_semantics = [#tpu.dimension_semantics<core_parallel>, #tpu.dimension_semantics<subcore_parallel>], iteration_bounds = array<i64: 2, 16>, scalar_prefetch = 0 : i64, scratch_operands = 7 : i64, tpu.core_type = #tpu.core_type<sc_vector_subcore>, window_params = [{transform_indices = #map}, {transform_indices = #map}, {transform_indices = #map}, {transform_indices = #map}, {transform_indices = #map}, {transform_indices = #map}]} {
    %mul3A = arith.constant 2 : i32
    %mul3A_0 = arith.muli %arg1, %mul3A : i32
    %add3A = arith.addi %mul3A_0, %arg0 : i32
    %mul3A_1 = arith.constant 64 : i32
    %mul3A_2 = arith.muli %add3A, %mul3A_1 : i32
    "tpu.region"() ({
      %run_scoped3A = tpu.sem_alloc : memref<!tpu.dma_semaphore, #tpu.memory_space<semaphore_mem>>
      tpu.enqueue_dma source(%arg3 : memref<16384xi32, #tpu.memory_space<hbm>>) target(%arg8 : memref<16384xi32, #tpu.memory_space<vmem>>) target_semaphore(%run_scoped3A : memref<!tpu.dma_semaphore, #tpu.memory_space<semaphore_mem>>)
      tpu.wait_dma2 semaphore(%run_scoped3A : memref<!tpu.dma_semaphore, #tpu.memory_space<semaphore_mem>>) src(%arg3 : memref<16384xi32, #tpu.memory_space<hbm>>) dst(%arg8 : memref<16384xi32, #tpu.memory_space<vmem>>)
      tpu.yield
    }) : () -> ()
    "tpu.region"() ({
      %run_scoped3A = tpu.sem_alloc : memref<!tpu.dma_semaphore, #tpu.memory_space<semaphore_mem>>
      tpu.enqueue_dma source(%arg4 : memref<16384xf32, #tpu.memory_space<hbm>>) target(%arg9 : memref<16384xf32, #tpu.memory_space<vmem>>) target_semaphore(%run_scoped3A : memref<!tpu.dma_semaphore, #tpu.memory_space<semaphore_mem>>)
      tpu.wait_dma2 semaphore(%run_scoped3A : memref<!tpu.dma_semaphore, #tpu.memory_space<semaphore_mem>>) src(%arg4 : memref<16384xf32, #tpu.memory_space<hbm>>) dst(%arg9 : memref<16384xf32, #tpu.memory_space<vmem>>)
      tpu.yield
    }) : () -> ()
    "tpu.region"() ({
      %run_scoped3A = tpu.sem_alloc : memref<!tpu.dma_semaphore, #tpu.memory_space<semaphore_mem>>
      tpu.enqueue_dma source(%arg6 : memref<16xf32, #tpu.memory_space<hbm>>) target(%arg14 : memref<16xf32, #tpu.memory_space<vmem>>) target_semaphore(%run_scoped3A : memref<!tpu.dma_semaphore, #tpu.memory_space<semaphore_mem>>)
      tpu.wait_dma2 semaphore(%run_scoped3A : memref<!tpu.dma_semaphore, #tpu.memory_space<semaphore_mem>>) src(%arg6 : memref<16xf32, #tpu.memory_space<hbm>>) dst(%arg14 : memref<16xf32, #tpu.memory_space<vmem>>)
      tpu.yield
    }) : () -> ()
    %mul3A_3 = arith.constant 16 : i32
    %mul3A_4 = arith.muli %mul3A_2, %mul3A_3 : i32
    "tpu.region"() ({
      %run_scoped3A = tpu.sem_alloc : memref<!tpu.dma_semaphore, #tpu.memory_space<semaphore_mem>>
      %dma_start3A = tpu.memref_slice %arg5[%mul3A_4] : memref<32768xf32, #tpu.memory_space<hbm>> -> memref<1024xf32, #tpu.memory_space<hbm>>
      %dma_start3A_52 = tpu.memref_slice %arg5[%mul3A_4] : memref<32768xf32, #tpu.memory_space<hbm>> -> memref<1024xf32, #tpu.memory_space<hbm>>
      tpu.enqueue_dma source(%dma_start3A_52 : memref<1024xf32, #tpu.memory_space<hbm>>) target(%arg13 : memref<1024xf32, #tpu.memory_space<vmem>>) target_semaphore(%run_scoped3A : memref<!tpu.dma_semaphore, #tpu.memory_space<semaphore_mem>>)
      %dma_wait3A = tpu.memref_slice %arg5[%mul3A_4] : memref<32768xf32, #tpu.memory_space<hbm>> -> memref<1024xf32, #tpu.memory_space<hbm>>
      %dma_wait3A_53 = tpu.memref_slice %arg5[%mul3A_4] : memref<32768xf32, #tpu.memory_space<hbm>> -> memref<1024xf32, #tpu.memory_space<hbm>>
      tpu.wait_dma2 semaphore(%run_scoped3A : memref<!tpu.dma_semaphore, #tpu.memory_space<semaphore_mem>>) src(%dma_wait3A_53 : memref<1024xf32, #tpu.memory_space<hbm>>) dst(%arg13 : memref<1024xf32, #tpu.memory_space<vmem>>)
      tpu.yield
    }) : () -> ()
    %get3A = arith.constant 0 : index
    %get3A_5 = tpu.vector_load %arg14[%get3A] {strides = array<i32>} : memref<16xf32, #tpu.memory_space<vmem>>, vector<16xf32>,
    %div3A = arith.constant 1.000000e+00 : f32
    %div3A_6 = vector.broadcast %div3A : f32 to vector<16xf32>
    %div3A_7 = arith.divf %div3A_6, %get3A_5 : vector<16xf32>
    %slice3A = vector.extract_strided_slice %get3A_5 {offsets = [0], sizes = [1], strides = [1]} : vector<16xf32> to vector<1xf32>
    %squeeze3A = vector.extract %slice3A[0] : f32 from vector<1xf32>
    %broadcast_in_dim3A = arith.constant 0.000000e+00 : f32
    %broadcast_in_dim3A_8 = vector.broadcast %broadcast_in_dim3A : f32 to vector<16xf32>
    %broadcast_in_dim3A_9 = arith.constant 0.000000e+00 : bf16
    %broadcast_in_dim3A_10 = vector.broadcast %broadcast_in_dim3A_9 : bf16 to vector<32xbf16>
    %broadcast_in_dim3A_11 = arith.constant 0xFF800000 : f32
    %broadcast_in_dim3A_12 = vector.broadcast %broadcast_in_dim3A_11 : f32 to vector<16xf32>
    %broadcast_in_dim3A_13 = arith.constant 0xFF80 : bf16
    %broadcast_in_dim3A_14 = vector.broadcast %broadcast_in_dim3A_13 : bf16 to vector<32xbf16>
    %parallel_loop3A = arith.constant 0 : i32
    %parallel_loop3A_15 = arith.constant 1024 : i32
    %parallel_loop3A_16 = arith.constant 1 : i32
    scf.for %parallel_loop3A_52 = %parallel_loop3A to %parallel_loop3A_15 step %parallel_loop3A_16  : i32 {
      %parallel_loop3A_53 = arith.constant 16 : i32
      %parallel_loop3A_54 = arith.muli %parallel_loop3A_52, %parallel_loop3A_53 : i32
      %parallel_loop3A_55 = arith.index_cast %parallel_loop3A_54 : i32 to index
      %parallel_loop3A_56 = tpu.vector_load %arg9[%parallel_loop3A_55] {strides = array<i32>} : memref<16384xf32, #tpu.memory_space<vmem>>, vector<16xf32>,
      %parallel_loop3A_57 = arith.mulf %parallel_loop3A_56, %get3A_5 : vector<16xf32>
      %parallel_loop3A_58 = tpu.pack_subelements %parallel_loop3A_57, %parallel_loop3A_57 {pack_format = #tpu.pack_format<interleaved>, positions = array<i32: 0, 1>} : vector<16xf32>, vector<16xf32> -> vector<32xbf16>
      %parallel_loop3A_59 = vector.bitcast %parallel_loop3A_58 : vector<32xbf16> to vector<16xf32>
      %parallel_loop3A_60 = arith.constant 16 : i32
      %parallel_loop3A_61 = arith.muli %parallel_loop3A_52, %parallel_loop3A_60 : i32
      %parallel_loop3A_62 = arith.index_cast %parallel_loop3A_61 : i32 to index
      %parallel_loop3A_63 = tpu.vector_load %arg9[%parallel_loop3A_62] {strides = array<i32>} : memref<16384xf32, #tpu.memory_space<vmem>>, vector<16xf32>,
      tpu.vector_store %arg9[%parallel_loop3A_62], %parallel_loop3A_59 {strides = array<i32>} : memref<16384xf32, #tpu.memory_space<vmem>>, vector<16xf32>,
    } {sc.loop_unroll_factor = 4 : i64, sc.parallel_access}
    %add3A_17 = arith.constant 0 : i32
    %add3A_18 = arith.addi %mul3A_2, %add3A_17 : i32
    %mul3A_19 = arith.constant 1024 : i32
    %mul3A_20 = arith.muli %add3A_18, %mul3A_19 : i32
    "tpu.region"() ({
      %run_scoped3A = tpu.sem_alloc : memref<!tpu.dma_semaphore, #tpu.memory_space<semaphore_mem>>
      %dma_start3A = tpu.memref_slice %arg2[%mul3A_20] : memref<2097152xf32, #tpu.memory_space<hbm>> -> memref<32768xf32, #tpu.memory_space<hbm>>
      %dma_start3A_52 = tpu.memref_slice %arg2[%mul3A_20] : memref<2097152xf32, #tpu.memory_space<hbm>> -> memref<32768xf32, #tpu.memory_space<hbm>>
      tpu.enqueue_dma source(%dma_start3A_52 : memref<32768xf32, #tpu.memory_space<hbm>>) target(%arg10 : memref<32768xf32, #tpu.memory_space<vmem>>) target_semaphore(%run_scoped3A : memref<!tpu.dma_semaphore, #tpu.memory_space<semaphore_mem>>)
      %dma_wait3A = tpu.memref_slice %arg2[%mul3A_20] : memref<2097152xf32, #tpu.memory_space<hbm>> -> memref<32768xf32, #tpu.memory_space<hbm>>
      %dma_wait3A_53 = tpu.memref_slice %arg2[%mul3A_20] : memref<2097152xf32, #tpu.memory_space<hbm>> -> memref<32768xf32, #tpu.memory_space<hbm>>
      tpu.wait_dma2 semaphore(%run_scoped3A : memref<!tpu.dma_semaphore, #tpu.memory_space<semaphore_mem>>) src(%dma_wait3A_53 : memref<32768xf32, #tpu.memory_space<hbm>>) dst(%arg10 : memref<32768xf32, #tpu.memory_space<vmem>>)
      tpu.yield
    }) : () -> ()
    %scan3A = arith.constant 0 : i32
    %scan3A_21 = arith.constant 16 : i32
    %scan3A_22 = arith.addi %scan3A, %scan3A_21 : i32
    %scan3A_23 = arith.constant 1 : i32
    %scan3A_24 = scf.for %scan3A_52 = %scan3A to %scan3A_22 step %scan3A_23 iter_args(%scan3A_53 = %broadcast_in_dim3A_8) -> (vector<16xf32>)  : i32 {
      %mul3A_54 = arith.constant 2 : i32
      %mul3A_55 = arith.muli %mul3A_54, %scan3A_52 : i32
      %add3A_56 = arith.constant 0 : i32
      %add3A_57 = arith.addi %add3A_56, %mul3A_55 : i32
      %mul3A_58 = arith.constant 16 : i32
      %mul3A_59 = arith.muli %add3A_57, %mul3A_58 : i32
      %get3A_60 = arith.index_cast %mul3A_59 : i32 to index
      %get3A_61 = tpu.vector_load %arg13[%get3A_60] {strides = array<i32>} : memref<1024xf32, #tpu.memory_space<vmem>>, vector<16xf32>,
      %mul3A_62 = arith.constant 2 : i32
      %mul3A_63 = arith.muli %mul3A_62, %scan3A_52 : i32
      %add3A_64 = arith.constant 0 : i32
      %add3A_65 = arith.addi %add3A_64, %mul3A_63 : i32
      %add3A_66 = arith.constant 1 : i32
      %add3A_67 = arith.addi %add3A_65, %add3A_66 : i32
      %mul3A_68 = arith.constant 16 : i32
      %mul3A_69 = arith.muli %add3A_67, %mul3A_68 : i32
      %get3A_70 = arith.index_cast %mul3A_69 : i32 to index
      %get3A_71 = tpu.vector_load %arg13[%get3A_70] {strides = array<i32>} : memref<1024xf32, #tpu.memory_space<vmem>>, vector<16xf32>,
      %parallel_loop3A_72 = arith.constant 0 : i32
      %parallel_loop3A_73 = arith.constant 64 : i32
      %parallel_loop3A_74 = arith.constant 1 : i32
      %parallel_loop3A_75 = scf.for %parallel_loop3A_76 = %parallel_loop3A_72 to %parallel_loop3A_73 step %parallel_loop3A_74 iter_args(%parallel_loop3A_77 = %scan3A_53) -> (vector<16xf32>)  : i32 {
        %parallel_loop3A_78 = arith.constant 2 : i32
        %parallel_loop3A_79 = arith.muli %parallel_loop3A_78, %scan3A_52 : i32
        %parallel_loop3A_80 = arith.constant 1024 : i32
        %parallel_loop3A_81 = arith.muli %parallel_loop3A_79, %parallel_loop3A_80 : i32
        %parallel_loop3A_82 = arith.constant 16 : i32
        %parallel_loop3A_83 = arith.muli %parallel_loop3A_76, %parallel_loop3A_82 : i32
        %parallel_loop3A_84 = arith.addi %parallel_loop3A_81, %parallel_loop3A_83 : i32
        %parallel_loop3A_85 = arith.index_cast %parallel_loop3A_84 : i32 to index
        %parallel_loop3A_86 = tpu.vector_load %arg10[%parallel_loop3A_85] {strides = array<i32>} : memref<32768xf32, #tpu.memory_space<vmem>>, vector<16xf32>,
        %parallel_loop3A_87 = arith.constant 2 : i32
        %parallel_loop3A_88 = arith.muli %parallel_loop3A_87, %scan3A_52 : i32
        %parallel_loop3A_89 = arith.constant 1 : i32
        %parallel_loop3A_90 = arith.addi %parallel_loop3A_88, %parallel_loop3A_89 : i32
        %parallel_loop3A_91 = arith.constant 1024 : i32
        %parallel_loop3A_92 = arith.muli %parallel_loop3A_90, %parallel_loop3A_91 : i32
        %parallel_loop3A_93 = arith.constant 16 : i32
        %parallel_loop3A_94 = arith.muli %parallel_loop3A_76, %parallel_loop3A_93 : i32
        %parallel_loop3A_95 = arith.addi %parallel_loop3A_92, %parallel_loop3A_94 : i32
        %parallel_loop3A_96 = arith.index_cast %parallel_loop3A_95 : i32 to index
        %parallel_loop3A_97 = tpu.vector_load %arg10[%parallel_loop3A_96] {strides = array<i32>} : memref<32768xf32, #tpu.memory_space<vmem>>, vector<16xf32>,
        %parallel_loop3A_98 = arith.subf %parallel_loop3A_86, %get3A_61 : vector<16xf32>
        %parallel_loop3A_99 = math.absf %parallel_loop3A_98 : vector<16xf32>
        %parallel_loop3A_100 = arith.subf %parallel_loop3A_97, %get3A_71 : vector<16xf32>
        %parallel_loop3A_101 = math.absf %parallel_loop3A_100 : vector<16xf32>
        %parallel_loop3A_102 = arith.cmpf olt, %parallel_loop3A_99, %get3A_5 : vector<16xf32>
        %parallel_loop3A_103 = arith.select %parallel_loop3A_102, %parallel_loop3A_86, %broadcast_in_dim3A_12 : vector<16xi1>, vector<16xf32>
        %parallel_loop3A_104 = arith.cmpf olt, %parallel_loop3A_101, %get3A_5 : vector<16xf32>
        %parallel_loop3A_105 = arith.select %parallel_loop3A_104, %parallel_loop3A_97, %broadcast_in_dim3A_12 : vector<16xi1>, vector<16xf32>
        %parallel_loop3A_106 = tpu.pack_subelements %parallel_loop3A_103, %parallel_loop3A_105 {pack_format = #tpu.pack_format<interleaved>, positions = array<i32: 0, 1>} : vector<16xf32>, vector<16xf32> -> vector<32xbf16>
        %parallel_loop3A_107 = vector.bitcast %parallel_loop3A_106 : vector<32xbf16> to vector<16xi32>
        %parallel_loop3A_108 = arith.constant 1024 : i32
        %parallel_loop3A_109 = arith.muli %scan3A_52, %parallel_loop3A_108 : i32
        %parallel_loop3A_110 = arith.constant 16 : i32
        %parallel_loop3A_111 = arith.muli %parallel_loop3A_76, %parallel_loop3A_110 : i32
        %parallel_loop3A_112 = arith.addi %parallel_loop3A_109, %parallel_loop3A_111 : i32
        %parallel_loop3A_113 = arith.index_cast %parallel_loop3A_112 : i32 to index
        %parallel_loop3A_114 = tpu.vector_load %arg11[%parallel_loop3A_113] {strides = array<i32>} : memref<16384xi32, #tpu.memory_space<vmem>>, vector<16xi32>,
        tpu.vector_store %arg11[%parallel_loop3A_113], %parallel_loop3A_107 {strides = array<i32>} : memref<16384xi32, #tpu.memory_space<vmem>>, vector<16xi32>,
        %parallel_loop3A_115 = arith.maximumf %parallel_loop3A_99, %parallel_loop3A_101 : vector<16xf32>
        %parallel_loop3A_116 = arith.maximumf %parallel_loop3A_77, %parallel_loop3A_115 : vector<16xf32>
        scf.yield %parallel_loop3A_116 : vector<16xf32>
      } {sc.loop_unroll_factor = 4 : i64, sc.parallel_access}
      scf.yield %parallel_loop3A_75 : vector<16xf32>
    }
    %scan3A_25 = arith.constant 16 : i32
    %reduce_max3A = arith.constant true
    %reduce_max3A_26 = vector.broadcast %reduce_max3A : i1 to vector<16xi1>
    %reduce_max3A_27 = tpu.scan <max>, %scan3A_24 masked %reduce_max3A_26 : vector<16xf32>, vector<16xi1> -> vector<16xf32>
    %reduce_max3A_28 = vector.extract %reduce_max3A_27[15] : f32 from vector<16xf32>
    %ge3A = arith.cmpf oge, %reduce_max3A_28, %squeeze3A : f32
    %convert_element_type3A = arith.extui %ge3A : i1 to i32
    %cond3A = arith.constant 0 : i32
    %cond3A_29 = arith.cmpi ne, %convert_element_type3A, %cond3A : i32
    scf.if %cond3A_29 {
      %scan3A_52 = arith.constant 0 : i32
      %scan3A_53 = arith.constant 0 : i32
      %scan3A_54 = arith.constant 64 : i32
      %scan3A_55 = arith.addi %scan3A_53, %scan3A_54 : i32
      %scan3A_56 = arith.constant 1 : i32
      %scan3A_57 = scf.for %scan3A_59 = %scan3A_53 to %scan3A_55 step %scan3A_56 iter_args(%scan3A_60 = %scan3A_52) -> (i32)  : i32 {
        %mul3A_61 = arith.constant 256 : i32
        %mul3A_62 = arith.muli %scan3A_59, %mul3A_61 : i32
        %add3A_63 = arith.constant 0 : i32
        %add3A_64 = arith.addi %mul3A_62, %add3A_63 : i32
        %get3A_65 = arith.index_cast %add3A_64 : i32 to index
        %get3A_66 = tpu.vector_load %arg8[%get3A_65] {strides = array<i32>} : memref<16384xi32, #tpu.memory_space<vmem>>, vector<16xi32>,
        %mul3A_67 = arith.constant 256 : i32
        %mul3A_68 = arith.muli %scan3A_59, %mul3A_67 : i32
        %add3A_69 = arith.constant 16 : i32
        %add3A_70 = arith.addi %mul3A_68, %add3A_69 : i32
        %get3A_71 = arith.index_cast %add3A_70 : i32 to index
        %get3A_72 = tpu.vector_load %arg8[%get3A_71] {strides = array<i32>} : memref<16384xi32, #tpu.memory_space<vmem>>, vector<16xi32>,
        %mul3A_73 = arith.constant 256 : i32
        %mul3A_74 = arith.muli %scan3A_59, %mul3A_73 : i32
        %add3A_75 = arith.constant 32 : i32
        %add3A_76 = arith.addi %mul3A_74, %add3A_75 : i32
        %get3A_77 = arith.index_cast %add3A_76 : i32 to index
        %get3A_78 = tpu.vector_load %arg8[%get3A_77] {strides = array<i32>} : memref<16384xi32, #tpu.memory_space<vmem>>, vector<16xi32>,
        %mul3A_79 = arith.constant 256 : i32
        %mul3A_80 = arith.muli %scan3A_59, %mul3A_79 : i32
        %add3A_81 = arith.constant 48 : i32
        %add3A_82 = arith.addi %mul3A_80, %add3A_81 : i32
        %get3A_83 = arith.index_cast %add3A_82 : i32 to index
        %get3A_84 = tpu.vector_load %arg8[%get3A_83] {strides = array<i32>} : memref<16384xi32, #tpu.memory_space<vmem>>, vector<16xi32>,
        %mul3A_85 = arith.constant 256 : i32
        %mul3A_86 = arith.muli %scan3A_59, %mul3A_85 : i32
        %add3A_87 = arith.constant 64 : i32
        %add3A_88 = arith.addi %mul3A_86, %add3A_87 : i32
        %get3A_89 = arith.index_cast %add3A_88 : i32 to index
        %get3A_90 = tpu.vector_load %arg8[%get3A_89] {strides = array<i32>} : memref<16384xi32, #tpu.memory_space<vmem>>, vector<16xi32>,
        %mul3A_91 = arith.constant 256 : i32
        %mul3A_92 = arith.muli %scan3A_59, %mul3A_91 : i32
        %add3A_93 = arith.constant 80 : i32
        %add3A_94 = arith.addi %mul3A_92, %add3A_93 : i32
        %get3A_95 = arith.index_cast %add3A_94 : i32 to index
        %get3A_96 = tpu.vector_load %arg8[%get3A_95] {strides = array<i32>} : memref<16384xi32, #tpu.memory_space<vmem>>, vector<16xi32>,
        %mul3A_97 = arith.constant 256 : i32
        %mul3A_98 = arith.muli %scan3A_59, %mul3A_97 : i32
        %add3A_99 = arith.constant 96 : i32
        %add3A_100 = arith.addi %mul3A_98, %add3A_99 : i32
        %get3A_101 = arith.index_cast %add3A_100 : i32 to index
        %get3A_102 = tpu.vector_load %arg8[%get3A_101] {strides = array<i32>} : memref<16384xi32, #tpu.memory_space<vmem>>, vector<16xi32>,
        %mul3A_103 = arith.constant 256 : i32
        %mul3A_104 = arith.muli %scan3A_59, %mul3A_103 : i32
        %add3A_105 = arith.constant 112 : i32
        %add3A_106 = arith.addi %mul3A_104, %add3A_105 : i32
        %get3A_107 = arith.index_cast %add3A_106 : i32 to index
        %get3A_108 = tpu.vector_load %arg8[%get3A_107] {strides = array<i32>} : memref<16384xi32, #tpu.memory_space<vmem>>, vector<16xi32>,
        %mul3A_109 = arith.constant 256 : i32
        %mul3A_110 = arith.muli %scan3A_59, %mul3A_109 : i32
        %add3A_111 = arith.constant 128 : i32
        %add3A_112 = arith.addi %mul3A_110, %add3A_111 : i32
        %get3A_113 = arith.index_cast %add3A_112 : i32 to index
        %get3A_114 = tpu.vector_load %arg8[%get3A_113] {strides = array<i32>} : memref<16384xi32, #tpu.memory_space<vmem>>, vector<16xi32>,
        %mul3A_115 = arith.constant 256 : i32
        %mul3A_116 = arith.muli %scan3A_59, %mul3A_115 : i32
        %add3A_117 = arith.constant 144 : i32
        %add3A_118 = arith.addi %mul3A_116, %add3A_117 : i32
        %get3A_119 = arith.index_cast %add3A_118 : i32 to index
        %get3A_120 = tpu.vector_load %arg8[%get3A_119] {strides = array<i32>} : memref<16384xi32, #tpu.memory_space<vmem>>, vector<16xi32>,
        %mul3A_121 = arith.constant 256 : i32
        %mul3A_122 = arith.muli %scan3A_59, %mul3A_121 : i32
        %add3A_123 = arith.constant 160 : i32
        %add3A_124 = arith.addi %mul3A_122, %add3A_123 : i32
        %get3A_125 = arith.index_cast %add3A_124 : i32 to index
        %get3A_126 = tpu.vector_load %arg8[%get3A_125] {strides = array<i32>} : memref<16384xi32, #tpu.memory_space<vmem>>, vector<16xi32>,
        %mul3A_127 = arith.constant 256 : i32
        %mul3A_128 = arith.muli %scan3A_59, %mul3A_127 : i32
        %add3A_129 = arith.constant 176 : i32
        %add3A_130 = arith.addi %mul3A_128, %add3A_129 : i32
        %get3A_131 = arith.index_cast %add3A_130 : i32 to index
        %get3A_132 = tpu.vector_load %arg8[%get3A_131] {strides = array<i32>} : memref<16384xi32, #tpu.memory_space<vmem>>, vector<16xi32>,
        %mul3A_133 = arith.constant 256 : i32
        %mul3A_134 = arith.muli %scan3A_59, %mul3A_133 : i32
        %add3A_135 = arith.constant 192 : i32
        %add3A_136 = arith.addi %mul3A_134, %add3A_135 : i32
        %get3A_137 = arith.index_cast %add3A_136 : i32 to index
        %get3A_138 = tpu.vector_load %arg8[%get3A_137] {strides = array<i32>} : memref<16384xi32, #tpu.memory_space<vmem>>, vector<16xi32>,
        %mul3A_139 = arith.constant 256 : i32
        %mul3A_140 = arith.muli %scan3A_59, %mul3A_139 : i32
        %add3A_141 = arith.constant 208 : i32
        %add3A_142 = arith.addi %mul3A_140, %add3A_141 : i32
        %get3A_143 = arith.index_cast %add3A_142 : i32 to index
        %get3A_144 = tpu.vector_load %arg8[%get3A_143] {strides = array<i32>} : memref<16384xi32, #tpu.memory_space<vmem>>, vector<16xi32>,
        %mul3A_145 = arith.constant 256 : i32
        %mul3A_146 = arith.muli %scan3A_59, %mul3A_145 : i32
        %add3A_147 = arith.constant 224 : i32
        %add3A_148 = arith.addi %mul3A_146, %add3A_147 : i32
        %get3A_149 = arith.index_cast %add3A_148 : i32 to index
        %get3A_150 = tpu.vector_load %arg8[%get3A_149] {strides = array<i32>} : memref<16384xi32, #tpu.memory_space<vmem>>, vector<16xi32>,
        %mul3A_151 = arith.constant 256 : i32
        %mul3A_152 = arith.muli %scan3A_59, %mul3A_151 : i32
        %add3A_153 = arith.constant 240 : i32
        %add3A_154 = arith.addi %mul3A_152, %add3A_153 : i32
        %get3A_155 = arith.index_cast %add3A_154 : i32 to index
        %get3A_156 = tpu.vector_load %arg8[%get3A_155] {strides = array<i32>} : memref<16384xi32, #tpu.memory_space<vmem>>, vector<16xi32>,
        %mul3A_157 = arith.constant 256 : i32
        %mul3A_158 = arith.muli %scan3A_59, %mul3A_157 : i32
        %add3A_159 = arith.constant 0 : i32
        %add3A_160 = arith.addi %mul3A_158, %add3A_159 : i32
        %get3A_161 = arith.index_cast %add3A_160 : i32 to index
        %get3A_162 = tpu.vector_load %arg9[%get3A_161] {strides = array<i32>} : memref<16384xf32, #tpu.memory_space<vmem>>, vector<16xf32>,
        %bitcast3A = vector.bitcast %get3A_162 : vector<16xf32> to vector<32xbf16>
        %mul3A_163 = arith.constant 256 : i32
        %mul3A_164 = arith.muli %scan3A_59, %mul3A_163 : i32
        %add3A_165 = arith.constant 16 : i32
        %add3A_166 = arith.addi %mul3A_164, %add3A_165 : i32
        %get3A_167 = arith.index_cast %add3A_166 : i32 to index
        %get3A_168 = tpu.vector_load %arg9[%get3A_167] {strides = array<i32>} : memref<16384xf32, #tpu.memory_space<vmem>>, vector<16xf32>,
        %bitcast3A_169 = vector.bitcast %get3A_168 : vector<16xf32> to vector<32xbf16>
        %mul3A_170 = arith.constant 256 : i32
        %mul3A_171 = arith.muli %scan3A_59, %mul3A_170 : i32
        %add3A_172 = arith.constant 32 : i32
        %add3A_173 = arith.addi %mul3A_171, %add3A_172 : i32
        %get3A_174 = arith.index_cast %add3A_173 : i32 to index
        %get3A_175 = tpu.vector_load %arg9[%get3A_174] {strides = array<i32>} : memref<16384xf32, #tpu.memory_space<vmem>>, vector<16xf32>,
        %bitcast3A_176 = vector.bitcast %get3A_175 : vector<16xf32> to vector<32xbf16>
        %mul3A_177 = arith.constant 256 : i32
        %mul3A_178 = arith.muli %scan3A_59, %mul3A_177 : i32
        %add3A_179 = arith.constant 48 : i32
        %add3A_180 = arith.addi %mul3A_178, %add3A_179 : i32
        %get3A_181 = arith.index_cast %add3A_180 : i32 to index
        %get3A_182 = tpu.vector_load %arg9[%get3A_181] {strides = array<i32>} : memref<16384xf32, #tpu.memory_space<vmem>>, vector<16xf32>,
        %bitcast3A_183 = vector.bitcast %get3A_182 : vector<16xf32> to vector<32xbf16>
        %mul3A_184 = arith.constant 256 : i32
        %mul3A_185 = arith.muli %scan3A_59, %mul3A_184 : i32
        %add3A_186 = arith.constant 64 : i32
        %add3A_187 = arith.addi %mul3A_185, %add3A_186 : i32
        %get3A_188 = arith.index_cast %add3A_187 : i32 to index
        %get3A_189 = tpu.vector_load %arg9[%get3A_188] {strides = array<i32>} : memref<16384xf32, #tpu.memory_space<vmem>>, vector<16xf32>,
        %bitcast3A_190 = vector.bitcast %get3A_189 : vector<16xf32> to vector<32xbf16>
        %mul3A_191 = arith.constant 256 : i32
        %mul3A_192 = arith.muli %scan3A_59, %mul3A_191 : i32
        %add3A_193 = arith.constant 80 : i32
        %add3A_194 = arith.addi %mul3A_192, %add3A_193 : i32
        %get3A_195 = arith.index_cast %add3A_194 : i32 to index
        %get3A_196 = tpu.vector_load %arg9[%get3A_195] {strides = array<i32>} : memref<16384xf32, #tpu.memory_space<vmem>>, vector<16xf32>,
        %bitcast3A_197 = vector.bitcast %get3A_196 : vector<16xf32> to vector<32xbf16>
        %mul3A_198 = arith.constant 256 : i32
        %mul3A_199 = arith.muli %scan3A_59, %mul3A_198 : i32
        %add3A_200 = arith.constant 96 : i32
        %add3A_201 = arith.addi %mul3A_199, %add3A_200 : i32
        %get3A_202 = arith.index_cast %add3A_201 : i32 to index
        %get3A_203 = tpu.vector_load %arg9[%get3A_202] {strides = array<i32>} : memref<16384xf32, #tpu.memory_space<vmem>>, vector<16xf32>,
        %bitcast3A_204 = vector.bitcast %get3A_203 : vector<16xf32> to vector<32xbf16>
        %mul3A_205 = arith.constant 256 : i32
        %mul3A_206 = arith.muli %scan3A_59, %mul3A_205 : i32
        %add3A_207 = arith.constant 112 : i32
        %add3A_208 = arith.addi %mul3A_206, %add3A_207 : i32
        %get3A_209 = arith.index_cast %add3A_208 : i32 to index
        %get3A_210 = tpu.vector_load %arg9[%get3A_209] {strides = array<i32>} : memref<16384xf32, #tpu.memory_space<vmem>>, vector<16xf32>,
        %bitcast3A_211 = vector.bitcast %get3A_210 : vector<16xf32> to vector<32xbf16>
        %mul3A_212 = arith.constant 256 : i32
        %mul3A_213 = arith.muli %scan3A_59, %mul3A_212 : i32
        %add3A_214 = arith.constant 128 : i32
        %add3A_215 = arith.addi %mul3A_213, %add3A_214 : i32
        %get3A_216 = arith.index_cast %add3A_215 : i32 to index
        %get3A_217 = tpu.vector_load %arg9[%get3A_216] {strides = array<i32>} : memref<16384xf32, #tpu.memory_space<vmem>>, vector<16xf32>,
        %bitcast3A_218 = vector.bitcast %get3A_217 : vector<16xf32> to vector<32xbf16>
        %mul3A_219 = arith.constant 256 : i32
        %mul3A_220 = arith.muli %scan3A_59, %mul3A_219 : i32
        %add3A_221 = arith.constant 144 : i32
        %add3A_222 = arith.addi %mul3A_220, %add3A_221 : i32
        %get3A_223 = arith.index_cast %add3A_222 : i32 to index
        %get3A_224 = tpu.vector_load %arg9[%get3A_223] {strides = array<i32>} : memref<16384xf32, #tpu.memory_space<vmem>>, vector<16xf32>,
        %bitcast3A_225 = vector.bitcast %get3A_224 : vector<16xf32> to vector<32xbf16>
        %mul3A_226 = arith.constant 256 : i32
        %mul3A_227 = arith.muli %scan3A_59, %mul3A_226 : i32
        %add3A_228 = arith.constant 160 : i32
        %add3A_229 = arith.addi %mul3A_227, %add3A_228 : i32
        %get3A_230 = arith.index_cast %add3A_229 : i32 to index
        %get3A_231 = tpu.vector_load %arg9[%get3A_230] {strides = array<i32>} : memref<16384xf32, #tpu.memory_space<vmem>>, vector<16xf32>,
        %bitcast3A_232 = vector.bitcast %get3A_231 : vector<16xf32> to vector<32xbf16>
        %mul3A_233 = arith.constant 256 : i32
        %mul3A_234 = arith.muli %scan3A_59, %mul3A_233 : i32
        %add3A_235 = arith.constant 176 : i32
        %add3A_236 = arith.addi %mul3A_234, %add3A_235 : i32
        %get3A_237 = arith.index_cast %add3A_236 : i32 to index
        %get3A_238 = tpu.vector_load %arg9[%get3A_237] {strides = array<i32>} : memref<16384xf32, #tpu.memory_space<vmem>>, vector<16xf32>,
        %bitcast3A_239 = vector.bitcast %get3A_238 : vector<16xf32> to vector<32xbf16>
        %mul3A_240 = arith.constant 256 : i32
        %mul3A_241 = arith.muli %scan3A_59, %mul3A_240 : i32
        %add3A_242 = arith.constant 192 : i32
        %add3A_243 = arith.addi %mul3A_241, %add3A_242 : i32
        %get3A_244 = arith.index_cast %add3A_243 : i32 to index
        %get3A_245 = tpu.vector_load %arg9[%get3A_244] {strides = array<i32>} : memref<16384xf32, #tpu.memory_space<vmem>>, vector<16xf32>,
        %bitcast3A_246 = vector.bitcast %get3A_245 : vector<16xf32> to vector<32xbf16>
        %mul3A_247 = arith.constant 256 : i32
        %mul3A_248 = arith.muli %scan3A_59, %mul3A_247 : i32
        %add3A_249 = arith.constant 208 : i32
        %add3A_250 = arith.addi %mul3A_248, %add3A_249 : i32
        %get3A_251 = arith.index_cast %add3A_250 : i32 to index
        %get3A_252 = tpu.vector_load %arg9[%get3A_251] {strides = array<i32>} : memref<16384xf32, #tpu.memory_space<vmem>>, vector<16xf32>,
        %bitcast3A_253 = vector.bitcast %get3A_252 : vector<16xf32> to vector<32xbf16>
        %mul3A_254 = arith.constant 256 : i32
        %mul3A_255 = arith.muli %scan3A_59, %mul3A_254 : i32
        %add3A_256 = arith.constant 224 : i32
        %add3A_257 = arith.addi %mul3A_255, %add3A_256 : i32
        %get3A_258 = arith.index_cast %add3A_257 : i32 to index
        %get3A_259 = tpu.vector_load %arg9[%get3A_258] {strides = array<i32>} : memref<16384xf32, #tpu.memory_space<vmem>>, vector<16xf32>,
        %bitcast3A_260 = vector.bitcast %get3A_259 : vector<16xf32> to vector<32xbf16>
        %mul3A_261 = arith.constant 256 : i32
        %mul3A_262 = arith.muli %scan3A_59, %mul3A_261 : i32
        %add3A_263 = arith.constant 240 : i32
        %add3A_264 = arith.addi %mul3A_262, %add3A_263 : i32
        %get3A_265 = arith.index_cast %add3A_264 : i32 to index
        %get3A_266 = tpu.vector_load %arg9[%get3A_265] {strides = array<i32>} : memref<16384xf32, #tpu.memory_space<vmem>>, vector<16xf32>,
        %bitcast3A_267 = vector.bitcast %get3A_266 : vector<16xf32> to vector<32xbf16>
        %parallel_loop3A_268 = arith.constant 0 : i32
        %parallel_loop3A_269 = arith.constant 16 : i32
        %parallel_loop3A_270 = arith.constant 1 : i32
        scf.for %parallel_loop3A_272 = %parallel_loop3A_268 to %parallel_loop3A_269 step %parallel_loop3A_270  : i32 {
          %parallel_loop3A_273 = arith.constant 1024 : i32
          %parallel_loop3A_274 = arith.muli %parallel_loop3A_272, %parallel_loop3A_273 : i32
          %parallel_loop3A_275 = tpu.memref_slice %arg11[%parallel_loop3A_274] : memref<16384xi32, #tpu.memory_space<vmem>> -> memref<1024xi32, #tpu.memory_space<vmem>>
          %parallel_loop3A_276 = tpu.vector_load_idx %parallel_loop3A_275[%get3A_66] : memref<1024xi32, #tpu.memory_space<vmem>>[vector<16xi32>], vector<16xi32>,
          %parallel_loop3A_277 = vector.bitcast %parallel_loop3A_276 : vector<16xi32> to vector<32xbf16>
          %parallel_loop3A_278 = arith.addf %parallel_loop3A_277, %bitcast3A : vector<32xbf16>
          %parallel_loop3A_279 = arith.cmpf oeq, %parallel_loop3A_277, %broadcast_in_dim3A_14 : vector<32xbf16>
          %parallel_loop3A_280 = arith.select %parallel_loop3A_279, %broadcast_in_dim3A_10, %parallel_loop3A_278 : vector<32xi1>, vector<32xbf16>
          %parallel_loop3A_281 = tpu.memref_slice %arg11[%parallel_loop3A_274] : memref<16384xi32, #tpu.memory_space<vmem>> -> memref<1024xi32, #tpu.memory_space<vmem>>
          %parallel_loop3A_282 = tpu.vector_load_idx %parallel_loop3A_281[%get3A_72] : memref<1024xi32, #tpu.memory_space<vmem>>[vector<16xi32>], vector<16xi32>,
          %parallel_loop3A_283 = vector.bitcast %parallel_loop3A_282 : vector<16xi32> to vector<32xbf16>
          %parallel_loop3A_284 = arith.addf %parallel_loop3A_283, %bitcast3A_169 : vector<32xbf16>
          %parallel_loop3A_285 = arith.cmpf oeq, %parallel_loop3A_283, %broadcast_in_dim3A_14 : vector<32xbf16>
          %parallel_loop3A_286 = arith.select %parallel_loop3A_285, %broadcast_in_dim3A_10, %parallel_loop3A_284 : vector<32xi1>, vector<32xbf16>
          %parallel_loop3A_287 = tpu.memref_slice %arg11[%parallel_loop3A_274] : memref<16384xi32, #tpu.memory_space<vmem>> -> memref<1024xi32, #tpu.memory_space<vmem>>
          %parallel_loop3A_288 = tpu.vector_load_idx %parallel_loop3A_287[%get3A_78] : memref<1024xi32, #tpu.memory_space<vmem>>[vector<16xi32>], vector<16xi32>,
          %parallel_loop3A_289 = vector.bitcast %parallel_loop3A_288 : vector<16xi32> to vector<32xbf16>
          %parallel_loop3A_290 = arith.addf %parallel_loop3A_289, %bitcast3A_176 : vector<32xbf16>
          %parallel_loop3A_291 = arith.cmpf oeq, %parallel_loop3A_289, %broadcast_in_dim3A_14 : vector<32xbf16>
          %parallel_loop3A_292 = arith.select %parallel_loop3A_291, %broadcast_in_dim3A_10, %parallel_loop3A_290 : vector<32xi1>, vector<32xbf16>
          %parallel_loop3A_293 = tpu.memref_slice %arg11[%parallel_loop3A_274] : memref<16384xi32, #tpu.memory_space<vmem>> -> memref<1024xi32, #tpu.memory_space<vmem>>
          %parallel_loop3A_294 = tpu.vector_load_idx %parallel_loop3A_293[%get3A_84] : memref<1024xi32, #tpu.memory_space<vmem>>[vector<16xi32>], vector<16xi32>,
          %parallel_loop3A_295 = vector.bitcast %parallel_loop3A_294 : vector<16xi32> to vector<32xbf16>
          %parallel_loop3A_296 = arith.addf %parallel_loop3A_295, %bitcast3A_183 : vector<32xbf16>
          %parallel_loop3A_297 = arith.cmpf oeq, %parallel_loop3A_295, %broadcast_in_dim3A_14 : vector<32xbf16>
          %parallel_loop3A_298 = arith.select %parallel_loop3A_297, %broadcast_in_dim3A_10, %parallel_loop3A_296 : vector<32xi1>, vector<32xbf16>
          %parallel_loop3A_299 = tpu.memref_slice %arg11[%parallel_loop3A_274] : memref<16384xi32, #tpu.memory_space<vmem>> -> memref<1024xi32, #tpu.memory_space<vmem>>
          %parallel_loop3A_300 = tpu.vector_load_idx %parallel_loop3A_299[%get3A_90] : memref<1024xi32, #tpu.memory_space<vmem>>[vector<16xi32>], vector<16xi32>,
          %parallel_loop3A_301 = vector.bitcast %parallel_loop3A_300 : vector<16xi32> to vector<32xbf16>
          %parallel_loop3A_302 = arith.addf %parallel_loop3A_301, %bitcast3A_190 : vector<32xbf16>
          %parallel_loop3A_303 = arith.cmpf oeq, %parallel_loop3A_301, %broadcast_in_dim3A_14 : vector<32xbf16>
          %parallel_loop3A_304 = arith.select %parallel_loop3A_303, %broadcast_in_dim3A_10, %parallel_loop3A_302 : vector<32xi1>, vector<32xbf16>
          %parallel_loop3A_305 = arith.maximumf %parallel_loop3A_280, %parallel_loop3A_304 : vector<32xbf16>
          %parallel_loop3A_306 = tpu.memref_slice %arg11[%parallel_loop3A_274] : memref<16384xi32, #tpu.memory_space<vmem>> -> memref<1024xi32, #tpu.memory_space<vmem>>
          %parallel_loop3A_307 = tpu.vector_load_idx %parallel_loop3A_306[%get3A_96] : memref<1024xi32, #tpu.memory_space<vmem>>[vector<16xi32>], vector<16xi32>,
          %parallel_loop3A_308 = vector.bitcast %parallel_loop3A_307 : vector<16xi32> to vector<32xbf16>
          %parallel_loop3A_309 = arith.addf %parallel_loop3A_308, %bitcast3A_197 : vector<32xbf16>
          %parallel_loop3A_310 = arith.cmpf oeq, %parallel_loop3A_308, %broadcast_in_dim3A_14 : vector<32xbf16>
          %parallel_loop3A_311 = arith.select %parallel_loop3A_310, %broadcast_in_dim3A_10, %parallel_loop3A_309 : vector<32xi1>, vector<32xbf16>
          %parallel_loop3A_312 = arith.maximumf %parallel_loop3A_286, %parallel_loop3A_311 : vector<32xbf16>
          %parallel_loop3A_313 = tpu.memref_slice %arg11[%parallel_loop3A_274] : memref<16384xi32, #tpu.memory_space<vmem>> -> memref<1024xi32, #tpu.memory_space<vmem>>
          %parallel_loop3A_314 = tpu.vector_load_idx %parallel_loop3A_313[%get3A_102] : memref<1024xi32, #tpu.memory_space<vmem>>[vector<16xi32>], vector<16xi32>,
          %parallel_loop3A_315 = vector.bitcast %parallel_loop3A_314 : vector<16xi32> to vector<32xbf16>
          %parallel_loop3A_316 = arith.addf %parallel_loop3A_315, %bitcast3A_204 : vector<32xbf16>
          %parallel_loop3A_317 = arith.cmpf oeq, %parallel_loop3A_315, %broadcast_in_dim3A_14 : vector<32xbf16>
          %parallel_loop3A_318 = arith.select %parallel_loop3A_317, %broadcast_in_dim3A_10, %parallel_loop3A_316 : vector<32xi1>, vector<32xbf16>
          %parallel_loop3A_319 = arith.maximumf %parallel_loop3A_292, %parallel_loop3A_318 : vector<32xbf16>
          %parallel_loop3A_320 = tpu.memref_slice %arg11[%parallel_loop3A_274] : memref<16384xi32, #tpu.memory_space<vmem>> -> memref<1024xi32, #tpu.memory_space<vmem>>
          %parallel_loop3A_321 = tpu.vector_load_idx %parallel_loop3A_320[%get3A_108] : memref<1024xi32, #tpu.memory_space<vmem>>[vector<16xi32>], vector<16xi32>,
          %parallel_loop3A_322 = vector.bitcast %parallel_loop3A_321 : vector<16xi32> to vector<32xbf16>
          %parallel_loop3A_323 = arith.addf %parallel_loop3A_322, %bitcast3A_211 : vector<32xbf16>
          %parallel_loop3A_324 = arith.cmpf oeq, %parallel_loop3A_322, %broadcast_in_dim3A_14 : vector<32xbf16>
          %parallel_loop3A_325 = arith.select %parallel_loop3A_324, %broadcast_in_dim3A_10, %parallel_loop3A_323 : vector<32xi1>, vector<32xbf16>
          %parallel_loop3A_326 = arith.maximumf %parallel_loop3A_298, %parallel_loop3A_325 : vector<32xbf16>
          %parallel_loop3A_327 = tpu.memref_slice %arg11[%parallel_loop3A_274] : memref<16384xi32, #tpu.memory_space<vmem>> -> memref<1024xi32, #tpu.memory_space<vmem>>
          %parallel_loop3A_328 = tpu.vector_load_idx %parallel_loop3A_327[%get3A_114] : memref<1024xi32, #tpu.memory_space<vmem>>[vector<16xi32>], vector<16xi32>,
          %parallel_loop3A_329 = vector.bitcast %parallel_loop3A_328 : vector<16xi32> to vector<32xbf16>
          %parallel_loop3A_330 = arith.addf %parallel_loop3A_329, %bitcast3A_218 : vector<32xbf16>
          %parallel_loop3A_331 = arith.cmpf oeq, %parallel_loop3A_329, %broadcast_in_dim3A_14 : vector<32xbf16>
          %parallel_loop3A_332 = arith.select %parallel_loop3A_331, %broadcast_in_dim3A_10, %parallel_loop3A_330 : vector<32xi1>, vector<32xbf16>
          %parallel_loop3A_333 = arith.maximumf %parallel_loop3A_305, %parallel_loop3A_332 : vector<32xbf16>
          %parallel_loop3A_334 = tpu.memref_slice %arg11[%parallel_loop3A_274] : memref<16384xi32, #tpu.memory_space<vmem>> -> memref<1024xi32, #tpu.memory_space<vmem>>
          %parallel_loop3A_335 = tpu.vector_load_idx %parallel_loop3A_334[%get3A_120] : memref<1024xi32, #tpu.memory_space<vmem>>[vector<16xi32>], vector<16xi32>,
          %parallel_loop3A_336 = vector.bitcast %parallel_loop3A_335 : vector<16xi32> to vector<32xbf16>
          %parallel_loop3A_337 = arith.addf %parallel_loop3A_336, %bitcast3A_225 : vector<32xbf16>
          %parallel_loop3A_338 = arith.cmpf oeq, %parallel_loop3A_336, %broadcast_in_dim3A_14 : vector<32xbf16>
          %parallel_loop3A_339 = arith.select %parallel_loop3A_338, %broadcast_in_dim3A_10, %parallel_loop3A_337 : vector<32xi1>, vector<32xbf16>
          %parallel_loop3A_340 = arith.maximumf %parallel_loop3A_312, %parallel_loop3A_339 : vector<32xbf16>
          %parallel_loop3A_341 = tpu.memref_slice %arg11[%parallel_loop3A_274] : memref<16384xi32, #tpu.memory_space<vmem>> -> memref<1024xi32, #tpu.memory_space<vmem>>
          %parallel_loop3A_342 = tpu.vector_load_idx %parallel_loop3A_341[%get3A_126] : memref<1024xi32, #tpu.memory_space<vmem>>[vector<16xi32>], vector<16xi32>,
          %parallel_loop3A_343 = vector.bitcast %parallel_loop3A_342 : vector<16xi32> to vector<32xbf16>
          %parallel_loop3A_344 = arith.addf %parallel_loop3A_343, %bitcast3A_232 : vector<32xbf16>
          %parallel_loop3A_345 = arith.cmpf oeq, %parallel_loop3A_343, %broadcast_in_dim3A_14 : vector<32xbf16>
          %parallel_loop3A_346 = arith.select %parallel_loop3A_345, %broadcast_in_dim3A_10, %parallel_loop3A_344 : vector<32xi1>, vector<32xbf16>
          %parallel_loop3A_347 = arith.maximumf %parallel_loop3A_319, %parallel_loop3A_346 : vector<32xbf16>
          %parallel_loop3A_348 = tpu.memref_slice %arg11[%parallel_loop3A_274] : memref<16384xi32, #tpu.memory_space<vmem>> -> memref<1024xi32, #tpu.memory_space<vmem>>
          %parallel_loop3A_349 = tpu.vector_load_idx %parallel_loop3A_348[%get3A_132] : memref<1024xi32, #tpu.memory_space<vmem>>[vector<16xi32>], vector<16xi32>,
          %parallel_loop3A_350 = vector.bitcast %parallel_loop3A_349 : vector<16xi32> to vector<32xbf16>
          %parallel_loop3A_351 = arith.addf %parallel_loop3A_350, %bitcast3A_239 : vector<32xbf16>
          %parallel_loop3A_352 = arith.cmpf oeq, %parallel_loop3A_350, %broadcast_in_dim3A_14 : vector<32xbf16>
          %parallel_loop3A_353 = arith.select %parallel_loop3A_352, %broadcast_in_dim3A_10, %parallel_loop3A_351 : vector<32xi1>, vector<32xbf16>
          %parallel_loop3A_354 = arith.maximumf %parallel_loop3A_326, %parallel_loop3A_353 : vector<32xbf16>
          %parallel_loop3A_355 = tpu.memref_slice %arg11[%parallel_loop3A_274] : memref<16384xi32, #tpu.memory_space<vmem>> -> memref<1024xi32, #tpu.memory_space<vmem>>
          %parallel_loop3A_356 = tpu.vector_load_idx %parallel_loop3A_355[%get3A_138] : memref<1024xi32, #tpu.memory_space<vmem>>[vector<16xi32>], vector<16xi32>,
          %parallel_loop3A_357 = vector.bitcast %parallel_loop3A_356 : vector<16xi32> to vector<32xbf16>
          %parallel_loop3A_358 = arith.addf %parallel_loop3A_357, %bitcast3A_246 : vector<32xbf16>
          %parallel_loop3A_359 = arith.cmpf oeq, %parallel_loop3A_357, %broadcast_in_dim3A_14 : vector<32xbf16>
          %parallel_loop3A_360 = arith.select %parallel_loop3A_359, %broadcast_in_dim3A_10, %parallel_loop3A_358 : vector<32xi1>, vector<32xbf16>
          %parallel_loop3A_361 = arith.maximumf %parallel_loop3A_333, %parallel_loop3A_360 : vector<32xbf16>
          %parallel_loop3A_362 = tpu.memref_slice %arg11[%parallel_loop3A_274] : memref<16384xi32, #tpu.memory_space<vmem>> -> memref<1024xi32, #tpu.memory_space<vmem>>
          %parallel_loop3A_363 = tpu.vector_load_idx %parallel_loop3A_362[%get3A_144] : memref<1024xi32, #tpu.memory_space<vmem>>[vector<16xi32>], vector<16xi32>,
          %parallel_loop3A_364 = vector.bitcast %parallel_loop3A_363 : vector<16xi32> to vector<32xbf16>
          %parallel_loop3A_365 = arith.addf %parallel_loop3A_364, %bitcast3A_253 : vector<32xbf16>
          %parallel_loop3A_366 = arith.cmpf oeq, %parallel_loop3A_364, %broadcast_in_dim3A_14 : vector<32xbf16>
          %parallel_loop3A_367 = arith.select %parallel_loop3A_366, %broadcast_in_dim3A_10, %parallel_loop3A_365 : vector<32xi1>, vector<32xbf16>
          %parallel_loop3A_368 = arith.maximumf %parallel_loop3A_340, %parallel_loop3A_367 : vector<32xbf16>
          %parallel_loop3A_369 = tpu.memref_slice %arg11[%parallel_loop3A_274] : memref<16384xi32, #tpu.memory_space<vmem>> -> memref<1024xi32, #tpu.memory_space<vmem>>
          %parallel_loop3A_370 = tpu.vector_load_idx %parallel_loop3A_369[%get3A_150] : memref<1024xi32, #tpu.memory_space<vmem>>[vector<16xi32>], vector<16xi32>,
          %parallel_loop3A_371 = vector.bitcast %parallel_loop3A_370 : vector<16xi32> to vector<32xbf16>
          %parallel_loop3A_372 = arith.addf %parallel_loop3A_371, %bitcast3A_260 : vector<32xbf16>
          %parallel_loop3A_373 = arith.cmpf oeq, %parallel_loop3A_371, %broadcast_in_dim3A_14 : vector<32xbf16>
          %parallel_loop3A_374 = arith.select %parallel_loop3A_373, %broadcast_in_dim3A_10, %parallel_loop3A_372 : vector<32xi1>, vector<32xbf16>
          %parallel_loop3A_375 = arith.maximumf %parallel_loop3A_347, %parallel_loop3A_374 : vector<32xbf16>
          %parallel_loop3A_376 = tpu.memref_slice %arg11[%parallel_loop3A_274] : memref<16384xi32, #tpu.memory_space<vmem>> -> memref<1024xi32, #tpu.memory_space<vmem>>
          %parallel_loop3A_377 = tpu.vector_load_idx %parallel_loop3A_376[%get3A_156] : memref<1024xi32, #tpu.memory_space<vmem>>[vector<16xi32>], vector<16xi32>,
          %parallel_loop3A_378 = vector.bitcast %parallel_loop3A_377 : vector<16xi32> to vector<32xbf16>
          %parallel_loop3A_379 = arith.addf %parallel_loop3A_378, %bitcast3A_267 : vector<32xbf16>
          %parallel_loop3A_380 = arith.cmpf oeq, %parallel_loop3A_378, %broadcast_in_dim3A_14 : vector<32xbf16>
          %parallel_loop3A_381 = arith.select %parallel_loop3A_380, %broadcast_in_dim3A_10, %parallel_loop3A_379 : vector<32xi1>, vector<32xbf16>
          %parallel_loop3A_382 = arith.maximumf %parallel_loop3A_354, %parallel_loop3A_381 : vector<32xbf16>
          %parallel_loop3A_383 = arith.maximumf %parallel_loop3A_361, %parallel_loop3A_368 : vector<32xbf16>
          %parallel_loop3A_384 = arith.maximumf %parallel_loop3A_375, %parallel_loop3A_382 : vector<32xbf16>
          %parallel_loop3A_385 = arith.maximumf %parallel_loop3A_383, %parallel_loop3A_384 : vector<32xbf16>
          %parallel_loop3A_386 = tpu.unpack_subelements %parallel_loop3A_385, 0 {pack_format = #tpu.pack_format<interleaved>} : vector<32xbf16> -> vector<16xf32>
          %parallel_loop3A_387 = tpu.unpack_subelements %parallel_loop3A_385, 1 {pack_format = #tpu.pack_format<interleaved>} : vector<32xbf16> -> vector<16xf32>
          %parallel_loop3A_388 = arith.constant 2 : i32
          %parallel_loop3A_389 = arith.muli %parallel_loop3A_388, %parallel_loop3A_272 : i32
          %parallel_loop3A_390 = arith.constant 1024 : i32
          %parallel_loop3A_391 = arith.muli %parallel_loop3A_389, %parallel_loop3A_390 : i32
          %parallel_loop3A_392 = arith.constant 16 : i32
          %parallel_loop3A_393 = arith.muli %scan3A_59, %parallel_loop3A_392 : i32
          %parallel_loop3A_394 = arith.addi %parallel_loop3A_391, %parallel_loop3A_393 : i32
          %parallel_loop3A_395 = arith.mulf %parallel_loop3A_386, %div3A_7 : vector<16xf32>
          %parallel_loop3A_396 = arith.index_cast %parallel_loop3A_394 : i32 to index
          %parallel_loop3A_397 = tpu.vector_load %arg12[%parallel_loop3A_396] {strides = array<i32>} : memref<32768xf32, #tpu.memory_space<vmem>>, vector<16xf32>,
          tpu.vector_store %arg12[%parallel_loop3A_396], %parallel_loop3A_395 {strides = array<i32>} : memref<32768xf32, #tpu.memory_space<vmem>>, vector<16xf32>,
          %parallel_loop3A_398 = arith.mulf %parallel_loop3A_387, %div3A_7 : vector<16xf32>
          %parallel_loop3A_399 = arith.constant 1024 : i32
          %parallel_loop3A_400 = arith.addi %parallel_loop3A_394, %parallel_loop3A_399 : i32
          %parallel_loop3A_401 = arith.index_cast %parallel_loop3A_400 : i32 to index
          %parallel_loop3A_402 = tpu.vector_load %arg12[%parallel_loop3A_401] {strides = array<i32>} : memref<32768xf32, #tpu.memory_space<vmem>>, vector<16xf32>,
          tpu.vector_store %arg12[%parallel_loop3A_401], %parallel_loop3A_398 {strides = array<i32>} : memref<32768xf32, #tpu.memory_space<vmem>>, vector<16xf32>,
        } {sc.loop_unroll_factor = 2 : i64, sc.parallel_access}
        %scan3A_271 = arith.constant 0 : i32
        scf.yield %scan3A_271 : i32
      }
      %scan3A_58 = arith.constant 64 : i32
    } else {
      %scan3A_52 = arith.constant 0 : i32
      %scan3A_53 = arith.constant 0 : i32
      %scan3A_54 = arith.constant 64 : i32
      %scan3A_55 = arith.addi %scan3A_53, %scan3A_54 : i32
      %scan3A_56 = arith.constant 1 : i32
      %scan3A_57 = scf.for %scan3A_59 = %scan3A_53 to %scan3A_55 step %scan3A_56 iter_args(%scan3A_60 = %scan3A_52) -> (i32)  : i32 {
        %mul3A_61 = arith.constant 256 : i32
        %mul3A_62 = arith.muli %scan3A_59, %mul3A_61 : i32
        %add3A_63 = arith.constant 0 : i32
        %add3A_64 = arith.addi %mul3A_62, %add3A_63 : i32
        %get3A_65 = arith.index_cast %add3A_64 : i32 to index
        %get3A_66 = tpu.vector_load %arg8[%get3A_65] {strides = array<i32>} : memref<16384xi32, #tpu.memory_space<vmem>>, vector<16xi32>,
        %mul3A_67 = arith.constant 256 : i32
        %mul3A_68 = arith.muli %scan3A_59, %mul3A_67 : i32
        %add3A_69 = arith.constant 16 : i32
        %add3A_70 = arith.addi %mul3A_68, %add3A_69 : i32
        %get3A_71 = arith.index_cast %add3A_70 : i32 to index
        %get3A_72 = tpu.vector_load %arg8[%get3A_71] {strides = array<i32>} : memref<16384xi32, #tpu.memory_space<vmem>>, vector<16xi32>,
        %mul3A_73 = arith.constant 256 : i32
        %mul3A_74 = arith.muli %scan3A_59, %mul3A_73 : i32
        %add3A_75 = arith.constant 32 : i32
        %add3A_76 = arith.addi %mul3A_74, %add3A_75 : i32
        %get3A_77 = arith.index_cast %add3A_76 : i32 to index
        %get3A_78 = tpu.vector_load %arg8[%get3A_77] {strides = array<i32>} : memref<16384xi32, #tpu.memory_space<vmem>>, vector<16xi32>,
        %mul3A_79 = arith.constant 256 : i32
        %mul3A_80 = arith.muli %scan3A_59, %mul3A_79 : i32
        %add3A_81 = arith.constant 48 : i32
        %add3A_82 = arith.addi %mul3A_80, %add3A_81 : i32
        %get3A_83 = arith.index_cast %add3A_82 : i32 to index
        %get3A_84 = tpu.vector_load %arg8[%get3A_83] {strides = array<i32>} : memref<16384xi32, #tpu.memory_space<vmem>>, vector<16xi32>,
        %mul3A_85 = arith.constant 256 : i32
        %mul3A_86 = arith.muli %scan3A_59, %mul3A_85 : i32
        %add3A_87 = arith.constant 64 : i32
        %add3A_88 = arith.addi %mul3A_86, %add3A_87 : i32
        %get3A_89 = arith.index_cast %add3A_88 : i32 to index
        %get3A_90 = tpu.vector_load %arg8[%get3A_89] {strides = array<i32>} : memref<16384xi32, #tpu.memory_space<vmem>>, vector<16xi32>,
        %mul3A_91 = arith.constant 256 : i32
        %mul3A_92 = arith.muli %scan3A_59, %mul3A_91 : i32
        %add3A_93 = arith.constant 80 : i32
        %add3A_94 = arith.addi %mul3A_92, %add3A_93 : i32
        %get3A_95 = arith.index_cast %add3A_94 : i32 to index
        %get3A_96 = tpu.vector_load %arg8[%get3A_95] {strides = array<i32>} : memref<16384xi32, #tpu.memory_space<vmem>>, vector<16xi32>,
        %mul3A_97 = arith.constant 256 : i32
        %mul3A_98 = arith.muli %scan3A_59, %mul3A_97 : i32
        %add3A_99 = arith.constant 96 : i32
        %add3A_100 = arith.addi %mul3A_98, %add3A_99 : i32
        %get3A_101 = arith.index_cast %add3A_100 : i32 to index
        %get3A_102 = tpu.vector_load %arg8[%get3A_101] {strides = array<i32>} : memref<16384xi32, #tpu.memory_space<vmem>>, vector<16xi32>,
        %mul3A_103 = arith.constant 256 : i32
        %mul3A_104 = arith.muli %scan3A_59, %mul3A_103 : i32
        %add3A_105 = arith.constant 112 : i32
        %add3A_106 = arith.addi %mul3A_104, %add3A_105 : i32
        %get3A_107 = arith.index_cast %add3A_106 : i32 to index
        %get3A_108 = tpu.vector_load %arg8[%get3A_107] {strides = array<i32>} : memref<16384xi32, #tpu.memory_space<vmem>>, vector<16xi32>,
        %mul3A_109 = arith.constant 256 : i32
        %mul3A_110 = arith.muli %scan3A_59, %mul3A_109 : i32
        %add3A_111 = arith.constant 128 : i32
        %add3A_112 = arith.addi %mul3A_110, %add3A_111 : i32
        %get3A_113 = arith.index_cast %add3A_112 : i32 to index
        %get3A_114 = tpu.vector_load %arg8[%get3A_113] {strides = array<i32>} : memref<16384xi32, #tpu.memory_space<vmem>>, vector<16xi32>,
        %mul3A_115 = arith.constant 256 : i32
        %mul3A_116 = arith.muli %scan3A_59, %mul3A_115 : i32
        %add3A_117 = arith.constant 144 : i32
        %add3A_118 = arith.addi %mul3A_116, %add3A_117 : i32
        %get3A_119 = arith.index_cast %add3A_118 : i32 to index
        %get3A_120 = tpu.vector_load %arg8[%get3A_119] {strides = array<i32>} : memref<16384xi32, #tpu.memory_space<vmem>>, vector<16xi32>,
        %mul3A_121 = arith.constant 256 : i32
        %mul3A_122 = arith.muli %scan3A_59, %mul3A_121 : i32
        %add3A_123 = arith.constant 160 : i32
        %add3A_124 = arith.addi %mul3A_122, %add3A_123 : i32
        %get3A_125 = arith.index_cast %add3A_124 : i32 to index
        %get3A_126 = tpu.vector_load %arg8[%get3A_125] {strides = array<i32>} : memref<16384xi32, #tpu.memory_space<vmem>>, vector<16xi32>,
        %mul3A_127 = arith.constant 256 : i32
        %mul3A_128 = arith.muli %scan3A_59, %mul3A_127 : i32
        %add3A_129 = arith.constant 176 : i32
        %add3A_130 = arith.addi %mul3A_128, %add3A_129 : i32
        %get3A_131 = arith.index_cast %add3A_130 : i32 to index
        %get3A_132 = tpu.vector_load %arg8[%get3A_131] {strides = array<i32>} : memref<16384xi32, #tpu.memory_space<vmem>>, vector<16xi32>,
        %mul3A_133 = arith.constant 256 : i32
        %mul3A_134 = arith.muli %scan3A_59, %mul3A_133 : i32
        %add3A_135 = arith.constant 192 : i32
        %add3A_136 = arith.addi %mul3A_134, %add3A_135 : i32
        %get3A_137 = arith.index_cast %add3A_136 : i32 to index
        %get3A_138 = tpu.vector_load %arg8[%get3A_137] {strides = array<i32>} : memref<16384xi32, #tpu.memory_space<vmem>>, vector<16xi32>,
        %mul3A_139 = arith.constant 256 : i32
        %mul3A_140 = arith.muli %scan3A_59, %mul3A_139 : i32
        %add3A_141 = arith.constant 208 : i32
        %add3A_142 = arith.addi %mul3A_140, %add3A_141 : i32
        %get3A_143 = arith.index_cast %add3A_142 : i32 to index
        %get3A_144 = tpu.vector_load %arg8[%get3A_143] {strides = array<i32>} : memref<16384xi32, #tpu.memory_space<vmem>>, vector<16xi32>,
        %mul3A_145 = arith.constant 256 : i32
        %mul3A_146 = arith.muli %scan3A_59, %mul3A_145 : i32
        %add3A_147 = arith.constant 224 : i32
        %add3A_148 = arith.addi %mul3A_146, %add3A_147 : i32
        %get3A_149 = arith.index_cast %add3A_148 : i32 to index
        %get3A_150 = tpu.vector_load %arg8[%get3A_149] {strides = array<i32>} : memref<16384xi32, #tpu.memory_space<vmem>>, vector<16xi32>,
        %mul3A_151 = arith.constant 256 : i32
        %mul3A_152 = arith.muli %scan3A_59, %mul3A_151 : i32
        %add3A_153 = arith.constant 240 : i32
        %add3A_154 = arith.addi %mul3A_152, %add3A_153 : i32
        %get3A_155 = arith.index_cast %add3A_154 : i32 to index
        %get3A_156 = tpu.vector_load %arg8[%get3A_155] {strides = array<i32>} : memref<16384xi32, #tpu.memory_space<vmem>>, vector<16xi32>,
        %mul3A_157 = arith.constant 256 : i32
        %mul3A_158 = arith.muli %scan3A_59, %mul3A_157 : i32
        %add3A_159 = arith.constant 0 : i32
        %add3A_160 = arith.addi %mul3A_158, %add3A_159 : i32
        %get3A_161 = arith.index_cast %add3A_160 : i32 to index
        %get3A_162 = tpu.vector_load %arg9[%get3A_161] {strides = array<i32>} : memref<16384xf32, #tpu.memory_space<vmem>>, vector<16xf32>,
        %bitcast3A = vector.bitcast %get3A_162 : vector<16xf32> to vector<32xbf16>
        %mul3A_163 = arith.constant 256 : i32
        %mul3A_164 = arith.muli %scan3A_59, %mul3A_163 : i32
        %add3A_165 = arith.constant 16 : i32
        %add3A_166 = arith.addi %mul3A_164, %add3A_165 : i32
        %get3A_167 = arith.index_cast %add3A_166 : i32 to index
        %get3A_168 = tpu.vector_load %arg9[%get3A_167] {strides = array<i32>} : memref<16384xf32, #tpu.memory_space<vmem>>, vector<16xf32>,
        %bitcast3A_169 = vector.bitcast %get3A_168 : vector<16xf32> to vector<32xbf16>
        %mul3A_170 = arith.constant 256 : i32
        %mul3A_171 = arith.muli %scan3A_59, %mul3A_170 : i32
        %add3A_172 = arith.constant 32 : i32
        %add3A_173 = arith.addi %mul3A_171, %add3A_172 : i32
        %get3A_174 = arith.index_cast %add3A_173 : i32 to index
        %get3A_175 = tpu.vector_load %arg9[%get3A_174] {strides = array<i32>} : memref<16384xf32, #tpu.memory_space<vmem>>, vector<16xf32>,
        %bitcast3A_176 = vector.bitcast %get3A_175 : vector<16xf32> to vector<32xbf16>
        %mul3A_177 = arith.constant 256 : i32
        %mul3A_178 = arith.muli %scan3A_59, %mul3A_177 : i32
        %add3A_179 = arith.constant 48 : i32
        %add3A_180 = arith.addi %mul3A_178, %add3A_179 : i32
        %get3A_181 = arith.index_cast %add3A_180 : i32 to index
        %get3A_182 = tpu.vector_load %arg9[%get3A_181] {strides = array<i32>} : memref<16384xf32, #tpu.memory_space<vmem>>, vector<16xf32>,
        %bitcast3A_183 = vector.bitcast %get3A_182 : vector<16xf32> to vector<32xbf16>
        %mul3A_184 = arith.constant 256 : i32
        %mul3A_185 = arith.muli %scan3A_59, %mul3A_184 : i32
        %add3A_186 = arith.constant 64 : i32
        %add3A_187 = arith.addi %mul3A_185, %add3A_186 : i32
        %get3A_188 = arith.index_cast %add3A_187 : i32 to index
        %get3A_189 = tpu.vector_load %arg9[%get3A_188] {strides = array<i32>} : memref<16384xf32, #tpu.memory_space<vmem>>, vector<16xf32>,
        %bitcast3A_190 = vector.bitcast %get3A_189 : vector<16xf32> to vector<32xbf16>
        %mul3A_191 = arith.constant 256 : i32
        %mul3A_192 = arith.muli %scan3A_59, %mul3A_191 : i32
        %add3A_193 = arith.constant 80 : i32
        %add3A_194 = arith.addi %mul3A_192, %add3A_193 : i32
        %get3A_195 = arith.index_cast %add3A_194 : i32 to index
        %get3A_196 = tpu.vector_load %arg9[%get3A_195] {strides = array<i32>} : memref<16384xf32, #tpu.memory_space<vmem>>, vector<16xf32>,
        %bitcast3A_197 = vector.bitcast %get3A_196 : vector<16xf32> to vector<32xbf16>
        %mul3A_198 = arith.constant 256 : i32
        %mul3A_199 = arith.muli %scan3A_59, %mul3A_198 : i32
        %add3A_200 = arith.constant 96 : i32
        %add3A_201 = arith.addi %mul3A_199, %add3A_200 : i32
        %get3A_202 = arith.index_cast %add3A_201 : i32 to index
        %get3A_203 = tpu.vector_load %arg9[%get3A_202] {strides = array<i32>} : memref<16384xf32, #tpu.memory_space<vmem>>, vector<16xf32>,
        %bitcast3A_204 = vector.bitcast %get3A_203 : vector<16xf32> to vector<32xbf16>
        %mul3A_205 = arith.constant 256 : i32
        %mul3A_206 = arith.muli %scan3A_59, %mul3A_205 : i32
        %add3A_207 = arith.constant 112 : i32
        %add3A_208 = arith.addi %mul3A_206, %add3A_207 : i32
        %get3A_209 = arith.index_cast %add3A_208 : i32 to index
        %get3A_210 = tpu.vector_load %arg9[%get3A_209] {strides = array<i32>} : memref<16384xf32, #tpu.memory_space<vmem>>, vector<16xf32>,
        %bitcast3A_211 = vector.bitcast %get3A_210 : vector<16xf32> to vector<32xbf16>
        %mul3A_212 = arith.constant 256 : i32
        %mul3A_213 = arith.muli %scan3A_59, %mul3A_212 : i32
        %add3A_214 = arith.constant 128 : i32
        %add3A_215 = arith.addi %mul3A_213, %add3A_214 : i32
        %get3A_216 = arith.index_cast %add3A_215 : i32 to index
        %get3A_217 = tpu.vector_load %arg9[%get3A_216] {strides = array<i32>} : memref<16384xf32, #tpu.memory_space<vmem>>, vector<16xf32>,
        %bitcast3A_218 = vector.bitcast %get3A_217 : vector<16xf32> to vector<32xbf16>
        %mul3A_219 = arith.constant 256 : i32
        %mul3A_220 = arith.muli %scan3A_59, %mul3A_219 : i32
        %add3A_221 = arith.constant 144 : i32
        %add3A_222 = arith.addi %mul3A_220, %add3A_221 : i32
        %get3A_223 = arith.index_cast %add3A_222 : i32 to index
        %get3A_224 = tpu.vector_load %arg9[%get3A_223] {strides = array<i32>} : memref<16384xf32, #tpu.memory_space<vmem>>, vector<16xf32>,
        %bitcast3A_225 = vector.bitcast %get3A_224 : vector<16xf32> to vector<32xbf16>
        %mul3A_226 = arith.constant 256 : i32
        %mul3A_227 = arith.muli %scan3A_59, %mul3A_226 : i32
        %add3A_228 = arith.constant 160 : i32
        %add3A_229 = arith.addi %mul3A_227, %add3A_228 : i32
        %get3A_230 = arith.index_cast %add3A_229 : i32 to index
        %get3A_231 = tpu.vector_load %arg9[%get3A_230] {strides = array<i32>} : memref<16384xf32, #tpu.memory_space<vmem>>, vector<16xf32>,
        %bitcast3A_232 = vector.bitcast %get3A_231 : vector<16xf32> to vector<32xbf16>
        %mul3A_233 = arith.constant 256 : i32
        %mul3A_234 = arith.muli %scan3A_59, %mul3A_233 : i32
        %add3A_235 = arith.constant 176 : i32
        %add3A_236 = arith.addi %mul3A_234, %add3A_235 : i32
        %get3A_237 = arith.index_cast %add3A_236 : i32 to index
        %get3A_238 = tpu.vector_load %arg9[%get3A_237] {strides = array<i32>} : memref<16384xf32, #tpu.memory_space<vmem>>, vector<16xf32>,
        %bitcast3A_239 = vector.bitcast %get3A_238 : vector<16xf32> to vector<32xbf16>
        %mul3A_240 = arith.constant 256 : i32
        %mul3A_241 = arith.muli %scan3A_59, %mul3A_240 : i32
        %add3A_242 = arith.constant 192 : i32
        %add3A_243 = arith.addi %mul3A_241, %add3A_242 : i32
        %get3A_244 = arith.index_cast %add3A_243 : i32 to index
        %get3A_245 = tpu.vector_load %arg9[%get3A_244] {strides = array<i32>} : memref<16384xf32, #tpu.memory_space<vmem>>, vector<16xf32>,
        %bitcast3A_246 = vector.bitcast %get3A_245 : vector<16xf32> to vector<32xbf16>
        %mul3A_247 = arith.constant 256 : i32
        %mul3A_248 = arith.muli %scan3A_59, %mul3A_247 : i32
        %add3A_249 = arith.constant 208 : i32
        %add3A_250 = arith.addi %mul3A_248, %add3A_249 : i32
        %get3A_251 = arith.index_cast %add3A_250 : i32 to index
        %get3A_252 = tpu.vector_load %arg9[%get3A_251] {strides = array<i32>} : memref<16384xf32, #tpu.memory_space<vmem>>, vector<16xf32>,
        %bitcast3A_253 = vector.bitcast %get3A_252 : vector<16xf32> to vector<32xbf16>
        %mul3A_254 = arith.constant 256 : i32
        %mul3A_255 = arith.muli %scan3A_59, %mul3A_254 : i32
        %add3A_256 = arith.constant 224 : i32
        %add3A_257 = arith.addi %mul3A_255, %add3A_256 : i32
        %get3A_258 = arith.index_cast %add3A_257 : i32 to index
        %get3A_259 = tpu.vector_load %arg9[%get3A_258] {strides = array<i32>} : memref<16384xf32, #tpu.memory_space<vmem>>, vector<16xf32>,
        %bitcast3A_260 = vector.bitcast %get3A_259 : vector<16xf32> to vector<32xbf16>
        %mul3A_261 = arith.constant 256 : i32
        %mul3A_262 = arith.muli %scan3A_59, %mul3A_261 : i32
        %add3A_263 = arith.constant 240 : i32
        %add3A_264 = arith.addi %mul3A_262, %add3A_263 : i32
        %get3A_265 = arith.index_cast %add3A_264 : i32 to index
        %get3A_266 = tpu.vector_load %arg9[%get3A_265] {strides = array<i32>} : memref<16384xf32, #tpu.memory_space<vmem>>, vector<16xf32>,
        %bitcast3A_267 = vector.bitcast %get3A_266 : vector<16xf32> to vector<32xbf16>
        %parallel_loop3A_268 = arith.constant 0 : i32
        %parallel_loop3A_269 = arith.constant 16 : i32
        %parallel_loop3A_270 = arith.constant 1 : i32
        scf.for %parallel_loop3A_272 = %parallel_loop3A_268 to %parallel_loop3A_269 step %parallel_loop3A_270  : i32 {
          %parallel_loop3A_273 = arith.constant 1024 : i32
          %parallel_loop3A_274 = arith.muli %parallel_loop3A_272, %parallel_loop3A_273 : i32
          %parallel_loop3A_275 = tpu.memref_slice %arg11[%parallel_loop3A_274] : memref<16384xi32, #tpu.memory_space<vmem>> -> memref<1024xi32, #tpu.memory_space<vmem>>
          %parallel_loop3A_276 = tpu.vector_load_idx %parallel_loop3A_275[%get3A_66] : memref<1024xi32, #tpu.memory_space<vmem>>[vector<16xi32>], vector<16xi32>,
          %parallel_loop3A_277 = vector.bitcast %parallel_loop3A_276 : vector<16xi32> to vector<32xbf16>
          %parallel_loop3A_278 = arith.addf %parallel_loop3A_277, %bitcast3A : vector<32xbf16>
          %parallel_loop3A_279 = tpu.memref_slice %arg11[%parallel_loop3A_274] : memref<16384xi32, #tpu.memory_space<vmem>> -> memref<1024xi32, #tpu.memory_space<vmem>>
          %parallel_loop3A_280 = tpu.vector_load_idx %parallel_loop3A_279[%get3A_72] : memref<1024xi32, #tpu.memory_space<vmem>>[vector<16xi32>], vector<16xi32>,
          %parallel_loop3A_281 = vector.bitcast %parallel_loop3A_280 : vector<16xi32> to vector<32xbf16>
          %parallel_loop3A_282 = arith.addf %parallel_loop3A_281, %bitcast3A_169 : vector<32xbf16>
          %parallel_loop3A_283 = tpu.memref_slice %arg11[%parallel_loop3A_274] : memref<16384xi32, #tpu.memory_space<vmem>> -> memref<1024xi32, #tpu.memory_space<vmem>>
          %parallel_loop3A_284 = tpu.vector_load_idx %parallel_loop3A_283[%get3A_78] : memref<1024xi32, #tpu.memory_space<vmem>>[vector<16xi32>], vector<16xi32>,
          %parallel_loop3A_285 = vector.bitcast %parallel_loop3A_284 : vector<16xi32> to vector<32xbf16>
          %parallel_loop3A_286 = arith.addf %parallel_loop3A_285, %bitcast3A_176 : vector<32xbf16>
          %parallel_loop3A_287 = tpu.memref_slice %arg11[%parallel_loop3A_274] : memref<16384xi32, #tpu.memory_space<vmem>> -> memref<1024xi32, #tpu.memory_space<vmem>>
          %parallel_loop3A_288 = tpu.vector_load_idx %parallel_loop3A_287[%get3A_84] : memref<1024xi32, #tpu.memory_space<vmem>>[vector<16xi32>], vector<16xi32>,
          %parallel_loop3A_289 = vector.bitcast %parallel_loop3A_288 : vector<16xi32> to vector<32xbf16>
          %parallel_loop3A_290 = arith.addf %parallel_loop3A_289, %bitcast3A_183 : vector<32xbf16>
          %parallel_loop3A_291 = tpu.memref_slice %arg11[%parallel_loop3A_274] : memref<16384xi32, #tpu.memory_space<vmem>> -> memref<1024xi32, #tpu.memory_space<vmem>>
          %parallel_loop3A_292 = tpu.vector_load_idx %parallel_loop3A_291[%get3A_90] : memref<1024xi32, #tpu.memory_space<vmem>>[vector<16xi32>], vector<16xi32>,
          %parallel_loop3A_293 = vector.bitcast %parallel_loop3A_292 : vector<16xi32> to vector<32xbf16>
          %parallel_loop3A_294 = arith.addf %parallel_loop3A_293, %bitcast3A_190 : vector<32xbf16>
          %parallel_loop3A_295 = arith.maximumf %parallel_loop3A_278, %parallel_loop3A_294 : vector<32xbf16>
          %parallel_loop3A_296 = tpu.memref_slice %arg11[%parallel_loop3A_274] : memref<16384xi32, #tpu.memory_space<vmem>> -> memref<1024xi32, #tpu.memory_space<vmem>>
          %parallel_loop3A_297 = tpu.vector_load_idx %parallel_loop3A_296[%get3A_96] : memref<1024xi32, #tpu.memory_space<vmem>>[vector<16xi32>], vector<16xi32>,
          %parallel_loop3A_298 = vector.bitcast %parallel_loop3A_297 : vector<16xi32> to vector<32xbf16>
          %parallel_loop3A_299 = arith.addf %parallel_loop3A_298, %bitcast3A_197 : vector<32xbf16>
          %parallel_loop3A_300 = arith.maximumf %parallel_loop3A_282, %parallel_loop3A_299 : vector<32xbf16>
          %parallel_loop3A_301 = tpu.memref_slice %arg11[%parallel_loop3A_274] : memref<16384xi32, #tpu.memory_space<vmem>> -> memref<1024xi32, #tpu.memory_space<vmem>>
          %parallel_loop3A_302 = tpu.vector_load_idx %parallel_loop3A_301[%get3A_102] : memref<1024xi32, #tpu.memory_space<vmem>>[vector<16xi32>], vector<16xi32>,
          %parallel_loop3A_303 = vector.bitcast %parallel_loop3A_302 : vector<16xi32> to vector<32xbf16>
          %parallel_loop3A_304 = arith.addf %parallel_loop3A_303, %bitcast3A_204 : vector<32xbf16>
          %parallel_loop3A_305 = arith.maximumf %parallel_loop3A_286, %parallel_loop3A_304 : vector<32xbf16>
          %parallel_loop3A_306 = tpu.memref_slice %arg11[%parallel_loop3A_274] : memref<16384xi32, #tpu.memory_space<vmem>> -> memref<1024xi32, #tpu.memory_space<vmem>>
          %parallel_loop3A_307 = tpu.vector_load_idx %parallel_loop3A_306[%get3A_108] : memref<1024xi32, #tpu.memory_space<vmem>>[vector<16xi32>], vector<16xi32>,
          %parallel_loop3A_308 = vector.bitcast %parallel_loop3A_307 : vector<16xi32> to vector<32xbf16>
          %parallel_loop3A_309 = arith.addf %parallel_loop3A_308, %bitcast3A_211 : vector<32xbf16>
          %parallel_loop3A_310 = arith.maximumf %parallel_loop3A_290, %parallel_loop3A_309 : vector<32xbf16>
          %parallel_loop3A_311 = tpu.memref_slice %arg11[%parallel_loop3A_274] : memref<16384xi32, #tpu.memory_space<vmem>> -> memref<1024xi32, #tpu.memory_space<vmem>>
          %parallel_loop3A_312 = tpu.vector_load_idx %parallel_loop3A_311[%get3A_114] : memref<1024xi32, #tpu.memory_space<vmem>>[vector<16xi32>], vector<16xi32>,
          %parallel_loop3A_313 = vector.bitcast %parallel_loop3A_312 : vector<16xi32> to vector<32xbf16>
          %parallel_loop3A_314 = arith.addf %parallel_loop3A_313, %bitcast3A_218 : vector<32xbf16>
          %parallel_loop3A_315 = arith.maximumf %parallel_loop3A_295, %parallel_loop3A_314 : vector<32xbf16>
          %parallel_loop3A_316 = tpu.memref_slice %arg11[%parallel_loop3A_274] : memref<16384xi32, #tpu.memory_space<vmem>> -> memref<1024xi32, #tpu.memory_space<vmem>>
          %parallel_loop3A_317 = tpu.vector_load_idx %parallel_loop3A_316[%get3A_120] : memref<1024xi32, #tpu.memory_space<vmem>>[vector<16xi32>], vector<16xi32>,
          %parallel_loop3A_318 = vector.bitcast %parallel_loop3A_317 : vector<16xi32> to vector<32xbf16>
          %parallel_loop3A_319 = arith.addf %parallel_loop3A_318, %bitcast3A_225 : vector<32xbf16>
          %parallel_loop3A_320 = arith.maximumf %parallel_loop3A_300, %parallel_loop3A_319 : vector<32xbf16>
          %parallel_loop3A_321 = tpu.memref_slice %arg11[%parallel_loop3A_274] : memref<16384xi32, #tpu.memory_space<vmem>> -> memref<1024xi32, #tpu.memory_space<vmem>>
          %parallel_loop3A_322 = tpu.vector_load_idx %parallel_loop3A_321[%get3A_126] : memref<1024xi32, #tpu.memory_space<vmem>>[vector<16xi32>], vector<16xi32>,
          %parallel_loop3A_323 = vector.bitcast %parallel_loop3A_322 : vector<16xi32> to vector<32xbf16>
          %parallel_loop3A_324 = arith.addf %parallel_loop3A_323, %bitcast3A_232 : vector<32xbf16>
          %parallel_loop3A_325 = arith.maximumf %parallel_loop3A_305, %parallel_loop3A_324 : vector<32xbf16>
          %parallel_loop3A_326 = tpu.memref_slice %arg11[%parallel_loop3A_274] : memref<16384xi32, #tpu.memory_space<vmem>> -> memref<1024xi32, #tpu.memory_space<vmem>>
          %parallel_loop3A_327 = tpu.vector_load_idx %parallel_loop3A_326[%get3A_132] : memref<1024xi32, #tpu.memory_space<vmem>>[vector<16xi32>], vector<16xi32>,
          %parallel_loop3A_328 = vector.bitcast %parallel_loop3A_327 : vector<16xi32> to vector<32xbf16>
          %parallel_loop3A_329 = arith.addf %parallel_loop3A_328, %bitcast3A_239 : vector<32xbf16>
          %parallel_loop3A_330 = arith.maximumf %parallel_loop3A_310, %parallel_loop3A_329 : vector<32xbf16>
          %parallel_loop3A_331 = tpu.memref_slice %arg11[%parallel_loop3A_274] : memref<16384xi32, #tpu.memory_space<vmem>> -> memref<1024xi32, #tpu.memory_space<vmem>>
          %parallel_loop3A_332 = tpu.vector_load_idx %parallel_loop3A_331[%get3A_138] : memref<1024xi32, #tpu.memory_space<vmem>>[vector<16xi32>], vector<16xi32>,
          %parallel_loop3A_333 = vector.bitcast %parallel_loop3A_332 : vector<16xi32> to vector<32xbf16>
          %parallel_loop3A_334 = arith.addf %parallel_loop3A_333, %bitcast3A_246 : vector<32xbf16>
          %parallel_loop3A_335 = arith.maximumf %parallel_loop3A_315, %parallel_loop3A_334 : vector<32xbf16>
          %parallel_loop3A_336 = tpu.memref_slice %arg11[%parallel_loop3A_274] : memref<16384xi32, #tpu.memory_space<vmem>> -> memref<1024xi32, #tpu.memory_space<vmem>>
          %parallel_loop3A_337 = tpu.vector_load_idx %parallel_loop3A_336[%get3A_144] : memref<1024xi32, #tpu.memory_space<vmem>>[vector<16xi32>], vector<16xi32>,
          %parallel_loop3A_338 = vector.bitcast %parallel_loop3A_337 : vector<16xi32> to vector<32xbf16>
          %parallel_loop3A_339 = arith.addf %parallel_loop3A_338, %bitcast3A_253 : vector<32xbf16>
          %parallel_loop3A_340 = arith.maximumf %parallel_loop3A_320, %parallel_loop3A_339 : vector<32xbf16>
          %parallel_loop3A_341 = tpu.memref_slice %arg11[%parallel_loop3A_274] : memref<16384xi32, #tpu.memory_space<vmem>> -> memref<1024xi32, #tpu.memory_space<vmem>>
          %parallel_loop3A_342 = tpu.vector_load_idx %parallel_loop3A_341[%get3A_150] : memref<1024xi32, #tpu.memory_space<vmem>>[vector<16xi32>], vector<16xi32>,
          %parallel_loop3A_343 = vector.bitcast %parallel_loop3A_342 : vector<16xi32> to vector<32xbf16>
          %parallel_loop3A_344 = arith.addf %parallel_loop3A_343, %bitcast3A_260 : vector<32xbf16>
          %parallel_loop3A_345 = arith.maximumf %parallel_loop3A_325, %parallel_loop3A_344 : vector<32xbf16>
          %parallel_loop3A_346 = tpu.memref_slice %arg11[%parallel_loop3A_274] : memref<16384xi32, #tpu.memory_space<vmem>> -> memref<1024xi32, #tpu.memory_space<vmem>>
          %parallel_loop3A_347 = tpu.vector_load_idx %parallel_loop3A_346[%get3A_156] : memref<1024xi32, #tpu.memory_space<vmem>>[vector<16xi32>], vector<16xi32>,
          %parallel_loop3A_348 = vector.bitcast %parallel_loop3A_347 : vector<16xi32> to vector<32xbf16>
          %parallel_loop3A_349 = arith.addf %parallel_loop3A_348, %bitcast3A_267 : vector<32xbf16>
          %parallel_loop3A_350 = arith.maximumf %parallel_loop3A_330, %parallel_loop3A_349 : vector<32xbf16>
          %parallel_loop3A_351 = arith.maximumf %parallel_loop3A_335, %parallel_loop3A_340 : vector<32xbf16>
          %parallel_loop3A_352 = arith.maximumf %parallel_loop3A_345, %parallel_loop3A_350 : vector<32xbf16>
          %parallel_loop3A_353 = arith.maximumf %parallel_loop3A_351, %parallel_loop3A_352 : vector<32xbf16>
          %parallel_loop3A_354 = tpu.unpack_subelements %parallel_loop3A_353, 0 {pack_format = #tpu.pack_format<interleaved>} : vector<32xbf16> -> vector<16xf32>
          %parallel_loop3A_355 = tpu.unpack_subelements %parallel_loop3A_353, 1 {pack_format = #tpu.pack_format<interleaved>} : vector<32xbf16> -> vector<16xf32>
          %parallel_loop3A_356 = arith.constant 2 : i32
          %parallel_loop3A_357 = arith.muli %parallel_loop3A_356, %parallel_loop3A_272 : i32
          %parallel_loop3A_358 = arith.constant 1024 : i32
          %parallel_loop3A_359 = arith.muli %parallel_loop3A_357, %parallel_loop3A_358 : i32
          %parallel_loop3A_360 = arith.constant 16 : i32
          %parallel_loop3A_361 = arith.muli %scan3A_59, %parallel_loop3A_360 : i32
          %parallel_loop3A_362 = arith.addi %parallel_loop3A_359, %parallel_loop3A_361 : i32
          %parallel_loop3A_363 = arith.mulf %parallel_loop3A_354, %div3A_7 : vector<16xf32>
          %parallel_loop3A_364 = arith.index_cast %parallel_loop3A_362 : i32 to index
          %parallel_loop3A_365 = tpu.vector_load %arg12[%parallel_loop3A_364] {strides = array<i32>} : memref<32768xf32, #tpu.memory_space<vmem>>, vector<16xf32>,
          tpu.vector_store %arg12[%parallel_loop3A_364], %parallel_loop3A_363 {strides = array<i32>} : memref<32768xf32, #tpu.memory_space<vmem>>, vector<16xf32>,
          %parallel_loop3A_366 = arith.mulf %parallel_loop3A_355, %div3A_7 : vector<16xf32>
          %parallel_loop3A_367 = arith.constant 1024 : i32
          %parallel_loop3A_368 = arith.addi %parallel_loop3A_362, %parallel_loop3A_367 : i32
          %parallel_loop3A_369 = arith.index_cast %parallel_loop3A_368 : i32 to index
          %parallel_loop3A_370 = tpu.vector_load %arg12[%parallel_loop3A_369] {strides = array<i32>} : memref<32768xf32, #tpu.memory_space<vmem>>, vector<16xf32>,
          tpu.vector_store %arg12[%parallel_loop3A_369], %parallel_loop3A_366 {strides = array<i32>} : memref<32768xf32, #tpu.memory_space<vmem>>, vector<16xf32>,
        } {sc.loop_unroll_factor = 2 : i64, sc.parallel_access}
        %scan3A_271 = arith.constant 0 : i32
        scf.yield %scan3A_271 : i32
      }
      %scan3A_58 = arith.constant 64 : i32
    }
    %mul3A_30 = arith.constant 1024 : i32
    %mul3A_31 = arith.muli %add3A_18, %mul3A_30 : i32
    "tpu.region"() ({
      %run_scoped3A = tpu.sem_alloc : memref<!tpu.dma_semaphore, #tpu.memory_space<semaphore_mem>>
      %dma_start3A = tpu.memref_slice %arg7[%mul3A_31] : memref<2097152xf32, #tpu.memory_space<hbm>> -> memref<32768xf32, #tpu.memory_space<hbm>>
      %dma_start3A_52 = tpu.memref_slice %arg7[%mul3A_31] : memref<2097152xf32, #tpu.memory_space<hbm>> -> memref<32768xf32, #tpu.memory_space<hbm>>
      tpu.enqueue_dma source(%arg12 : memref<32768xf32, #tpu.memory_space<vmem>>) target(%dma_start3A_52 : memref<32768xf32, #tpu.memory_space<hbm>>) target_semaphore(%run_scoped3A : memref<!tpu.dma_semaphore, #tpu.memory_space<semaphore_mem>>)
      %dma_wait3A = tpu.memref_slice %arg7[%mul3A_31] : memref<2097152xf32, #tpu.memory_space<hbm>> -> memref<32768xf32, #tpu.memory_space<hbm>>
      %dma_wait3A_53 = tpu.memref_slice %arg7[%mul3A_31] : memref<2097152xf32, #tpu.memory_space<hbm>> -> memref<32768xf32, #tpu.memory_space<hbm>>
      tpu.wait_dma2 semaphore(%run_scoped3A : memref<!tpu.dma_semaphore, #tpu.memory_space<semaphore_mem>>) src(%arg12 : memref<32768xf32, #tpu.memory_space<vmem>>) dst(%dma_wait3A_53 : memref<32768xf32, #tpu.memory_space<hbm>>)
      tpu.yield
    }) : () -> ()
    %add3A_32 = arith.constant 32 : i32
    %add3A_33 = arith.addi %mul3A_2, %add3A_32 : i32
    %mul3A_34 = arith.constant 1024 : i32
    %mul3A_35 = arith.muli %add3A_33, %mul3A_34 : i32
    "tpu.region"() ({
      %run_scoped3A = tpu.sem_alloc : memref<!tpu.dma_semaphore, #tpu.memory_space<semaphore_mem>>
      %dma_start3A = tpu.memref_slice %arg2[%mul3A_35] : memref<2097152xf32, #tpu.memory_space<hbm>> -> memref<32768xf32, #tpu.memory_space<hbm>>
      %dma_start3A_52 = tpu.memref_slice %arg2[%mul3A_35] : memref<2097152xf32, #tpu.memory_space<hbm>> -> memref<32768xf32, #tpu.memory_space<hbm>>
      tpu.enqueue_dma source(%dma_start3A_52 : memref<32768xf32, #tpu.memory_space<hbm>>) target(%arg10 : memref<32768xf32, #tpu.memory_space<vmem>>) target_semaphore(%run_scoped3A : memref<!tpu.dma_semaphore, #tpu.memory_space<semaphore_mem>>)
      %dma_wait3A = tpu.memref_slice %arg2[%mul3A_35] : memref<2097152xf32, #tpu.memory_space<hbm>> -> memref<32768xf32, #tpu.memory_space<hbm>>
      %dma_wait3A_53 = tpu.memref_slice %arg2[%mul3A_35] : memref<2097152xf32, #tpu.memory_space<hbm>> -> memref<32768xf32, #tpu.memory_space<hbm>>
      tpu.wait_dma2 semaphore(%run_scoped3A : memref<!tpu.dma_semaphore, #tpu.memory_space<semaphore_mem>>) src(%dma_wait3A_53 : memref<32768xf32, #tpu.memory_space<hbm>>) dst(%arg10 : memref<32768xf32, #tpu.memory_space<vmem>>)
      tpu.yield
    }) : () -> ()
    %scan3A_36 = arith.constant 0 : i32
    %scan3A_37 = arith.constant 16 : i32
    %scan3A_38 = arith.addi %scan3A_36, %scan3A_37 : i32
    %scan3A_39 = arith.constant 1 : i32
    %scan3A_40 = scf.for %scan3A_52 = %scan3A_36 to %scan3A_38 step %scan3A_39 iter_args(%scan3A_53 = %broadcast_in_dim3A_8) -> (vector<16xf32>)  : i32 {
      %mul3A_54 = arith.constant 2 : i32
      %mul3A_55 = arith.muli %mul3A_54, %scan3A_52 : i32
      %add3A_56 = arith.constant 32 : i32
      %add3A_57 = arith.addi %add3A_56, %mul3A_55 : i32
      %mul3A_58 = arith.constant 16 : i32
      %mul3A_59 = arith.muli %add3A_57, %mul3A_58 : i32
      %get3A_60 = arith.index_cast %mul3A_59 : i32 to index
      %get3A_61 = tpu.vector_load %arg13[%get3A_60] {strides = array<i32>} : memref<1024xf32, #tpu.memory_space<vmem>>, vector<16xf32>,
      %mul3A_62 = arith.constant 2 : i32
      %mul3A_63 = arith.muli %mul3A_62, %scan3A_52 : i32
      %add3A_64 = arith.constant 32 : i32
      %add3A_65 = arith.addi %add3A_64, %mul3A_63 : i32
      %add3A_66 = arith.constant 1 : i32
      %add3A_67 = arith.addi %add3A_65, %add3A_66 : i32
      %mul3A_68 = arith.constant 16 : i32
      %mul3A_69 = arith.muli %add3A_67, %mul3A_68 : i32
      %get3A_70 = arith.index_cast %mul3A_69 : i32 to index
      %get3A_71 = tpu.vector_load %arg13[%get3A_70] {strides = array<i32>} : memref<1024xf32, #tpu.memory_space<vmem>>, vector<16xf32>,
      %parallel_loop3A_72 = arith.constant 0 : i32
      %parallel_loop3A_73 = arith.constant 64 : i32
      %parallel_loop3A_74 = arith.constant 1 : i32
      %parallel_loop3A_75 = scf.for %parallel_loop3A_76 = %parallel_loop3A_72 to %parallel_loop3A_73 step %parallel_loop3A_74 iter_args(%parallel_loop3A_77 = %scan3A_53) -> (vector<16xf32>)  : i32 {
        %parallel_loop3A_78 = arith.constant 2 : i32
        %parallel_loop3A_79 = arith.muli %parallel_loop3A_78, %scan3A_52 : i32
        %parallel_loop3A_80 = arith.constant 1024 : i32
        %parallel_loop3A_81 = arith.muli %parallel_loop3A_79, %parallel_loop3A_80 : i32
        %parallel_loop3A_82 = arith.constant 16 : i32
        %parallel_loop3A_83 = arith.muli %parallel_loop3A_76, %parallel_loop3A_82 : i32
        %parallel_loop3A_84 = arith.addi %parallel_loop3A_81, %parallel_loop3A_83 : i32
        %parallel_loop3A_85 = arith.index_cast %parallel_loop3A_84 : i32 to index
        %parallel_loop3A_86 = tpu.vector_load %arg10[%parallel_loop3A_85] {strides = array<i32>} : memref<32768xf32, #tpu.memory_space<vmem>>, vector<16xf32>,
        %parallel_loop3A_87 = arith.constant 2 : i32
        %parallel_loop3A_88 = arith.muli %parallel_loop3A_87, %scan3A_52 : i32
        %parallel_loop3A_89 = arith.constant 1 : i32
        %parallel_loop3A_90 = arith.addi %parallel_loop3A_88, %parallel_loop3A_89 : i32
        %parallel_loop3A_91 = arith.constant 1024 : i32
        %parallel_loop3A_92 = arith.muli %parallel_loop3A_90, %parallel_loop3A_91 : i32
        %parallel_loop3A_93 = arith.constant 16 : i32
        %parallel_loop3A_94 = arith.muli %parallel_loop3A_76, %parallel_loop3A_93 : i32
        %parallel_loop3A_95 = arith.addi %parallel_loop3A_92, %parallel_loop3A_94 : i32
        %parallel_loop3A_96 = arith.index_cast %parallel_loop3A_95 : i32 to index
        %parallel_loop3A_97 = tpu.vector_load %arg10[%parallel_loop3A_96] {strides = array<i32>} : memref<32768xf32, #tpu.memory_space<vmem>>, vector<16xf32>,
        %parallel_loop3A_98 = arith.subf %parallel_loop3A_86, %get3A_61 : vector<16xf32>
        %parallel_loop3A_99 = math.absf %parallel_loop3A_98 : vector<16xf32>
        %parallel_loop3A_100 = arith.subf %parallel_loop3A_97, %get3A_71 : vector<16xf32>
        %parallel_loop3A_101 = math.absf %parallel_loop3A_100 : vector<16xf32>
        %parallel_loop3A_102 = arith.cmpf olt, %parallel_loop3A_99, %get3A_5 : vector<16xf32>
        %parallel_loop3A_103 = arith.select %parallel_loop3A_102, %parallel_loop3A_86, %broadcast_in_dim3A_12 : vector<16xi1>, vector<16xf32>
        %parallel_loop3A_104 = arith.cmpf olt, %parallel_loop3A_101, %get3A_5 : vector<16xf32>
        %parallel_loop3A_105 = arith.select %parallel_loop3A_104, %parallel_loop3A_97, %broadcast_in_dim3A_12 : vector<16xi1>, vector<16xf32>
        %parallel_loop3A_106 = tpu.pack_subelements %parallel_loop3A_103, %parallel_loop3A_105 {pack_format = #tpu.pack_format<interleaved>, positions = array<i32: 0, 1>} : vector<16xf32>, vector<16xf32> -> vector<32xbf16>
        %parallel_loop3A_107 = vector.bitcast %parallel_loop3A_106 : vector<32xbf16> to vector<16xi32>
        %parallel_loop3A_108 = arith.constant 1024 : i32
        %parallel_loop3A_109 = arith.muli %scan3A_52, %parallel_loop3A_108 : i32
        %parallel_loop3A_110 = arith.constant 16 : i32
        %parallel_loop3A_111 = arith.muli %parallel_loop3A_76, %parallel_loop3A_110 : i32
        %parallel_loop3A_112 = arith.addi %parallel_loop3A_109, %parallel_loop3A_111 : i32
        %parallel_loop3A_113 = arith.index_cast %parallel_loop3A_112 : i32 to index
        %parallel_loop3A_114 = tpu.vector_load %arg11[%parallel_loop3A_113] {strides = array<i32>} : memref<16384xi32, #tpu.memory_space<vmem>>, vector<16xi32>,
        tpu.vector_store %arg11[%parallel_loop3A_113], %parallel_loop3A_107 {strides = array<i32>} : memref<16384xi32, #tpu.memory_space<vmem>>, vector<16xi32>,
        %parallel_loop3A_115 = arith.maximumf %parallel_loop3A_99, %parallel_loop3A_101 : vector<16xf32>
        %parallel_loop3A_116 = arith.maximumf %parallel_loop3A_77, %parallel_loop3A_115 : vector<16xf32>
        scf.yield %parallel_loop3A_116 : vector<16xf32>
      } {sc.loop_unroll_factor = 4 : i64, sc.parallel_access}
      scf.yield %parallel_loop3A_75 : vector<16xf32>
    }
    %scan3A_41 = arith.constant 16 : i32
    %reduce_max3A_42 = arith.constant true
    %reduce_max3A_43 = vector.broadcast %reduce_max3A_42 : i1 to vector<16xi1>
    %reduce_max3A_44 = tpu.scan <max>, %scan3A_40 masked %reduce_max3A_43 : vector<16xf32>, vector<16xi1> -> vector<16xf32>
    %reduce_max3A_45 = vector.extract %reduce_max3A_44[15] : f32 from vector<16xf32>
    %ge3A_46 = arith.cmpf oge, %reduce_max3A_45, %squeeze3A : f32
    %convert_element_type3A_47 = arith.extui %ge3A_46 : i1 to i32
    %cond3A_48 = arith.constant 0 : i32
    %cond3A_49 = arith.cmpi ne, %convert_element_type3A_47, %cond3A_48 : i32
    scf.if %cond3A_49 {
      %scan3A_52 = arith.constant 0 : i32
      %scan3A_53 = arith.constant 0 : i32
      %scan3A_54 = arith.constant 64 : i32
      %scan3A_55 = arith.addi %scan3A_53, %scan3A_54 : i32
      %scan3A_56 = arith.constant 1 : i32
      %scan3A_57 = scf.for %scan3A_59 = %scan3A_53 to %scan3A_55 step %scan3A_56 iter_args(%scan3A_60 = %scan3A_52) -> (i32)  : i32 {
        %mul3A_61 = arith.constant 256 : i32
        %mul3A_62 = arith.muli %scan3A_59, %mul3A_61 : i32
        %add3A_63 = arith.constant 0 : i32
        %add3A_64 = arith.addi %mul3A_62, %add3A_63 : i32
        %get3A_65 = arith.index_cast %add3A_64 : i32 to index
        %get3A_66 = tpu.vector_load %arg8[%get3A_65] {strides = array<i32>} : memref<16384xi32, #tpu.memory_space<vmem>>, vector<16xi32>,
        %mul3A_67 = arith.constant 256 : i32
        %mul3A_68 = arith.muli %scan3A_59, %mul3A_67 : i32
        %add3A_69 = arith.constant 16 : i32
        %add3A_70 = arith.addi %mul3A_68, %add3A_69 : i32
        %get3A_71 = arith.index_cast %add3A_70 : i32 to index
        %get3A_72 = tpu.vector_load %arg8[%get3A_71] {strides = array<i32>} : memref<16384xi32, #tpu.memory_space<vmem>>, vector<16xi32>,
        %mul3A_73 = arith.constant 256 : i32
        %mul3A_74 = arith.muli %scan3A_59, %mul3A_73 : i32
        %add3A_75 = arith.constant 32 : i32
        %add3A_76 = arith.addi %mul3A_74, %add3A_75 : i32
        %get3A_77 = arith.index_cast %add3A_76 : i32 to index
        %get3A_78 = tpu.vector_load %arg8[%get3A_77] {strides = array<i32>} : memref<16384xi32, #tpu.memory_space<vmem>>, vector<16xi32>,
        %mul3A_79 = arith.constant 256 : i32
        %mul3A_80 = arith.muli %scan3A_59, %mul3A_79 : i32
        %add3A_81 = arith.constant 48 : i32
        %add3A_82 = arith.addi %mul3A_80, %add3A_81 : i32
        %get3A_83 = arith.index_cast %add3A_82 : i32 to index
        %get3A_84 = tpu.vector_load %arg8[%get3A_83] {strides = array<i32>} : memref<16384xi32, #tpu.memory_space<vmem>>, vector<16xi32>,
        %mul3A_85 = arith.constant 256 : i32
        %mul3A_86 = arith.muli %scan3A_59, %mul3A_85 : i32
        %add3A_87 = arith.constant 64 : i32
        %add3A_88 = arith.addi %mul3A_86, %add3A_87 : i32
        %get3A_89 = arith.index_cast %add3A_88 : i32 to index
        %get3A_90 = tpu.vector_load %arg8[%get3A_89] {strides = array<i32>} : memref<16384xi32, #tpu.memory_space<vmem>>, vector<16xi32>,
        %mul3A_91 = arith.constant 256 : i32
        %mul3A_92 = arith.muli %scan3A_59, %mul3A_91 : i32
        %add3A_93 = arith.constant 80 : i32
        %add3A_94 = arith.addi %mul3A_92, %add3A_93 : i32
        %get3A_95 = arith.index_cast %add3A_94 : i32 to index
        %get3A_96 = tpu.vector_load %arg8[%get3A_95] {strides = array<i32>} : memref<16384xi32, #tpu.memory_space<vmem>>, vector<16xi32>,
        %mul3A_97 = arith.constant 256 : i32
        %mul3A_98 = arith.muli %scan3A_59, %mul3A_97 : i32
        %add3A_99 = arith.constant 96 : i32
        %add3A_100 = arith.addi %mul3A_98, %add3A_99 : i32
        %get3A_101 = arith.index_cast %add3A_100 : i32 to index
        %get3A_102 = tpu.vector_load %arg8[%get3A_101] {strides = array<i32>} : memref<16384xi32, #tpu.memory_space<vmem>>, vector<16xi32>,
        %mul3A_103 = arith.constant 256 : i32
        %mul3A_104 = arith.muli %scan3A_59, %mul3A_103 : i32
        %add3A_105 = arith.constant 112 : i32
        %add3A_106 = arith.addi %mul3A_104, %add3A_105 : i32
        %get3A_107 = arith.index_cast %add3A_106 : i32 to index
        %get3A_108 = tpu.vector_load %arg8[%get3A_107] {strides = array<i32>} : memref<16384xi32, #tpu.memory_space<vmem>>, vector<16xi32>,
        %mul3A_109 = arith.constant 256 : i32
        %mul3A_110 = arith.muli %scan3A_59, %mul3A_109 : i32
        %add3A_111 = arith.constant 128 : i32
        %add3A_112 = arith.addi %mul3A_110, %add3A_111 : i32
        %get3A_113 = arith.index_cast %add3A_112 : i32 to index
        %get3A_114 = tpu.vector_load %arg8[%get3A_113] {strides = array<i32>} : memref<16384xi32, #tpu.memory_space<vmem>>, vector<16xi32>,
        %mul3A_115 = arith.constant 256 : i32
        %mul3A_116 = arith.muli %scan3A_59, %mul3A_115 : i32
        %add3A_117 = arith.constant 144 : i32
        %add3A_118 = arith.addi %mul3A_116, %add3A_117 : i32
        %get3A_119 = arith.index_cast %add3A_118 : i32 to index
        %get3A_120 = tpu.vector_load %arg8[%get3A_119] {strides = array<i32>} : memref<16384xi32, #tpu.memory_space<vmem>>, vector<16xi32>,
        %mul3A_121 = arith.constant 256 : i32
        %mul3A_122 = arith.muli %scan3A_59, %mul3A_121 : i32
        %add3A_123 = arith.constant 160 : i32
        %add3A_124 = arith.addi %mul3A_122, %add3A_123 : i32
        %get3A_125 = arith.index_cast %add3A_124 : i32 to index
        %get3A_126 = tpu.vector_load %arg8[%get3A_125] {strides = array<i32>} : memref<16384xi32, #tpu.memory_space<vmem>>, vector<16xi32>,
        %mul3A_127 = arith.constant 256 : i32
        %mul3A_128 = arith.muli %scan3A_59, %mul3A_127 : i32
        %add3A_129 = arith.constant 176 : i32
        %add3A_130 = arith.addi %mul3A_128, %add3A_129 : i32
        %get3A_131 = arith.index_cast %add3A_130 : i32 to index
        %get3A_132 = tpu.vector_load %arg8[%get3A_131] {strides = array<i32>} : memref<16384xi32, #tpu.memory_space<vmem>>, vector<16xi32>,
        %mul3A_133 = arith.constant 256 : i32
        %mul3A_134 = arith.muli %scan3A_59, %mul3A_133 : i32
        %add3A_135 = arith.constant 192 : i32
        %add3A_136 = arith.addi %mul3A_134, %add3A_135 : i32
        %get3A_137 = arith.index_cast %add3A_136 : i32 to index
        %get3A_138 = tpu.vector_load %arg8[%get3A_137] {strides = array<i32>} : memref<16384xi32, #tpu.memory_space<vmem>>, vector<16xi32>,
        %mul3A_139 = arith.constant 256 : i32
        %mul3A_140 = arith.muli %scan3A_59, %mul3A_139 : i32
        %add3A_141 = arith.constant 208 : i32
        %add3A_142 = arith.addi %mul3A_140, %add3A_141 : i32
        %get3A_143 = arith.index_cast %add3A_142 : i32 to index
        %get3A_144 = tpu.vector_load %arg8[%get3A_143] {strides = array<i32>} : memref<16384xi32, #tpu.memory_space<vmem>>, vector<16xi32>,
        %mul3A_145 = arith.constant 256 : i32
        %mul3A_146 = arith.muli %scan3A_59, %mul3A_145 : i32
        %add3A_147 = arith.constant 224 : i32
        %add3A_148 = arith.addi %mul3A_146, %add3A_147 : i32
        %get3A_149 = arith.index_cast %add3A_148 : i32 to index
        %get3A_150 = tpu.vector_load %arg8[%get3A_149] {strides = array<i32>} : memref<16384xi32, #tpu.memory_space<vmem>>, vector<16xi32>,
        %mul3A_151 = arith.constant 256 : i32
        %mul3A_152 = arith.muli %scan3A_59, %mul3A_151 : i32
        %add3A_153 = arith.constant 240 : i32
        %add3A_154 = arith.addi %mul3A_152, %add3A_153 : i32
        %get3A_155 = arith.index_cast %add3A_154 : i32 to index
        %get3A_156 = tpu.vector_load %arg8[%get3A_155] {strides = array<i32>} : memref<16384xi32, #tpu.memory_space<vmem>>, vector<16xi32>,
        %mul3A_157 = arith.constant 256 : i32
        %mul3A_158 = arith.muli %scan3A_59, %mul3A_157 : i32
        %add3A_159 = arith.constant 0 : i32
        %add3A_160 = arith.addi %mul3A_158, %add3A_159 : i32
        %get3A_161 = arith.index_cast %add3A_160 : i32 to index
        %get3A_162 = tpu.vector_load %arg9[%get3A_161] {strides = array<i32>} : memref<16384xf32, #tpu.memory_space<vmem>>, vector<16xf32>,
        %bitcast3A = vector.bitcast %get3A_162 : vector<16xf32> to vector<32xbf16>
        %mul3A_163 = arith.constant 256 : i32
        %mul3A_164 = arith.muli %scan3A_59, %mul3A_163 : i32
        %add3A_165 = arith.constant 16 : i32
        %add3A_166 = arith.addi %mul3A_164, %add3A_165 : i32
        %get3A_167 = arith.index_cast %add3A_166 : i32 to index
        %get3A_168 = tpu.vector_load %arg9[%get3A_167] {strides = array<i32>} : memref<16384xf32, #tpu.memory_space<vmem>>, vector<16xf32>,
        %bitcast3A_169 = vector.bitcast %get3A_168 : vector<16xf32> to vector<32xbf16>
        %mul3A_170 = arith.constant 256 : i32
        %mul3A_171 = arith.muli %scan3A_59, %mul3A_170 : i32
        %add3A_172 = arith.constant 32 : i32
        %add3A_173 = arith.addi %mul3A_171, %add3A_172 : i32
        %get3A_174 = arith.index_cast %add3A_173 : i32 to index
        %get3A_175 = tpu.vector_load %arg9[%get3A_174] {strides = array<i32>} : memref<16384xf32, #tpu.memory_space<vmem>>, vector<16xf32>,
        %bitcast3A_176 = vector.bitcast %get3A_175 : vector<16xf32> to vector<32xbf16>
        %mul3A_177 = arith.constant 256 : i32
        %mul3A_178 = arith.muli %scan3A_59, %mul3A_177 : i32
        %add3A_179 = arith.constant 48 : i32
        %add3A_180 = arith.addi %mul3A_178, %add3A_179 : i32
        %get3A_181 = arith.index_cast %add3A_180 : i32 to index
        %get3A_182 = tpu.vector_load %arg9[%get3A_181] {strides = array<i32>} : memref<16384xf32, #tpu.memory_space<vmem>>, vector<16xf32>,
        %bitcast3A_183 = vector.bitcast %get3A_182 : vector<16xf32> to vector<32xbf16>
        %mul3A_184 = arith.constant 256 : i32
        %mul3A_185 = arith.muli %scan3A_59, %mul3A_184 : i32
        %add3A_186 = arith.constant 64 : i32
        %add3A_187 = arith.addi %mul3A_185, %add3A_186 : i32
        %get3A_188 = arith.index_cast %add3A_187 : i32 to index
        %get3A_189 = tpu.vector_load %arg9[%get3A_188] {strides = array<i32>} : memref<16384xf32, #tpu.memory_space<vmem>>, vector<16xf32>,
        %bitcast3A_190 = vector.bitcast %get3A_189 : vector<16xf32> to vector<32xbf16>
        %mul3A_191 = arith.constant 256 : i32
        %mul3A_192 = arith.muli %scan3A_59, %mul3A_191 : i32
        %add3A_193 = arith.constant 80 : i32
        %add3A_194 = arith.addi %mul3A_192, %add3A_193 : i32
        %get3A_195 = arith.index_cast %add3A_194 : i32 to index
        %get3A_196 = tpu.vector_load %arg9[%get3A_195] {strides = array<i32>} : memref<16384xf32, #tpu.memory_space<vmem>>, vector<16xf32>,
        %bitcast3A_197 = vector.bitcast %get3A_196 : vector<16xf32> to vector<32xbf16>
        %mul3A_198 = arith.constant 256 : i32
        %mul3A_199 = arith.muli %scan3A_59, %mul3A_198 : i32
        %add3A_200 = arith.constant 96 : i32
        %add3A_201 = arith.addi %mul3A_199, %add3A_200 : i32
        %get3A_202 = arith.index_cast %add3A_201 : i32 to index
        %get3A_203 = tpu.vector_load %arg9[%get3A_202] {strides = array<i32>} : memref<16384xf32, #tpu.memory_space<vmem>>, vector<16xf32>,
        %bitcast3A_204 = vector.bitcast %get3A_203 : vector<16xf32> to vector<32xbf16>
        %mul3A_205 = arith.constant 256 : i32
        %mul3A_206 = arith.muli %scan3A_59, %mul3A_205 : i32
        %add3A_207 = arith.constant 112 : i32
        %add3A_208 = arith.addi %mul3A_206, %add3A_207 : i32
        %get3A_209 = arith.index_cast %add3A_208 : i32 to index
        %get3A_210 = tpu.vector_load %arg9[%get3A_209] {strides = array<i32>} : memref<16384xf32, #tpu.memory_space<vmem>>, vector<16xf32>,
        %bitcast3A_211 = vector.bitcast %get3A_210 : vector<16xf32> to vector<32xbf16>
        %mul3A_212 = arith.constant 256 : i32
        %mul3A_213 = arith.muli %scan3A_59, %mul3A_212 : i32
        %add3A_214 = arith.constant 128 : i32
        %add3A_215 = arith.addi %mul3A_213, %add3A_214 : i32
        %get3A_216 = arith.index_cast %add3A_215 : i32 to index
        %get3A_217 = tpu.vector_load %arg9[%get3A_216] {strides = array<i32>} : memref<16384xf32, #tpu.memory_space<vmem>>, vector<16xf32>,
        %bitcast3A_218 = vector.bitcast %get3A_217 : vector<16xf32> to vector<32xbf16>
        %mul3A_219 = arith.constant 256 : i32
        %mul3A_220 = arith.muli %scan3A_59, %mul3A_219 : i32
        %add3A_221 = arith.constant 144 : i32
        %add3A_222 = arith.addi %mul3A_220, %add3A_221 : i32
        %get3A_223 = arith.index_cast %add3A_222 : i32 to index
        %get3A_224 = tpu.vector_load %arg9[%get3A_223] {strides = array<i32>} : memref<16384xf32, #tpu.memory_space<vmem>>, vector<16xf32>,
        %bitcast3A_225 = vector.bitcast %get3A_224 : vector<16xf32> to vector<32xbf16>
        %mul3A_226 = arith.constant 256 : i32
        %mul3A_227 = arith.muli %scan3A_59, %mul3A_226 : i32
        %add3A_228 = arith.constant 160 : i32
        %add3A_229 = arith.addi %mul3A_227, %add3A_228 : i32
        %get3A_230 = arith.index_cast %add3A_229 : i32 to index
        %get3A_231 = tpu.vector_load %arg9[%get3A_230] {strides = array<i32>} : memref<16384xf32, #tpu.memory_space<vmem>>, vector<16xf32>,
        %bitcast3A_232 = vector.bitcast %get3A_231 : vector<16xf32> to vector<32xbf16>
        %mul3A_233 = arith.constant 256 : i32
        %mul3A_234 = arith.muli %scan3A_59, %mul3A_233 : i32
        %add3A_235 = arith.constant 176 : i32
        %add3A_236 = arith.addi %mul3A_234, %add3A_235 : i32
        %get3A_237 = arith.index_cast %add3A_236 : i32 to index
        %get3A_238 = tpu.vector_load %arg9[%get3A_237] {strides = array<i32>} : memref<16384xf32, #tpu.memory_space<vmem>>, vector<16xf32>,
        %bitcast3A_239 = vector.bitcast %get3A_238 : vector<16xf32> to vector<32xbf16>
        %mul3A_240 = arith.constant 256 : i32
        %mul3A_241 = arith.muli %scan3A_59, %mul3A_240 : i32
        %add3A_242 = arith.constant 192 : i32
        %add3A_243 = arith.addi %mul3A_241, %add3A_242 : i32
        %get3A_244 = arith.index_cast %add3A_243 : i32 to index
        %get3A_245 = tpu.vector_load %arg9[%get3A_244] {strides = array<i32>} : memref<16384xf32, #tpu.memory_space<vmem>>, vector<16xf32>,
        %bitcast3A_246 = vector.bitcast %get3A_245 : vector<16xf32> to vector<32xbf16>
        %mul3A_247 = arith.constant 256 : i32
        %mul3A_248 = arith.muli %scan3A_59, %mul3A_247 : i32
        %add3A_249 = arith.constant 208 : i32
        %add3A_250 = arith.addi %mul3A_248, %add3A_249 : i32
        %get3A_251 = arith.index_cast %add3A_250 : i32 to index
        %get3A_252 = tpu.vector_load %arg9[%get3A_251] {strides = array<i32>} : memref<16384xf32, #tpu.memory_space<vmem>>, vector<16xf32>,
        %bitcast3A_253 = vector.bitcast %get3A_252 : vector<16xf32> to vector<32xbf16>
        %mul3A_254 = arith.constant 256 : i32
        %mul3A_255 = arith.muli %scan3A_59, %mul3A_254 : i32
        %add3A_256 = arith.constant 224 : i32
        %add3A_257 = arith.addi %mul3A_255, %add3A_256 : i32
        %get3A_258 = arith.index_cast %add3A_257 : i32 to index
        %get3A_259 = tpu.vector_load %arg9[%get3A_258] {strides = array<i32>} : memref<16384xf32, #tpu.memory_space<vmem>>, vector<16xf32>,
        %bitcast3A_260 = vector.bitcast %get3A_259 : vector<16xf32> to vector<32xbf16>
        %mul3A_261 = arith.constant 256 : i32
        %mul3A_262 = arith.muli %scan3A_59, %mul3A_261 : i32
        %add3A_263 = arith.constant 240 : i32
        %add3A_264 = arith.addi %mul3A_262, %add3A_263 : i32
        %get3A_265 = arith.index_cast %add3A_264 : i32 to index
        %get3A_266 = tpu.vector_load %arg9[%get3A_265] {strides = array<i32>} : memref<16384xf32, #tpu.memory_space<vmem>>, vector<16xf32>,
        %bitcast3A_267 = vector.bitcast %get3A_266 : vector<16xf32> to vector<32xbf16>
        %parallel_loop3A_268 = arith.constant 0 : i32
        %parallel_loop3A_269 = arith.constant 16 : i32
        %parallel_loop3A_270 = arith.constant 1 : i32
        scf.for %parallel_loop3A_272 = %parallel_loop3A_268 to %parallel_loop3A_269 step %parallel_loop3A_270  : i32 {
          %parallel_loop3A_273 = arith.constant 1024 : i32
          %parallel_loop3A_274 = arith.muli %parallel_loop3A_272, %parallel_loop3A_273 : i32
          %parallel_loop3A_275 = tpu.memref_slice %arg11[%parallel_loop3A_274] : memref<16384xi32, #tpu.memory_space<vmem>> -> memref<1024xi32, #tpu.memory_space<vmem>>
          %parallel_loop3A_276 = tpu.vector_load_idx %parallel_loop3A_275[%get3A_66] : memref<1024xi32, #tpu.memory_space<vmem>>[vector<16xi32>], vector<16xi32>,
          %parallel_loop3A_277 = vector.bitcast %parallel_loop3A_276 : vector<16xi32> to vector<32xbf16>
          %parallel_loop3A_278 = arith.addf %parallel_loop3A_277, %bitcast3A : vector<32xbf16>
          %parallel_loop3A_279 = arith.cmpf oeq, %parallel_loop3A_277, %broadcast_in_dim3A_14 : vector<32xbf16>
          %parallel_loop3A_280 = arith.select %parallel_loop3A_279, %broadcast_in_dim3A_10, %parallel_loop3A_278 : vector<32xi1>, vector<32xbf16>
          %parallel_loop3A_281 = tpu.memref_slice %arg11[%parallel_loop3A_274] : memref<16384xi32, #tpu.memory_space<vmem>> -> memref<1024xi32, #tpu.memory_space<vmem>>
          %parallel_loop3A_282 = tpu.vector_load_idx %parallel_loop3A_281[%get3A_72] : memref<1024xi32, #tpu.memory_space<vmem>>[vector<16xi32>], vector<16xi32>,
          %parallel_loop3A_283 = vector.bitcast %parallel_loop3A_282 : vector<16xi32> to vector<32xbf16>
          %parallel_loop3A_284 = arith.addf %parallel_loop3A_283, %bitcast3A_169 : vector<32xbf16>
          %parallel_loop3A_285 = arith.cmpf oeq, %parallel_loop3A_283, %broadcast_in_dim3A_14 : vector<32xbf16>
          %parallel_loop3A_286 = arith.select %parallel_loop3A_285, %broadcast_in_dim3A_10, %parallel_loop3A_284 : vector<32xi1>, vector<32xbf16>
          %parallel_loop3A_287 = tpu.memref_slice %arg11[%parallel_loop3A_274] : memref<16384xi32, #tpu.memory_space<vmem>> -> memref<1024xi32, #tpu.memory_space<vmem>>
          %parallel_loop3A_288 = tpu.vector_load_idx %parallel_loop3A_287[%get3A_78] : memref<1024xi32, #tpu.memory_space<vmem>>[vector<16xi32>], vector<16xi32>,
          %parallel_loop3A_289 = vector.bitcast %parallel_loop3A_288 : vector<16xi32> to vector<32xbf16>
          %parallel_loop3A_290 = arith.addf %parallel_loop3A_289, %bitcast3A_176 : vector<32xbf16>
          %parallel_loop3A_291 = arith.cmpf oeq, %parallel_loop3A_289, %broadcast_in_dim3A_14 : vector<32xbf16>
          %parallel_loop3A_292 = arith.select %parallel_loop3A_291, %broadcast_in_dim3A_10, %parallel_loop3A_290 : vector<32xi1>, vector<32xbf16>
          %parallel_loop3A_293 = tpu.memref_slice %arg11[%parallel_loop3A_274] : memref<16384xi32, #tpu.memory_space<vmem>> -> memref<1024xi32, #tpu.memory_space<vmem>>
          %parallel_loop3A_294 = tpu.vector_load_idx %parallel_loop3A_293[%get3A_84] : memref<1024xi32, #tpu.memory_space<vmem>>[vector<16xi32>], vector<16xi32>,
          %parallel_loop3A_295 = vector.bitcast %parallel_loop3A_294 : vector<16xi32> to vector<32xbf16>
          %parallel_loop3A_296 = arith.addf %parallel_loop3A_295, %bitcast3A_183 : vector<32xbf16>
          %parallel_loop3A_297 = arith.cmpf oeq, %parallel_loop3A_295, %broadcast_in_dim3A_14 : vector<32xbf16>
          %parallel_loop3A_298 = arith.select %parallel_loop3A_297, %broadcast_in_dim3A_10, %parallel_loop3A_296 : vector<32xi1>, vector<32xbf16>
          %parallel_loop3A_299 = tpu.memref_slice %arg11[%parallel_loop3A_274] : memref<16384xi32, #tpu.memory_space<vmem>> -> memref<1024xi32, #tpu.memory_space<vmem>>
          %parallel_loop3A_300 = tpu.vector_load_idx %parallel_loop3A_299[%get3A_90] : memref<1024xi32, #tpu.memory_space<vmem>>[vector<16xi32>], vector<16xi32>,
          %parallel_loop3A_301 = vector.bitcast %parallel_loop3A_300 : vector<16xi32> to vector<32xbf16>
          %parallel_loop3A_302 = arith.addf %parallel_loop3A_301, %bitcast3A_190 : vector<32xbf16>
          %parallel_loop3A_303 = arith.cmpf oeq, %parallel_loop3A_301, %broadcast_in_dim3A_14 : vector<32xbf16>
          %parallel_loop3A_304 = arith.select %parallel_loop3A_303, %broadcast_in_dim3A_10, %parallel_loop3A_302 : vector<32xi1>, vector<32xbf16>
          %parallel_loop3A_305 = arith.maximumf %parallel_loop3A_280, %parallel_loop3A_304 : vector<32xbf16>
          %parallel_loop3A_306 = tpu.memref_slice %arg11[%parallel_loop3A_274] : memref<16384xi32, #tpu.memory_space<vmem>> -> memref<1024xi32, #tpu.memory_space<vmem>>
          %parallel_loop3A_307 = tpu.vector_load_idx %parallel_loop3A_306[%get3A_96] : memref<1024xi32, #tpu.memory_space<vmem>>[vector<16xi32>], vector<16xi32>,
          %parallel_loop3A_308 = vector.bitcast %parallel_loop3A_307 : vector<16xi32> to vector<32xbf16>
          %parallel_loop3A_309 = arith.addf %parallel_loop3A_308, %bitcast3A_197 : vector<32xbf16>
          %parallel_loop3A_310 = arith.cmpf oeq, %parallel_loop3A_308, %broadcast_in_dim3A_14 : vector<32xbf16>
          %parallel_loop3A_311 = arith.select %parallel_loop3A_310, %broadcast_in_dim3A_10, %parallel_loop3A_309 : vector<32xi1>, vector<32xbf16>
          %parallel_loop3A_312 = arith.maximumf %parallel_loop3A_286, %parallel_loop3A_311 : vector<32xbf16>
          %parallel_loop3A_313 = tpu.memref_slice %arg11[%parallel_loop3A_274] : memref<16384xi32, #tpu.memory_space<vmem>> -> memref<1024xi32, #tpu.memory_space<vmem>>
          %parallel_loop3A_314 = tpu.vector_load_idx %parallel_loop3A_313[%get3A_102] : memref<1024xi32, #tpu.memory_space<vmem>>[vector<16xi32>], vector<16xi32>,
          %parallel_loop3A_315 = vector.bitcast %parallel_loop3A_314 : vector<16xi32> to vector<32xbf16>
          %parallel_loop3A_316 = arith.addf %parallel_loop3A_315, %bitcast3A_204 : vector<32xbf16>
          %parallel_loop3A_317 = arith.cmpf oeq, %parallel_loop3A_315, %broadcast_in_dim3A_14 : vector<32xbf16>
          %parallel_loop3A_318 = arith.select %parallel_loop3A_317, %broadcast_in_dim3A_10, %parallel_loop3A_316 : vector<32xi1>, vector<32xbf16>
          %parallel_loop3A_319 = arith.maximumf %parallel_loop3A_292, %parallel_loop3A_318 : vector<32xbf16>
          %parallel_loop3A_320 = tpu.memref_slice %arg11[%parallel_loop3A_274] : memref<16384xi32, #tpu.memory_space<vmem>> -> memref<1024xi32, #tpu.memory_space<vmem>>
          %parallel_loop3A_321 = tpu.vector_load_idx %parallel_loop3A_320[%get3A_108] : memref<1024xi32, #tpu.memory_space<vmem>>[vector<16xi32>], vector<16xi32>,
          %parallel_loop3A_322 = vector.bitcast %parallel_loop3A_321 : vector<16xi32> to vector<32xbf16>
          %parallel_loop3A_323 = arith.addf %parallel_loop3A_322, %bitcast3A_211 : vector<32xbf16>
          %parallel_loop3A_324 = arith.cmpf oeq, %parallel_loop3A_322, %broadcast_in_dim3A_14 : vector<32xbf16>
          %parallel_loop3A_325 = arith.select %parallel_loop3A_324, %broadcast_in_dim3A_10, %parallel_loop3A_323 : vector<32xi1>, vector<32xbf16>
          %parallel_loop3A_326 = arith.maximumf %parallel_loop3A_298, %parallel_loop3A_325 : vector<32xbf16>
          %parallel_loop3A_327 = tpu.memref_slice %arg11[%parallel_loop3A_274] : memref<16384xi32, #tpu.memory_space<vmem>> -> memref<1024xi32, #tpu.memory_space<vmem>>
          %parallel_loop3A_328 = tpu.vector_load_idx %parallel_loop3A_327[%get3A_114] : memref<1024xi32, #tpu.memory_space<vmem>>[vector<16xi32>], vector<16xi32>,
          %parallel_loop3A_329 = vector.bitcast %parallel_loop3A_328 : vector<16xi32> to vector<32xbf16>
          %parallel_loop3A_330 = arith.addf %parallel_loop3A_329, %bitcast3A_218 : vector<32xbf16>
          %parallel_loop3A_331 = arith.cmpf oeq, %parallel_loop3A_329, %broadcast_in_dim3A_14 : vector<32xbf16>
          %parallel_loop3A_332 = arith.select %parallel_loop3A_331, %broadcast_in_dim3A_10, %parallel_loop3A_330 : vector<32xi1>, vector<32xbf16>
          %parallel_loop3A_333 = arith.maximumf %parallel_loop3A_305, %parallel_loop3A_332 : vector<32xbf16>
          %parallel_loop3A_334 = tpu.memref_slice %arg11[%parallel_loop3A_274] : memref<16384xi32, #tpu.memory_space<vmem>> -> memref<1024xi32, #tpu.memory_space<vmem>>
          %parallel_loop3A_335 = tpu.vector_load_idx %parallel_loop3A_334[%get3A_120] : memref<1024xi32, #tpu.memory_space<vmem>>[vector<16xi32>], vector<16xi32>,
          %parallel_loop3A_336 = vector.bitcast %parallel_loop3A_335 : vector<16xi32> to vector<32xbf16>
          %parallel_loop3A_337 = arith.addf %parallel_loop3A_336, %bitcast3A_225 : vector<32xbf16>
          %parallel_loop3A_338 = arith.cmpf oeq, %parallel_loop3A_336, %broadcast_in_dim3A_14 : vector<32xbf16>
          %parallel_loop3A_339 = arith.select %parallel_loop3A_338, %broadcast_in_dim3A_10, %parallel_loop3A_337 : vector<32xi1>, vector<32xbf16>
          %parallel_loop3A_340 = arith.maximumf %parallel_loop3A_312, %parallel_loop3A_339 : vector<32xbf16>
          %parallel_loop3A_341 = tpu.memref_slice %arg11[%parallel_loop3A_274] : memref<16384xi32, #tpu.memory_space<vmem>> -> memref<1024xi32, #tpu.memory_space<vmem>>
          %parallel_loop3A_342 = tpu.vector_load_idx %parallel_loop3A_341[%get3A_126] : memref<1024xi32, #tpu.memory_space<vmem>>[vector<16xi32>], vector<16xi32>,
          %parallel_loop3A_343 = vector.bitcast %parallel_loop3A_342 : vector<16xi32> to vector<32xbf16>
          %parallel_loop3A_344 = arith.addf %parallel_loop3A_343, %bitcast3A_232 : vector<32xbf16>
          %parallel_loop3A_345 = arith.cmpf oeq, %parallel_loop3A_343, %broadcast_in_dim3A_14 : vector<32xbf16>
          %parallel_loop3A_346 = arith.select %parallel_loop3A_345, %broadcast_in_dim3A_10, %parallel_loop3A_344 : vector<32xi1>, vector<32xbf16>
          %parallel_loop3A_347 = arith.maximumf %parallel_loop3A_319, %parallel_loop3A_346 : vector<32xbf16>
          %parallel_loop3A_348 = tpu.memref_slice %arg11[%parallel_loop3A_274] : memref<16384xi32, #tpu.memory_space<vmem>> -> memref<1024xi32, #tpu.memory_space<vmem>>
          %parallel_loop3A_349 = tpu.vector_load_idx %parallel_loop3A_348[%get3A_132] : memref<1024xi32, #tpu.memory_space<vmem>>[vector<16xi32>], vector<16xi32>,
          %parallel_loop3A_350 = vector.bitcast %parallel_loop3A_349 : vector<16xi32> to vector<32xbf16>
          %parallel_loop3A_351 = arith.addf %parallel_loop3A_350, %bitcast3A_239 : vector<32xbf16>
          %parallel_loop3A_352 = arith.cmpf oeq, %parallel_loop3A_350, %broadcast_in_dim3A_14 : vector<32xbf16>
          %parallel_loop3A_353 = arith.select %parallel_loop3A_352, %broadcast_in_dim3A_10, %parallel_loop3A_351 : vector<32xi1>, vector<32xbf16>
          %parallel_loop3A_354 = arith.maximumf %parallel_loop3A_326, %parallel_loop3A_353 : vector<32xbf16>
          %parallel_loop3A_355 = tpu.memref_slice %arg11[%parallel_loop3A_274] : memref<16384xi32, #tpu.memory_space<vmem>> -> memref<1024xi32, #tpu.memory_space<vmem>>
          %parallel_loop3A_356 = tpu.vector_load_idx %parallel_loop3A_355[%get3A_138] : memref<1024xi32, #tpu.memory_space<vmem>>[vector<16xi32>], vector<16xi32>,
          %parallel_loop3A_357 = vector.bitcast %parallel_loop3A_356 : vector<16xi32> to vector<32xbf16>
          %parallel_loop3A_358 = arith.addf %parallel_loop3A_357, %bitcast3A_246 : vector<32xbf16>
          %parallel_loop3A_359 = arith.cmpf oeq, %parallel_loop3A_357, %broadcast_in_dim3A_14 : vector<32xbf16>
          %parallel_loop3A_360 = arith.select %parallel_loop3A_359, %broadcast_in_dim3A_10, %parallel_loop3A_358 : vector<32xi1>, vector<32xbf16>
          %parallel_loop3A_361 = arith.maximumf %parallel_loop3A_333, %parallel_loop3A_360 : vector<32xbf16>
          %parallel_loop3A_362 = tpu.memref_slice %arg11[%parallel_loop3A_274] : memref<16384xi32, #tpu.memory_space<vmem>> -> memref<1024xi32, #tpu.memory_space<vmem>>
          %parallel_loop3A_363 = tpu.vector_load_idx %parallel_loop3A_362[%get3A_144] : memref<1024xi32, #tpu.memory_space<vmem>>[vector<16xi32>], vector<16xi32>,
          %parallel_loop3A_364 = vector.bitcast %parallel_loop3A_363 : vector<16xi32> to vector<32xbf16>
          %parallel_loop3A_365 = arith.addf %parallel_loop3A_364, %bitcast3A_253 : vector<32xbf16>
          %parallel_loop3A_366 = arith.cmpf oeq, %parallel_loop3A_364, %broadcast_in_dim3A_14 : vector<32xbf16>
          %parallel_loop3A_367 = arith.select %parallel_loop3A_366, %broadcast_in_dim3A_10, %parallel_loop3A_365 : vector<32xi1>, vector<32xbf16>
          %parallel_loop3A_368 = arith.maximumf %parallel_loop3A_340, %parallel_loop3A_367 : vector<32xbf16>
          %parallel_loop3A_369 = tpu.memref_slice %arg11[%parallel_loop3A_274] : memref<16384xi32, #tpu.memory_space<vmem>> -> memref<1024xi32, #tpu.memory_space<vmem>>
          %parallel_loop3A_370 = tpu.vector_load_idx %parallel_loop3A_369[%get3A_150] : memref<1024xi32, #tpu.memory_space<vmem>>[vector<16xi32>], vector<16xi32>,
          %parallel_loop3A_371 = vector.bitcast %parallel_loop3A_370 : vector<16xi32> to vector<32xbf16>
          %parallel_loop3A_372 = arith.addf %parallel_loop3A_371, %bitcast3A_260 : vector<32xbf16>
          %parallel_loop3A_373 = arith.cmpf oeq, %parallel_loop3A_371, %broadcast_in_dim3A_14 : vector<32xbf16>
          %parallel_loop3A_374 = arith.select %parallel_loop3A_373, %broadcast_in_dim3A_10, %parallel_loop3A_372 : vector<32xi1>, vector<32xbf16>
          %parallel_loop3A_375 = arith.maximumf %parallel_loop3A_347, %parallel_loop3A_374 : vector<32xbf16>
          %parallel_loop3A_376 = tpu.memref_slice %arg11[%parallel_loop3A_274] : memref<16384xi32, #tpu.memory_space<vmem>> -> memref<1024xi32, #tpu.memory_space<vmem>>
          %parallel_loop3A_377 = tpu.vector_load_idx %parallel_loop3A_376[%get3A_156] : memref<1024xi32, #tpu.memory_space<vmem>>[vector<16xi32>], vector<16xi32>,
          %parallel_loop3A_378 = vector.bitcast %parallel_loop3A_377 : vector<16xi32> to vector<32xbf16>
          %parallel_loop3A_379 = arith.addf %parallel_loop3A_378, %bitcast3A_267 : vector<32xbf16>
          %parallel_loop3A_380 = arith.cmpf oeq, %parallel_loop3A_378, %broadcast_in_dim3A_14 : vector<32xbf16>
          %parallel_loop3A_381 = arith.select %parallel_loop3A_380, %broadcast_in_dim3A_10, %parallel_loop3A_379 : vector<32xi1>, vector<32xbf16>
          %parallel_loop3A_382 = arith.maximumf %parallel_loop3A_354, %parallel_loop3A_381 : vector<32xbf16>
          %parallel_loop3A_383 = arith.maximumf %parallel_loop3A_361, %parallel_loop3A_368 : vector<32xbf16>
          %parallel_loop3A_384 = arith.maximumf %parallel_loop3A_375, %parallel_loop3A_382 : vector<32xbf16>
          %parallel_loop3A_385 = arith.maximumf %parallel_loop3A_383, %parallel_loop3A_384 : vector<32xbf16>
          %parallel_loop3A_386 = tpu.unpack_subelements %parallel_loop3A_385, 0 {pack_format = #tpu.pack_format<interleaved>} : vector<32xbf16> -> vector<16xf32>
          %parallel_loop3A_387 = tpu.unpack_subelements %parallel_loop3A_385, 1 {pack_format = #tpu.pack_format<interleaved>} : vector<32xbf16> -> vector<16xf32>
          %parallel_loop3A_388 = arith.constant 2 : i32
          %parallel_loop3A_389 = arith.muli %parallel_loop3A_388, %parallel_loop3A_272 : i32
          %parallel_loop3A_390 = arith.constant 1024 : i32
          %parallel_loop3A_391 = arith.muli %parallel_loop3A_389, %parallel_loop3A_390 : i32
          %parallel_loop3A_392 = arith.constant 16 : i32
          %parallel_loop3A_393 = arith.muli %scan3A_59, %parallel_loop3A_392 : i32
          %parallel_loop3A_394 = arith.addi %parallel_loop3A_391, %parallel_loop3A_393 : i32
          %parallel_loop3A_395 = arith.mulf %parallel_loop3A_386, %div3A_7 : vector<16xf32>
          %parallel_loop3A_396 = arith.index_cast %parallel_loop3A_394 : i32 to index
          %parallel_loop3A_397 = tpu.vector_load %arg12[%parallel_loop3A_396] {strides = array<i32>} : memref<32768xf32, #tpu.memory_space<vmem>>, vector<16xf32>,
          tpu.vector_store %arg12[%parallel_loop3A_396], %parallel_loop3A_395 {strides = array<i32>} : memref<32768xf32, #tpu.memory_space<vmem>>, vector<16xf32>,
          %parallel_loop3A_398 = arith.mulf %parallel_loop3A_387, %div3A_7 : vector<16xf32>
          %parallel_loop3A_399 = arith.constant 1024 : i32
          %parallel_loop3A_400 = arith.addi %parallel_loop3A_394, %parallel_loop3A_399 : i32
          %parallel_loop3A_401 = arith.index_cast %parallel_loop3A_400 : i32 to index
          %parallel_loop3A_402 = tpu.vector_load %arg12[%parallel_loop3A_401] {strides = array<i32>} : memref<32768xf32, #tpu.memory_space<vmem>>, vector<16xf32>,
          tpu.vector_store %arg12[%parallel_loop3A_401], %parallel_loop3A_398 {strides = array<i32>} : memref<32768xf32, #tpu.memory_space<vmem>>, vector<16xf32>,
        } {sc.loop_unroll_factor = 2 : i64, sc.parallel_access}
        %scan3A_271 = arith.constant 0 : i32
        scf.yield %scan3A_271 : i32
      }
      %scan3A_58 = arith.constant 64 : i32
    } else {
      %scan3A_52 = arith.constant 0 : i32
      %scan3A_53 = arith.constant 0 : i32
      %scan3A_54 = arith.constant 64 : i32
      %scan3A_55 = arith.addi %scan3A_53, %scan3A_54 : i32
      %scan3A_56 = arith.constant 1 : i32
      %scan3A_57 = scf.for %scan3A_59 = %scan3A_53 to %scan3A_55 step %scan3A_56 iter_args(%scan3A_60 = %scan3A_52) -> (i32)  : i32 {
        %mul3A_61 = arith.constant 256 : i32
        %mul3A_62 = arith.muli %scan3A_59, %mul3A_61 : i32
        %add3A_63 = arith.constant 0 : i32
        %add3A_64 = arith.addi %mul3A_62, %add3A_63 : i32
        %get3A_65 = arith.index_cast %add3A_64 : i32 to index
        %get3A_66 = tpu.vector_load %arg8[%get3A_65] {strides = array<i32>} : memref<16384xi32, #tpu.memory_space<vmem>>, vector<16xi32>,
        %mul3A_67 = arith.constant 256 : i32
        %mul3A_68 = arith.muli %scan3A_59, %mul3A_67 : i32
        %add3A_69 = arith.constant 16 : i32
        %add3A_70 = arith.addi %mul3A_68, %add3A_69 : i32
        %get3A_71 = arith.index_cast %add3A_70 : i32 to index
        %get3A_72 = tpu.vector_load %arg8[%get3A_71] {strides = array<i32>} : memref<16384xi32, #tpu.memory_space<vmem>>, vector<16xi32>,
        %mul3A_73 = arith.constant 256 : i32
        %mul3A_74 = arith.muli %scan3A_59, %mul3A_73 : i32
        %add3A_75 = arith.constant 32 : i32
        %add3A_76 = arith.addi %mul3A_74, %add3A_75 : i32
        %get3A_77 = arith.index_cast %add3A_76 : i32 to index
        %get3A_78 = tpu.vector_load %arg8[%get3A_77] {strides = array<i32>} : memref<16384xi32, #tpu.memory_space<vmem>>, vector<16xi32>,
        %mul3A_79 = arith.constant 256 : i32
        %mul3A_80 = arith.muli %scan3A_59, %mul3A_79 : i32
        %add3A_81 = arith.constant 48 : i32
        %add3A_82 = arith.addi %mul3A_80, %add3A_81 : i32
        %get3A_83 = arith.index_cast %add3A_82 : i32 to index
        %get3A_84 = tpu.vector_load %arg8[%get3A_83] {strides = array<i32>} : memref<16384xi32, #tpu.memory_space<vmem>>, vector<16xi32>,
        %mul3A_85 = arith.constant 256 : i32
        %mul3A_86 = arith.muli %scan3A_59, %mul3A_85 : i32
        %add3A_87 = arith.constant 64 : i32
        %add3A_88 = arith.addi %mul3A_86, %add3A_87 : i32
        %get3A_89 = arith.index_cast %add3A_88 : i32 to index
        %get3A_90 = tpu.vector_load %arg8[%get3A_89] {strides = array<i32>} : memref<16384xi32, #tpu.memory_space<vmem>>, vector<16xi32>,
        %mul3A_91 = arith.constant 256 : i32
        %mul3A_92 = arith.muli %scan3A_59, %mul3A_91 : i32
        %add3A_93 = arith.constant 80 : i32
        %add3A_94 = arith.addi %mul3A_92, %add3A_93 : i32
        %get3A_95 = arith.index_cast %add3A_94 : i32 to index
        %get3A_96 = tpu.vector_load %arg8[%get3A_95] {strides = array<i32>} : memref<16384xi32, #tpu.memory_space<vmem>>, vector<16xi32>,
        %mul3A_97 = arith.constant 256 : i32
        %mul3A_98 = arith.muli %scan3A_59, %mul3A_97 : i32
        %add3A_99 = arith.constant 96 : i32
        %add3A_100 = arith.addi %mul3A_98, %add3A_99 : i32
        %get3A_101 = arith.index_cast %add3A_100 : i32 to index
        %get3A_102 = tpu.vector_load %arg8[%get3A_101] {strides = array<i32>} : memref<16384xi32, #tpu.memory_space<vmem>>, vector<16xi32>,
        %mul3A_103 = arith.constant 256 : i32
        %mul3A_104 = arith.muli %scan3A_59, %mul3A_103 : i32
        %add3A_105 = arith.constant 112 : i32
        %add3A_106 = arith.addi %mul3A_104, %add3A_105 : i32
        %get3A_107 = arith.index_cast %add3A_106 : i32 to index
        %get3A_108 = tpu.vector_load %arg8[%get3A_107] {strides = array<i32>} : memref<16384xi32, #tpu.memory_space<vmem>>, vector<16xi32>,
        %mul3A_109 = arith.constant 256 : i32
        %mul3A_110 = arith.muli %scan3A_59, %mul3A_109 : i32
        %add3A_111 = arith.constant 128 : i32
        %add3A_112 = arith.addi %mul3A_110, %add3A_111 : i32
        %get3A_113 = arith.index_cast %add3A_112 : i32 to index
        %get3A_114 = tpu.vector_load %arg8[%get3A_113] {strides = array<i32>} : memref<16384xi32, #tpu.memory_space<vmem>>, vector<16xi32>,
        %mul3A_115 = arith.constant 256 : i32
        %mul3A_116 = arith.muli %scan3A_59, %mul3A_115 : i32
        %add3A_117 = arith.constant 144 : i32
        %add3A_118 = arith.addi %mul3A_116, %add3A_117 : i32
        %get3A_119 = arith.index_cast %add3A_118 : i32 to index
        %get3A_120 = tpu.vector_load %arg8[%get3A_119] {strides = array<i32>} : memref<16384xi32, #tpu.memory_space<vmem>>, vector<16xi32>,
        %mul3A_121 = arith.constant 256 : i32
        %mul3A_122 = arith.muli %scan3A_59, %mul3A_121 : i32
        %add3A_123 = arith.constant 160 : i32
        %add3A_124 = arith.addi %mul3A_122, %add3A_123 : i32
        %get3A_125 = arith.index_cast %add3A_124 : i32 to index
        %get3A_126 = tpu.vector_load %arg8[%get3A_125] {strides = array<i32>} : memref<16384xi32, #tpu.memory_space<vmem>>, vector<16xi32>,
        %mul3A_127 = arith.constant 256 : i32
        %mul3A_128 = arith.muli %scan3A_59, %mul3A_127 : i32
        %add3A_129 = arith.constant 176 : i32
        %add3A_130 = arith.addi %mul3A_128, %add3A_129 : i32
        %get3A_131 = arith.index_cast %add3A_130 : i32 to index
        %get3A_132 = tpu.vector_load %arg8[%get3A_131] {strides = array<i32>} : memref<16384xi32, #tpu.memory_space<vmem>>, vector<16xi32>,
        %mul3A_133 = arith.constant 256 : i32
        %mul3A_134 = arith.muli %scan3A_59, %mul3A_133 : i32
        %add3A_135 = arith.constant 192 : i32
        %add3A_136 = arith.addi %mul3A_134, %add3A_135 : i32
        %get3A_137 = arith.index_cast %add3A_136 : i32 to index
        %get3A_138 = tpu.vector_load %arg8[%get3A_137] {strides = array<i32>} : memref<16384xi32, #tpu.memory_space<vmem>>, vector<16xi32>,
        %mul3A_139 = arith.constant 256 : i32
        %mul3A_140 = arith.muli %scan3A_59, %mul3A_139 : i32
        %add3A_141 = arith.constant 208 : i32
        %add3A_142 = arith.addi %mul3A_140, %add3A_141 : i32
        %get3A_143 = arith.index_cast %add3A_142 : i32 to index
        %get3A_144 = tpu.vector_load %arg8[%get3A_143] {strides = array<i32>} : memref<16384xi32, #tpu.memory_space<vmem>>, vector<16xi32>,
        %mul3A_145 = arith.constant 256 : i32
        %mul3A_146 = arith.muli %scan3A_59, %mul3A_145 : i32
        %add3A_147 = arith.constant 224 : i32
        %add3A_148 = arith.addi %mul3A_146, %add3A_147 : i32
        %get3A_149 = arith.index_cast %add3A_148 : i32 to index
        %get3A_150 = tpu.vector_load %arg8[%get3A_149] {strides = array<i32>} : memref<16384xi32, #tpu.memory_space<vmem>>, vector<16xi32>,
        %mul3A_151 = arith.constant 256 : i32
        %mul3A_152 = arith.muli %scan3A_59, %mul3A_151 : i32
        %add3A_153 = arith.constant 240 : i32
        %add3A_154 = arith.addi %mul3A_152, %add3A_153 : i32
        %get3A_155 = arith.index_cast %add3A_154 : i32 to index
        %get3A_156 = tpu.vector_load %arg8[%get3A_155] {strides = array<i32>} : memref<16384xi32, #tpu.memory_space<vmem>>, vector<16xi32>,
        %mul3A_157 = arith.constant 256 : i32
        %mul3A_158 = arith.muli %scan3A_59, %mul3A_157 : i32
        %add3A_159 = arith.constant 0 : i32
        %add3A_160 = arith.addi %mul3A_158, %add3A_159 : i32
        %get3A_161 = arith.index_cast %add3A_160 : i32 to index
        %get3A_162 = tpu.vector_load %arg9[%get3A_161] {strides = array<i32>} : memref<16384xf32, #tpu.memory_space<vmem>>, vector<16xf32>,
        %bitcast3A = vector.bitcast %get3A_162 : vector<16xf32> to vector<32xbf16>
        %mul3A_163 = arith.constant 256 : i32
        %mul3A_164 = arith.muli %scan3A_59, %mul3A_163 : i32
        %add3A_165 = arith.constant 16 : i32
        %add3A_166 = arith.addi %mul3A_164, %add3A_165 : i32
        %get3A_167 = arith.index_cast %add3A_166 : i32 to index
        %get3A_168 = tpu.vector_load %arg9[%get3A_167] {strides = array<i32>} : memref<16384xf32, #tpu.memory_space<vmem>>, vector<16xf32>,
        %bitcast3A_169 = vector.bitcast %get3A_168 : vector<16xf32> to vector<32xbf16>
        %mul3A_170 = arith.constant 256 : i32
        %mul3A_171 = arith.muli %scan3A_59, %mul3A_170 : i32
        %add3A_172 = arith.constant 32 : i32
        %add3A_173 = arith.addi %mul3A_171, %add3A_172 : i32
        %get3A_174 = arith.index_cast %add3A_173 : i32 to index
        %get3A_175 = tpu.vector_load %arg9[%get3A_174] {strides = array<i32>} : memref<16384xf32, #tpu.memory_space<vmem>>, vector<16xf32>,
        %bitcast3A_176 = vector.bitcast %get3A_175 : vector<16xf32> to vector<32xbf16>
        %mul3A_177 = arith.constant 256 : i32
        %mul3A_178 = arith.muli %scan3A_59, %mul3A_177 : i32
        %add3A_179 = arith.constant 48 : i32
        %add3A_180 = arith.addi %mul3A_178, %add3A_179 : i32
        %get3A_181 = arith.index_cast %add3A_180 : i32 to index
        %get3A_182 = tpu.vector_load %arg9[%get3A_181] {strides = array<i32>} : memref<16384xf32, #tpu.memory_space<vmem>>, vector<16xf32>,
        %bitcast3A_183 = vector.bitcast %get3A_182 : vector<16xf32> to vector<32xbf16>
        %mul3A_184 = arith.constant 256 : i32
        %mul3A_185 = arith.muli %scan3A_59, %mul3A_184 : i32
        %add3A_186 = arith.constant 64 : i32
        %add3A_187 = arith.addi %mul3A_185, %add3A_186 : i32
        %get3A_188 = arith.index_cast %add3A_187 : i32 to index
        %get3A_189 = tpu.vector_load %arg9[%get3A_188] {strides = array<i32>} : memref<16384xf32, #tpu.memory_space<vmem>>, vector<16xf32>,
        %bitcast3A_190 = vector.bitcast %get3A_189 : vector<16xf32> to vector<32xbf16>
        %mul3A_191 = arith.constant 256 : i32
        %mul3A_192 = arith.muli %scan3A_59, %mul3A_191 : i32
        %add3A_193 = arith.constant 80 : i32
        %add3A_194 = arith.addi %mul3A_192, %add3A_193 : i32
        %get3A_195 = arith.index_cast %add3A_194 : i32 to index
        %get3A_196 = tpu.vector_load %arg9[%get3A_195] {strides = array<i32>} : memref<16384xf32, #tpu.memory_space<vmem>>, vector<16xf32>,
        %bitcast3A_197 = vector.bitcast %get3A_196 : vector<16xf32> to vector<32xbf16>
        %mul3A_198 = arith.constant 256 : i32
        %mul3A_199 = arith.muli %scan3A_59, %mul3A_198 : i32
        %add3A_200 = arith.constant 96 : i32
        %add3A_201 = arith.addi %mul3A_199, %add3A_200 : i32
        %get3A_202 = arith.index_cast %add3A_201 : i32 to index
        %get3A_203 = tpu.vector_load %arg9[%get3A_202] {strides = array<i32>} : memref<16384xf32, #tpu.memory_space<vmem>>, vector<16xf32>,
        %bitcast3A_204 = vector.bitcast %get3A_203 : vector<16xf32> to vector<32xbf16>
        %mul3A_205 = arith.constant 256 : i32
        %mul3A_206 = arith.muli %scan3A_59, %mul3A_205 : i32
        %add3A_207 = arith.constant 112 : i32
        %add3A_208 = arith.addi %mul3A_206, %add3A_207 : i32
        %get3A_209 = arith.index_cast %add3A_208 : i32 to index
        %get3A_210 = tpu.vector_load %arg9[%get3A_209] {strides = array<i32>} : memref<16384xf32, #tpu.memory_space<vmem>>, vector<16xf32>,
        %bitcast3A_211 = vector.bitcast %get3A_210 : vector<16xf32> to vector<32xbf16>
        %mul3A_212 = arith.constant 256 : i32
        %mul3A_213 = arith.muli %scan3A_59, %mul3A_212 : i32
        %add3A_214 = arith.constant 128 : i32
        %add3A_215 = arith.addi %mul3A_213, %add3A_214 : i32
        %get3A_216 = arith.index_cast %add3A_215 : i32 to index
        %get3A_217 = tpu.vector_load %arg9[%get3A_216] {strides = array<i32>} : memref<16384xf32, #tpu.memory_space<vmem>>, vector<16xf32>,
        %bitcast3A_218 = vector.bitcast %get3A_217 : vector<16xf32> to vector<32xbf16>
        %mul3A_219 = arith.constant 256 : i32
        %mul3A_220 = arith.muli %scan3A_59, %mul3A_219 : i32
        %add3A_221 = arith.constant 144 : i32
        %add3A_222 = arith.addi %mul3A_220, %add3A_221 : i32
        %get3A_223 = arith.index_cast %add3A_222 : i32 to index
        %get3A_224 = tpu.vector_load %arg9[%get3A_223] {strides = array<i32>} : memref<16384xf32, #tpu.memory_space<vmem>>, vector<16xf32>,
        %bitcast3A_225 = vector.bitcast %get3A_224 : vector<16xf32> to vector<32xbf16>
        %mul3A_226 = arith.constant 256 : i32
        %mul3A_227 = arith.muli %scan3A_59, %mul3A_226 : i32
        %add3A_228 = arith.constant 160 : i32
        %add3A_229 = arith.addi %mul3A_227, %add3A_228 : i32
        %get3A_230 = arith.index_cast %add3A_229 : i32 to index
        %get3A_231 = tpu.vector_load %arg9[%get3A_230] {strides = array<i32>} : memref<16384xf32, #tpu.memory_space<vmem>>, vector<16xf32>,
        %bitcast3A_232 = vector.bitcast %get3A_231 : vector<16xf32> to vector<32xbf16>
        %mul3A_233 = arith.constant 256 : i32
        %mul3A_234 = arith.muli %scan3A_59, %mul3A_233 : i32
        %add3A_235 = arith.constant 176 : i32
        %add3A_236 = arith.addi %mul3A_234, %add3A_235 : i32
        %get3A_237 = arith.index_cast %add3A_236 : i32 to index
        %get3A_238 = tpu.vector_load %arg9[%get3A_237] {strides = array<i32>} : memref<16384xf32, #tpu.memory_space<vmem>>, vector<16xf32>,
        %bitcast3A_239 = vector.bitcast %get3A_238 : vector<16xf32> to vector<32xbf16>
        %mul3A_240 = arith.constant 256 : i32
        %mul3A_241 = arith.muli %scan3A_59, %mul3A_240 : i32
        %add3A_242 = arith.constant 192 : i32
        %add3A_243 = arith.addi %mul3A_241, %add3A_242 : i32
        %get3A_244 = arith.index_cast %add3A_243 : i32 to index
        %get3A_245 = tpu.vector_load %arg9[%get3A_244] {strides = array<i32>} : memref<16384xf32, #tpu.memory_space<vmem>>, vector<16xf32>,
        %bitcast3A_246 = vector.bitcast %get3A_245 : vector<16xf32> to vector<32xbf16>
        %mul3A_247 = arith.constant 256 : i32
        %mul3A_248 = arith.muli %scan3A_59, %mul3A_247 : i32
        %add3A_249 = arith.constant 208 : i32
        %add3A_250 = arith.addi %mul3A_248, %add3A_249 : i32
        %get3A_251 = arith.index_cast %add3A_250 : i32 to index
        %get3A_252 = tpu.vector_load %arg9[%get3A_251] {strides = array<i32>} : memref<16384xf32, #tpu.memory_space<vmem>>, vector<16xf32>,
        %bitcast3A_253 = vector.bitcast %get3A_252 : vector<16xf32> to vector<32xbf16>
        %mul3A_254 = arith.constant 256 : i32
        %mul3A_255 = arith.muli %scan3A_59, %mul3A_254 : i32
        %add3A_256 = arith.constant 224 : i32
        %add3A_257 = arith.addi %mul3A_255, %add3A_256 : i32
        %get3A_258 = arith.index_cast %add3A_257 : i32 to index
        %get3A_259 = tpu.vector_load %arg9[%get3A_258] {strides = array<i32>} : memref<16384xf32, #tpu.memory_space<vmem>>, vector<16xf32>,
        %bitcast3A_260 = vector.bitcast %get3A_259 : vector<16xf32> to vector<32xbf16>
        %mul3A_261 = arith.constant 256 : i32
        %mul3A_262 = arith.muli %scan3A_59, %mul3A_261 : i32
        %add3A_263 = arith.constant 240 : i32
        %add3A_264 = arith.addi %mul3A_262, %add3A_263 : i32
        %get3A_265 = arith.index_cast %add3A_264 : i32 to index
        %get3A_266 = tpu.vector_load %arg9[%get3A_265] {strides = array<i32>} : memref<16384xf32, #tpu.memory_space<vmem>>, vector<16xf32>,
        %bitcast3A_267 = vector.bitcast %get3A_266 : vector<16xf32> to vector<32xbf16>
        %parallel_loop3A_268 = arith.constant 0 : i32
        %parallel_loop3A_269 = arith.constant 16 : i32
        %parallel_loop3A_270 = arith.constant 1 : i32
        scf.for %parallel_loop3A_272 = %parallel_loop3A_268 to %parallel_loop3A_269 step %parallel_loop3A_270  : i32 {
          %parallel_loop3A_273 = arith.constant 1024 : i32
          %parallel_loop3A_274 = arith.muli %parallel_loop3A_272, %parallel_loop3A_273 : i32
          %parallel_loop3A_275 = tpu.memref_slice %arg11[%parallel_loop3A_274] : memref<16384xi32, #tpu.memory_space<vmem>> -> memref<1024xi32, #tpu.memory_space<vmem>>
          %parallel_loop3A_276 = tpu.vector_load_idx %parallel_loop3A_275[%get3A_66] : memref<1024xi32, #tpu.memory_space<vmem>>[vector<16xi32>], vector<16xi32>,
          %parallel_loop3A_277 = vector.bitcast %parallel_loop3A_276 : vector<16xi32> to vector<32xbf16>
          %parallel_loop3A_278 = arith.addf %parallel_loop3A_277, %bitcast3A : vector<32xbf16>
          %parallel_loop3A_279 = tpu.memref_slice %arg11[%parallel_loop3A_274] : memref<16384xi32, #tpu.memory_space<vmem>> -> memref<1024xi32, #tpu.memory_space<vmem>>
          %parallel_loop3A_280 = tpu.vector_load_idx %parallel_loop3A_279[%get3A_72] : memref<1024xi32, #tpu.memory_space<vmem>>[vector<16xi32>], vector<16xi32>,
          %parallel_loop3A_281 = vector.bitcast %parallel_loop3A_280 : vector<16xi32> to vector<32xbf16>
          %parallel_loop3A_282 = arith.addf %parallel_loop3A_281, %bitcast3A_169 : vector<32xbf16>
          %parallel_loop3A_283 = tpu.memref_slice %arg11[%parallel_loop3A_274] : memref<16384xi32, #tpu.memory_space<vmem>> -> memref<1024xi32, #tpu.memory_space<vmem>>
          %parallel_loop3A_284 = tpu.vector_load_idx %parallel_loop3A_283[%get3A_78] : memref<1024xi32, #tpu.memory_space<vmem>>[vector<16xi32>], vector<16xi32>,
          %parallel_loop3A_285 = vector.bitcast %parallel_loop3A_284 : vector<16xi32> to vector<32xbf16>
          %parallel_loop3A_286 = arith.addf %parallel_loop3A_285, %bitcast3A_176 : vector<32xbf16>
          %parallel_loop3A_287 = tpu.memref_slice %arg11[%parallel_loop3A_274] : memref<16384xi32, #tpu.memory_space<vmem>> -> memref<1024xi32, #tpu.memory_space<vmem>>
          %parallel_loop3A_288 = tpu.vector_load_idx %parallel_loop3A_287[%get3A_84] : memref<1024xi32, #tpu.memory_space<vmem>>[vector<16xi32>], vector<16xi32>,
          %parallel_loop3A_289 = vector.bitcast %parallel_loop3A_288 : vector<16xi32> to vector<32xbf16>
          %parallel_loop3A_290 = arith.addf %parallel_loop3A_289, %bitcast3A_183 : vector<32xbf16>
          %parallel_loop3A_291 = tpu.memref_slice %arg11[%parallel_loop3A_274] : memref<16384xi32, #tpu.memory_space<vmem>> -> memref<1024xi32, #tpu.memory_space<vmem>>
          %parallel_loop3A_292 = tpu.vector_load_idx %parallel_loop3A_291[%get3A_90] : memref<1024xi32, #tpu.memory_space<vmem>>[vector<16xi32>], vector<16xi32>,
          %parallel_loop3A_293 = vector.bitcast %parallel_loop3A_292 : vector<16xi32> to vector<32xbf16>
          %parallel_loop3A_294 = arith.addf %parallel_loop3A_293, %bitcast3A_190 : vector<32xbf16>
          %parallel_loop3A_295 = arith.maximumf %parallel_loop3A_278, %parallel_loop3A_294 : vector<32xbf16>
          %parallel_loop3A_296 = tpu.memref_slice %arg11[%parallel_loop3A_274] : memref<16384xi32, #tpu.memory_space<vmem>> -> memref<1024xi32, #tpu.memory_space<vmem>>
          %parallel_loop3A_297 = tpu.vector_load_idx %parallel_loop3A_296[%get3A_96] : memref<1024xi32, #tpu.memory_space<vmem>>[vector<16xi32>], vector<16xi32>,
          %parallel_loop3A_298 = vector.bitcast %parallel_loop3A_297 : vector<16xi32> to vector<32xbf16>
          %parallel_loop3A_299 = arith.addf %parallel_loop3A_298, %bitcast3A_197 : vector<32xbf16>
          %parallel_loop3A_300 = arith.maximumf %parallel_loop3A_282, %parallel_loop3A_299 : vector<32xbf16>
          %parallel_loop3A_301 = tpu.memref_slice %arg11[%parallel_loop3A_274] : memref<16384xi32, #tpu.memory_space<vmem>> -> memref<1024xi32, #tpu.memory_space<vmem>>
          %parallel_loop3A_302 = tpu.vector_load_idx %parallel_loop3A_301[%get3A_102] : memref<1024xi32, #tpu.memory_space<vmem>>[vector<16xi32>], vector<16xi32>,
          %parallel_loop3A_303 = vector.bitcast %parallel_loop3A_302 : vector<16xi32> to vector<32xbf16>
          %parallel_loop3A_304 = arith.addf %parallel_loop3A_303, %bitcast3A_204 : vector<32xbf16>
          %parallel_loop3A_305 = arith.maximumf %parallel_loop3A_286, %parallel_loop3A_304 : vector<32xbf16>
          %parallel_loop3A_306 = tpu.memref_slice %arg11[%parallel_loop3A_274] : memref<16384xi32, #tpu.memory_space<vmem>> -> memref<1024xi32, #tpu.memory_space<vmem>>
          %parallel_loop3A_307 = tpu.vector_load_idx %parallel_loop3A_306[%get3A_108] : memref<1024xi32, #tpu.memory_space<vmem>>[vector<16xi32>], vector<16xi32>,
          %parallel_loop3A_308 = vector.bitcast %parallel_loop3A_307 : vector<16xi32> to vector<32xbf16>
          %parallel_loop3A_309 = arith.addf %parallel_loop3A_308, %bitcast3A_211 : vector<32xbf16>
          %parallel_loop3A_310 = arith.maximumf %parallel_loop3A_290, %parallel_loop3A_309 : vector<32xbf16>
          %parallel_loop3A_311 = tpu.memref_slice %arg11[%parallel_loop3A_274] : memref<16384xi32, #tpu.memory_space<vmem>> -> memref<1024xi32, #tpu.memory_space<vmem>>
          %parallel_loop3A_312 = tpu.vector_load_idx %parallel_loop3A_311[%get3A_114] : memref<1024xi32, #tpu.memory_space<vmem>>[vector<16xi32>], vector<16xi32>,
          %parallel_loop3A_313 = vector.bitcast %parallel_loop3A_312 : vector<16xi32> to vector<32xbf16>
          %parallel_loop3A_314 = arith.addf %parallel_loop3A_313, %bitcast3A_218 : vector<32xbf16>
          %parallel_loop3A_315 = arith.maximumf %parallel_loop3A_295, %parallel_loop3A_314 : vector<32xbf16>
          %parallel_loop3A_316 = tpu.memref_slice %arg11[%parallel_loop3A_274] : memref<16384xi32, #tpu.memory_space<vmem>> -> memref<1024xi32, #tpu.memory_space<vmem>>
          %parallel_loop3A_317 = tpu.vector_load_idx %parallel_loop3A_316[%get3A_120] : memref<1024xi32, #tpu.memory_space<vmem>>[vector<16xi32>], vector<16xi32>,
          %parallel_loop3A_318 = vector.bitcast %parallel_loop3A_317 : vector<16xi32> to vector<32xbf16>
          %parallel_loop3A_319 = arith.addf %parallel_loop3A_318, %bitcast3A_225 : vector<32xbf16>
          %parallel_loop3A_320 = arith.maximumf %parallel_loop3A_300, %parallel_loop3A_319 : vector<32xbf16>
          %parallel_loop3A_321 = tpu.memref_slice %arg11[%parallel_loop3A_274] : memref<16384xi32, #tpu.memory_space<vmem>> -> memref<1024xi32, #tpu.memory_space<vmem>>
          %parallel_loop3A_322 = tpu.vector_load_idx %parallel_loop3A_321[%get3A_126] : memref<1024xi32, #tpu.memory_space<vmem>>[vector<16xi32>], vector<16xi32>,
          %parallel_loop3A_323 = vector.bitcast %parallel_loop3A_322 : vector<16xi32> to vector<32xbf16>
          %parallel_loop3A_324 = arith.addf %parallel_loop3A_323, %bitcast3A_232 : vector<32xbf16>
          %parallel_loop3A_325 = arith.maximumf %parallel_loop3A_305, %parallel_loop3A_324 : vector<32xbf16>
          %parallel_loop3A_326 = tpu.memref_slice %arg11[%parallel_loop3A_274] : memref<16384xi32, #tpu.memory_space<vmem>> -> memref<1024xi32, #tpu.memory_space<vmem>>
          %parallel_loop3A_327 = tpu.vector_load_idx %parallel_loop3A_326[%get3A_132] : memref<1024xi32, #tpu.memory_space<vmem>>[vector<16xi32>], vector<16xi32>,
          %parallel_loop3A_328 = vector.bitcast %parallel_loop3A_327 : vector<16xi32> to vector<32xbf16>
          %parallel_loop3A_329 = arith.addf %parallel_loop3A_328, %bitcast3A_239 : vector<32xbf16>
          %parallel_loop3A_330 = arith.maximumf %parallel_loop3A_310, %parallel_loop3A_329 : vector<32xbf16>
          %parallel_loop3A_331 = tpu.memref_slice %arg11[%parallel_loop3A_274] : memref<16384xi32, #tpu.memory_space<vmem>> -> memref<1024xi32, #tpu.memory_space<vmem>>
          %parallel_loop3A_332 = tpu.vector_load_idx %parallel_loop3A_331[%get3A_138] : memref<1024xi32, #tpu.memory_space<vmem>>[vector<16xi32>], vector<16xi32>,
          %parallel_loop3A_333 = vector.bitcast %parallel_loop3A_332 : vector<16xi32> to vector<32xbf16>
          %parallel_loop3A_334 = arith.addf %parallel_loop3A_333, %bitcast3A_246 : vector<32xbf16>
          %parallel_loop3A_335 = arith.maximumf %parallel_loop3A_315, %parallel_loop3A_334 : vector<32xbf16>
          %parallel_loop3A_336 = tpu.memref_slice %arg11[%parallel_loop3A_274] : memref<16384xi32, #tpu.memory_space<vmem>> -> memref<1024xi32, #tpu.memory_space<vmem>>
          %parallel_loop3A_337 = tpu.vector_load_idx %parallel_loop3A_336[%get3A_144] : memref<1024xi32, #tpu.memory_space<vmem>>[vector<16xi32>], vector<16xi32>,
          %parallel_loop3A_338 = vector.bitcast %parallel_loop3A_337 : vector<16xi32> to vector<32xbf16>
          %parallel_loop3A_339 = arith.addf %parallel_loop3A_338, %bitcast3A_253 : vector<32xbf16>
          %parallel_loop3A_340 = arith.maximumf %parallel_loop3A_320, %parallel_loop3A_339 : vector<32xbf16>
          %parallel_loop3A_341 = tpu.memref_slice %arg11[%parallel_loop3A_274] : memref<16384xi32, #tpu.memory_space<vmem>> -> memref<1024xi32, #tpu.memory_space<vmem>>
          %parallel_loop3A_342 = tpu.vector_load_idx %parallel_loop3A_341[%get3A_150] : memref<1024xi32, #tpu.memory_space<vmem>>[vector<16xi32>], vector<16xi32>,
          %parallel_loop3A_343 = vector.bitcast %parallel_loop3A_342 : vector<16xi32> to vector<32xbf16>
          %parallel_loop3A_344 = arith.addf %parallel_loop3A_343, %bitcast3A_260 : vector<32xbf16>
          %parallel_loop3A_345 = arith.maximumf %parallel_loop3A_325, %parallel_loop3A_344 : vector<32xbf16>
          %parallel_loop3A_346 = tpu.memref_slice %arg11[%parallel_loop3A_274] : memref<16384xi32, #tpu.memory_space<vmem>> -> memref<1024xi32, #tpu.memory_space<vmem>>
          %parallel_loop3A_347 = tpu.vector_load_idx %parallel_loop3A_346[%get3A_156] : memref<1024xi32, #tpu.memory_space<vmem>>[vector<16xi32>], vector<16xi32>,
          %parallel_loop3A_348 = vector.bitcast %parallel_loop3A_347 : vector<16xi32> to vector<32xbf16>
          %parallel_loop3A_349 = arith.addf %parallel_loop3A_348, %bitcast3A_267 : vector<32xbf16>
          %parallel_loop3A_350 = arith.maximumf %parallel_loop3A_330, %parallel_loop3A_349 : vector<32xbf16>
          %parallel_loop3A_351 = arith.maximumf %parallel_loop3A_335, %parallel_loop3A_340 : vector<32xbf16>
          %parallel_loop3A_352 = arith.maximumf %parallel_loop3A_345, %parallel_loop3A_350 : vector<32xbf16>
          %parallel_loop3A_353 = arith.maximumf %parallel_loop3A_351, %parallel_loop3A_352 : vector<32xbf16>
          %parallel_loop3A_354 = tpu.unpack_subelements %parallel_loop3A_353, 0 {pack_format = #tpu.pack_format<interleaved>} : vector<32xbf16> -> vector<16xf32>
          %parallel_loop3A_355 = tpu.unpack_subelements %parallel_loop3A_353, 1 {pack_format = #tpu.pack_format<interleaved>} : vector<32xbf16> -> vector<16xf32>
          %parallel_loop3A_356 = arith.constant 2 : i32
          %parallel_loop3A_357 = arith.muli %parallel_loop3A_356, %parallel_loop3A_272 : i32
          %parallel_loop3A_358 = arith.constant 1024 : i32
          %parallel_loop3A_359 = arith.muli %parallel_loop3A_357, %parallel_loop3A_358 : i32
          %parallel_loop3A_360 = arith.constant 16 : i32
          %parallel_loop3A_361 = arith.muli %scan3A_59, %parallel_loop3A_360 : i32
          %parallel_loop3A_362 = arith.addi %parallel_loop3A_359, %parallel_loop3A_361 : i32
          %parallel_loop3A_363 = arith.mulf %parallel_loop3A_354, %div3A_7 : vector<16xf32>
          %parallel_loop3A_364 = arith.index_cast %parallel_loop3A_362 : i32 to index
          %parallel_loop3A_365 = tpu.vector_load %arg12[%parallel_loop3A_364] {strides = array<i32>} : memref<32768xf32, #tpu.memory_space<vmem>>, vector<16xf32>,
          tpu.vector_store %arg12[%parallel_loop3A_364], %parallel_loop3A_363 {strides = array<i32>} : memref<32768xf32, #tpu.memory_space<vmem>>, vector<16xf32>,
          %parallel_loop3A_366 = arith.mulf %parallel_loop3A_355, %div3A_7 : vector<16xf32>
          %parallel_loop3A_367 = arith.constant 1024 : i32
          %parallel_loop3A_368 = arith.addi %parallel_loop3A_362, %parallel_loop3A_367 : i32
          %parallel_loop3A_369 = arith.index_cast %parallel_loop3A_368 : i32 to index
          %parallel_loop3A_370 = tpu.vector_load %arg12[%parallel_loop3A_369] {strides = array<i32>} : memref<32768xf32, #tpu.memory_space<vmem>>, vector<16xf32>,
          tpu.vector_store %arg12[%parallel_loop3A_369], %parallel_loop3A_366 {strides = array<i32>} : memref<32768xf32, #tpu.memory_space<vmem>>, vector<16xf32>,
        } {sc.loop_unroll_factor = 2 : i64, sc.parallel_access}
        %scan3A_271 = arith.constant 0 : i32
        scf.yield %scan3A_271 : i32
      }
      %scan3A_58 = arith.constant 64 : i32
    }
    %mul3A_50 = arith.constant 1024 : i32
    %mul3A_51 = arith.muli %add3A_33, %mul3A_50 : i32
    "tpu.region"() ({
      %run_scoped3A = tpu.sem_alloc : memref<!tpu.dma_semaphore, #tpu.memory_space<semaphore_mem>>
      %dma_start3A = tpu.memref_slice %arg7[%mul3A_51] : memref<2097152xf32, #tpu.memory_space<hbm>> -> memref<32768xf32, #tpu.memory_space<hbm>>
      %dma_start3A_52 = tpu.memref_slice %arg7[%mul3A_51] : memref<2097152xf32, #tpu.memory_space<hbm>> -> memref<32768xf32, #tpu.memory_space<hbm>>
      tpu.enqueue_dma source(%arg12 : memref<32768xf32, #tpu.memory_space<vmem>>) target(%dma_start3A_52 : memref<32768xf32, #tpu.memory_space<hbm>>) target_semaphore(%run_scoped3A : memref<!tpu.dma_semaphore, #tpu.memory_space<semaphore_mem>>)
      %dma_wait3A = tpu.memref_slice %arg7[%mul3A_51] : memref<2097152xf32, #tpu.memory_space<hbm>> -> memref<32768xf32, #tpu.memory_space<hbm>>
      %dma_wait3A_53 = tpu.memref_slice %arg7[%mul3A_51] : memref<2097152xf32, #tpu.memory_space<hbm>> -> memref<32768xf32, #tpu.memory_space<hbm>>
      tpu.wait_dma2 semaphore(%run_scoped3A : memref<!tpu.dma_semaphore, #tpu.memory_space<semaphore_mem>>) src(%arg12 : memref<32768xf32, #tpu.memory_space<vmem>>) dst(%dma_wait3A_53 : memref<32768xf32, #tpu.memory_space<hbm>>)
      tpu.yield
    }) : () -> ()
    return
  }
}

module attributes {stable_mosaic.version = 14 : i64} {
  func.func @_stats_body(%arg0: memref<2048x1024xf32, #tpu.memory_space<vmem>>, %arg1: memref<1x1xf32, #tpu.memory_space<vmem>>, %arg2: memref<2048x16xf32, #tpu.memory_space<vmem>>) attributes {dimension_semantics = [], scalar_prefetch = 0 : i64, scratch_operands = 0 : i64, tpu.core_type = #tpu.core_type<tc>} {
    %get3A = arith.constant 0 : index
    %get3A_0 = arith.constant 0 : index
    %get3A_1 = vector.load %arg0[%get3A, %get3A_0] : memref<2048x1024xf32, #tpu.memory_space<vmem>>, vector<2048x1024xf32>
    %abs3A = math.absf %get3A_1 : vector<2048x1024xf32>
    %reduce_max3A = vector.shape_cast %abs3A : vector<2048x1024xf32> to vector<1x2048x1024xf32>
    %reduce_max3A_2 = arith.constant dense<0xFF800000> : vector<1xf32>
    %reduce_max3A_3 = vector.multi_reduction <maximumf>, %reduce_max3A, %reduce_max3A_2 [1, 2] : vector<1x2048x1024xf32> to vector<1xf32>
    %reduce_max3A_4 = vector.shape_cast %reduce_max3A_3 : vector<1xf32> to vector<1x1x1xf32>
    %reduce_max3A_5 = vector.extract %reduce_max3A_4[0, 0, 0] : f32 from vector<1x1x1xf32>
    %add3A = arith.constant 9.99999997E-7 : f32
    %add3A_6 = arith.addf %reduce_max3A_5, %add3A : f32
    %reshape3A = vector.broadcast %add3A_6 : f32 to vector<1x1xf32>
    %swap3A = arith.constant 0 : index
    %swap3A_7 = arith.constant 0 : index
    %swap3A_8 = vector.load %arg1[%swap3A, %swap3A_7] : memref<1x1xf32, #tpu.memory_space<vmem>>, vector<1x1xf32>
    tpu.vector_store %arg1[%swap3A, %swap3A_7], %reshape3A {strides = array<i32>} : memref<1x1xf32, #tpu.memory_space<vmem>>, vector<1x1xf32>,
    %reduce_sum3A = arith.constant dense<0.000000e+00> : vector<2048xf32>
    %reduce_sum3A_9 = vector.multi_reduction <add>, %get3A_1, %reduce_sum3A [1] : vector<2048x1024xf32> to vector<2048xf32>
    %broadcast_in_dim3A = vector.shape_cast %reduce_sum3A_9 : vector<2048xf32> to vector<2048x1xf32>
    %div3A = arith.constant 1.024000e+03 : f32
    %div3A_10 = vector.broadcast %div3A : f32 to vector<2048x1xf32>
    %div3A_11 = arith.divf %broadcast_in_dim3A, %div3A_10 : vector<2048x1xf32>
    %broadcast_in_dim3A_12 = vector.shape_cast %div3A_11 : vector<2048x1xf32> to vector<2048x1xf32>
    %broadcast_in_dim3A_13 = vector.broadcast %broadcast_in_dim3A_12 : vector<2048x1xf32> to vector<2048x16xf32>
    %swap3A_14 = arith.constant 0 : index
    %swap3A_15 = arith.constant 0 : index
    %swap3A_16 = vector.load %arg2[%swap3A_14, %swap3A_15] : memref<2048x16xf32, #tpu.memory_space<vmem>>, vector<2048x16xf32>
    tpu.vector_store %arg2[%swap3A_14, %swap3A_15], %broadcast_in_dim3A_13 {strides = array<i32>} : memref<2048x16xf32, #tpu.memory_space<vmem>>, vector<2048x16xf32>,
    return
  }
}

</mosaic_0001>

<sc_bundles>
// kernel: kernel.4.cloned.1.call-start
scs
__scs_entry_jumppad:
0x0: {  	(pc) =	sbr.rel $0x88, $3  }
0x1: {  	(tag) =	ssettag $0x0;
	lr =	simm.s32 $0x1  }
0x2: {  	[smem:$0x3F9E] =	sst lr;
	_ =	strace $0xD0000000  }
0x3: {  	_ = 	snop  }
0x4: {  	_ = 	snop  }
0x5: {  	_ = 	snop  }
0x6: {  	_ = 	snop  }
0x7: {  	_ = 	snop  }
__scs_overlays_trampoline_lowered:
0x8: {  	[smem:$0x3FAD] =	sst s0  }
0x9: {  	[smem:$0x3FAE] =	sst s1  }
0xa: {  	[smem:$0x3FAF] =	sst s2  }
0xb: {  	[smem:$0x3FB0] =	sst s3  }
0xc: {  	[smem:$0x3FB1] =	sst s4  }
0xd: {  	[smem:$0x3FB2] =	sst s5  }
0xe: {  	[smem:$0x3FB3] =	sst s6  }
0xf: {  	[smem:$0x3FB4] =	sst s7  }
0x10: {  	[smem:$0x3FB5] =	sst s8  }
0x11: {  	[smem:$0x3FB6] =	sst s9;
	s0 =	simm.s32 @!p0 $0x0  }
0x12: {  	s1 =	sld [smem:$0x3F9C];
	s0 =	simm.s32 @p0 $0x1  }
0x13: {  	[smem:$0x3FB7] =	sst s0;
	s0 =	simm.s32 @!p1 $0x0  }
0x14: {  	s2 =	sld [smem:$0x3F9B];
	s0 =	simm.s32 @p1 $0x1  }
0x15: {  	[smem:$0x3FB8] =	sst s0;
	s0 =	simm.s32 @!p2 $0x0  }
0x16: {  	s3 =	sld [smem:$0x3FDB];
	s0 =	simm.s32 @p2 $0x1  }
0x17: {  	s4 =	simm.s32 $0x1BF5;
	[smem:$0x3FBA] =	sst s0  }
0x18: {  	s0 =	sld [smem:$0x3F9D];
	_ =	swait.ge [sflag:s4], $0x0  }
0x19: {  	s7 =	sld [smem:$0x3F9E]  }
0x1a: {  	s8 =	sadd.s32 $0xFFFFE003, lr  }
0x1b: {  	s9 =	sadd.s32 $0xFFFFFEF7, lr;
	s5 =	simm.s32 $0xFFFFFFFF;
	p2 =	slt.u32 s8, $0xFFFFF086  }
0x1c: {  	p1 =	slt.u32 s9, $0xF7A;
	s5 =	simm.s32 @!p2 $0x0  }
0x1d: {  	s5 =	simm.s32 @p1 $0x1;
	p0 =	seq.s32 s7, s2  }
0x1e: {  	s7 =	smul.u32 @!p0 $0xF7A, s2;
	p2 =	seq.s32 @!p0 s5, $0x0  }
0x1f: {  	s9 =	smul.u32 $0xF7A, s1;
	s8 =	simm.s32 @!p0 $0x1BF5;
	p2 =	por !p2, p0  }
0x20: {  	[sflag:s8] =	ssyncset.s32 @!p0 $0xFFFFF086;
	s6 =	sadd.s32 @!p0 s3, s7;
	s7 =	simm.s32 @!p0 $0x108  }
0x21: {  	s3 =	sadd.s32 s3, s9;
	s6 =	sadd.s32 @!p0 $0x88, s6;
	s7 =	simm.s32 @p2 $0x1082  }
0x22: {  	[simem:s7], [sflag:s8] =	dma.local @!p0 [hbm:s6], $0xF7A  }
0x23: {  	s9 =	sor.u32 $0xD0000000, s2;
	s6 =	simm.s32 $0x108;
	_ =	swait.ge @!p0 [sflag:s8], $0x0  }
0x24: {  	s3 =	sadd.s32 $0x88, s3;
	s6 =	simm.s32 @!p1 $0x1082;
	[sflag:s4] =	ssyncset.s32 $0xFFFFF086  }
0x25: {  	[simem:s6], [sflag:s4] =	dma.local [hbm:s3], $0xF7A  }
0x26: {  	[smem:$0x3F9E] =	sst s1;
	(tag) =	ssettag s2;
	_ =	strace s9  }
0x27: {  	s1 =	sld [smem:$0x3FAE]  }
0x28: {  	s2 =	sld [smem:$0x3FAF]  }
0x29: {  	s4 =	sld [smem:$0x3FB1]  }
0x2a: {  	p0 =	seq.s32 s5, $0x0;
	s5 =	sld [smem:$0x3FB2]  }
0x2b: {  	s6 =	sld [smem:$0x3FB3]  }
0x2c: {  	s7 =	sld [smem:$0x3FB4]  }
0x2d: {  	s3 =	simm.s32 $0x108;
	s8 =	sld [smem:$0x3FB5]  }
0x2e: {  	s3 =	simm.s32 @!p0 $0x1082;
	s9 =	sld [smem:$0x3FB6]  }
0x2f: {  	lr =	sadd.s32 s0, s3;
	s0 =	sld [smem:$0x3FAD]  }
0x30: {  	s3 =	sld [smem:$0x3FB0]  }
0x31: {  	[smem:$0x3FB9] =	sst s10  }
0x32: {  	s10 =	sld [smem:$0x3FB7];
	_ =	sdelay $0x3  }
0x33: {  	p0 =	seq.s32 s10, $0x1;
	s10 =	sld [smem:$0x3FB9];
	_ =	sdelay $0x3  }
0x34: {  	[smem:$0x3FB9] =	sst s10  }
0x35: {  	s10 =	sld [smem:$0x3FB8];
	_ =	sdelay $0x3  }
0x36: {  	p1 =	seq.s32 s10, $0x1;
	s10 =	sld [smem:$0x3FB9];
	_ =	sdelay $0x3  }
0x37: {  	[smem:$0x3FB9] =	sst s10  }
0x38: {  	s10 =	sld [smem:$0x3FBA]  }
0x39: {  	_ = 	snop;
	(pc) =	sbr.ind lr, $3  }
0x3a: {  	_ = 	snop  }
0x3b: {  	_ = 	snop  }
0x3c: {  	p2 =	seq.s32 s10, $0x1;
	s10 =	sld [smem:$0x3FB9]  }
0x3d: {  	_ =	shalt  }
0x3e: {  	_ =	shalt  }
0x3f: {  	_ =	shalt  }
0x40: {  	_ =	shalt  }
0x41: {  	_ =	shalt  }
0x42: {  	_ =	shalt  }
0x43: {  	_ =	shalt  }
0x44: {  	_ =	shalt  }
0x45: {  	_ =	shalt  }
0x46: {  	_ =	shalt  }
0x47: {  	_ =	shalt  }
0x48: {  	_ =	shalt  }
0x49: {  	_ =	shalt  }
0x4a: {  	_ =	shalt  }
0x4b: {  	_ =	shalt  }
0x4c: {  	_ =	shalt  }
0x4d: {  	_ =	shalt  }
0x4e: {  	_ =	shalt  }
0x4f: {  	_ =	shalt  }
0x50: {  	_ =	shalt  }
0x51: {  	_ =	shalt  }
0x52: {  	_ =	shalt  }
0x53: {  	_ =	shalt  }
0x54: {  	_ =	shalt  }
0x55: {  	_ =	shalt  }
0x56: {  	_ =	shalt  }
0x57: {  	_ =	shalt  }
0x58: {  	_ =	shalt  }
0x59: {  	_ =	shalt  }
0x5a: {  	_ =	shalt  }
0x5b: {  	_ =	shalt  }
0x5c: {  	_ =	shalt  }
0x5d: {  	_ =	shalt  }
0x5e: {  	_ =	shalt  }
0x5f: {  	_ =	shalt  }
0x60: {  	_ =	shalt  }
0x61: {  	_ =	shalt  }
0x62: {  	_ =	shalt  }
0x63: {  	_ =	shalt  }
0x64: {  	_ =	shalt  }
0x65: {  	_ =	shalt  }
0x66: {  	_ =	shalt  }
0x67: {  	_ =	shalt  }
0x68: {  	_ =	shalt  }
0x69: {  	_ =	shalt  }
0x6a: {  	_ =	shalt  }
0x6b: {  	_ =	shalt  }
0x6c: {  	_ =	shalt  }
0x6d: {  	_ =	shalt  }
0x6e: {  	_ =	shalt  }
0x6f: {  	_ =	shalt  }
0x70: {  	_ =	shalt  }
0x71: {  	_ =	shalt  }
0x72: {  	_ =	shalt  }
0x73: {  	_ =	shalt  }
0x74: {  	_ =	shalt  }
0x75: {  	_ =	shalt  }
0x76: {  	_ =	shalt  }
0x77: {  	_ =	shalt  }
0x78: {  	_ =	shalt  }
0x79: {  	_ =	shalt  }
0x7a: {  	_ =	shalt  }
0x7b: {  	_ =	shalt  }
0x7c: {  	_ =	shalt  }
0x7d: {  	_ =	shalt  }
0x7e: {  	_ =	shalt  }
0x7f: {  	_ =	shalt  }
0x80: {  	_ =	shalt  }
0x81: {  	_ =	shalt  }
0x82: {  	_ =	shalt  }
0x83: {  	_ =	shalt  }
0x84: {  	_ =	shalt  }
0x85: {  	_ =	shalt  }
0x86: {  	_ =	shalt  }
0x87: {  	_ =	shalt  }
.Lfunc_end0:
.L_simem_size_0:
called_computation_lowered:
.L_overlay_start_0:
0x88: {  	s2 =	sld [smem:$0x3FD9]  }
0x89: {  	s3 =	sld [smem:$0x3FFE];
	_ =	sdelay $0x1  }
0x8a: {  	s1 =	srdreg.scid  }
0x8b: {  	s0 =	sand.u32 $0x1, s1  }
0x8c: {  	s17 =	sshll.u32 s0, $0xA;
	s2 =	sadd.s32 s3, s2  }
0x8d: {  	s2 =	sadd.s32 s2, s17  }
0x8e: {  	[smem:$0x3FC5] =	sst s2  }
0x8f: {  	_ = 	snop  }
0x90: {  	s2 =	sld [smem:$0x3FD0];
	(tm) =	ssettm $0x1  }
0x91: {  	s18 =	sld [smem:$0x3FFB];
	_ =	sdelay $0x3  }
0x92: {  	_ =	strace s18  }
0x93: {  	s3 =	sld [smem:$0x3FFC];
	_ =	sdelay $0x3  }
0x94: {  	_ =	strace s3  }
0x95: {  	s3 =	sld [smem:$0x3FFD];
	_ =	sdelay $0x3  }
0x96: {  	_ =	strace s3  }
0x97: {  	_ =	strace $0x8FFFFFFF  }
0x98: {  	s19 =	sld [smem:$0x3FDB];
	_ =	sdelay $0x1  }
0x99: {  	s4 =	simm.s32 $_scs_section_size  }
0x9a: {  	s5 =	simm.s32 $_size__tile_overlayer_lowered;
	s6 =	simm.s32 $_tile_overlayer_lowered  }
0x9b: {  	s22 =	simm.s32 $0x1BFF;
	s21 =	sshll.u32 s6, $0x1;
	s3 =	sadd.s32 s4, s19  }
0x9c: {  	s7 =	simm.s32 $0x0;
	s20 =	sshll.u32 s5, $0x1;
	s5 =	sadd.s32 s21, s3  }
0x9d: {  	[timem:s7], [sflag:s22] =	dma.local [hbm:s5], s20  }
0x9e: {  	_ =	swait.ge [sflag:s22], s20  }
0x9f: {  	s4 =	ssub.s32 $0x0, s20;
	[sflag:s22] =	ssyncset.done $0x0  }
0xa0: {  	[sflag:s22] =	ssyncadd.s32 s4;
	_ =	sdelay $0x1  }
0xa1: {  	s23 =	simm.s32 $0x1B8B  }
0xa2: {  	_ =	swait.ge [sflag:s23], $0x1  }
0xa3: {  	[sflag:s23] =	ssyncset.done $0x0  }
0xa4: {  	s25 =	simm.s32 $0x1B8E;
	s24 =	sld [smem:$0x3FFE];
	[sflag:s23] =	ssyncadd.s32 $0xFFFFFFFF  }
0xa5: {  	s26 =	simm.s32 $execute0_lowered;
	[smem:$0x3FD2] =	sst s25  }
0xa6: {  	s5 =	sshll.u32 s26, $0x1;
	_ =	strace $0x80000046;
	[dreg:$0x1] =	wrdreg $0xFFFFFFFF  }
0xa7: {  	s28 =	simm.s32 $_size_execute0_lowered;
	s3 =	sadd.s32 s3, s5;
	[dreg:$0x0] =	wrdreg $0x0  }
0xa8: {  	s5 =	sshll.u32 s28, $0x1;
	[dreg:$0x2] =	wrdreg s3  }
0xa9: {  	[dreg:$0x3] =	wrdreg s5  }
0xaa: {  	[dreg:$0x4] =	wrdreg $0xC0  }
0xab: {  	_ =	task [dreg:s7], $0x5FFFF  }
0xac: {  	[dreg:$0x1] =	wrdreg $0xFFFFFFFF  }
0xad: {  	[dreg:$0x0] =	wrdreg $0x60  }
0xae: {  	[dreg:$0x2] =	wrdreg s2  }
0xaf: {  	[dreg:$0x3] =	wrdreg s24  }
0xb0: {  	[dreg:$0x4] =	wrdreg $0x9  }
0xb1: {  	_ =	task.clear_ibuf [dreg:s7], $0x5FFFF;
	_ =	strace $0x90000046  }
0xb2: {  	s29 =	simm.s32 $0x9;
	_ =	strace $0x80000048  }
0xb3: {  	_ =	swait.ge [sflag:s29], $0x1  }
0xb4: {  	[sflag:s29] =	ssyncadd.s32 $0xFFFFFFFF  }
0xb5: {  	_ =	strace $0x90000048  }
0xb6: {  	_ =	sfence  }
0xb7: {  	s30 =	sld [smem:$0x0];
	_ =	sdelay $0x2  }
0xb8: {  	s31 =	sshll.u32 s1, $0xD;
	s1 =	sshrl.u32 s1, $0x2  }
0xb9: {  	s3 =	sand.u32 $0x4000, s31;
	s1 =	sadd.s32 s1, s30  }
0xba: {  	s0 =	sor.u32 s3, s0;
	s1 =	sshll.u32 s1, $0x11  }
0xbb: {  	s0 =	sor.u32 s1, s0  }
0xbc: {  	s0 =	sadd.s32 $0x8F2B, s0  }
0xbd: {  	[sflag:s0] =	ssyncadd.remote.s32 $0x1  }
0xbe: {  	_ =	sfence.sel $0xFFFF  }
0xbf: {  	[dreg:$0x0] =	wrdreg $0xFFFFFFFF;
	(pc) =	sbr.abs _section_cstart, $3  }
0xc0: {  	[dreg:$0x1] =	wrdreg $0xFFFFFFFF  }
0xc1: {  	_ =	task.clear_ibuf [dreg:s7], $0x2FFFF;
	_ =	strace $0x9FFFFFFF  }
0xc2: {  	(tm) =	ssettm $0x7FFFFFFF  }
0xc3: {  	_ =	shalt  }
tec
execute0_lowered:
.L_overlay_start_1:
0x0: {  	(tag) =	ssettag $0x1  }
0x1: {  	s0 =	rddreg [dreg:$0x0]  }
0x2: {  	s1 =	rddreg [dreg:$0x1];
	s2 =	simm.s32 $0x0;
	s3 =	srdreg.scid  }
0x3: {  	s4 =	stileid.u32;
	s18 =	simm.s32 $0x0;
	[smem:$0x7FF] =	sst s2  }
0x4: {  	s6 =	sand.u32 $0x1, s3;
	s28 =	sshll.u32 s4, $0x1;
	s29 =	sadd.s32 $0x1000, s1  }
0x5: {  	s30 =	sadd.s32 $0x800, s1;
	_ =	strace $0x80000047;
	[dreg:$0x3] =	wrdreg s29  }
0x6: {  	s31 =	sadd.s32 $0x2A00, s1;
	s7 =	sor.u32 s6, s28;
	[dreg:$0x4] =	wrdreg s30  }
0x7: {  	[dreg:$0x5] =	wrdreg s31;
	s6 =	ssub.s32 $0x2, s6;
	s5 =	sshll.u32 s7, $0x7  }
.Ltmp0:
0x8: {  	s9 =	sshrl.u32 s6, $0x1;
	s10 =	sshll.u32 s7, $0xD;
	(pc) =	sbr.rel .LBB2_1-.Ltmp0, $4  }
0x9: {  	s8 =	sadd.s32 s5, s1;
	s1 =	sadd.s32 $0x2C00, s1;
	s11 =	ssub.s32 s6, s9  }
0xa: {  	s12 =	sor.u32 $0x1000, s10;
	s7 =	sadd.s32 s0, s10;
	s5 =	simm.s32 $0x8000  }
0xb: {  	s6 =	sadd.s32 $0x1A00, s8;
	s8 =	sadd.s32 s1, s10;
	s9 =	sadd.s32 s0, s12  }
0xc: {  	v0 =	vimm.bf16 $0.0e+00;
	s10 =	sadd.s32 s1, s12;
	s11 =	smax.u32 s11, $0x1;
	s12 =	simm.s32 $0x1  }
.LBB2_25:
0xd: {  	s18 =	sadd.s32 $0x1, s18  }
0xe: {  	p0 =	sne.s32 s18, s11  }
.Ltmp1:
0xf: {  	s0 =	simm.s32 $0x14000;
	(pc) =	sbr.rel @!p0 .LBB2_26-.Ltmp1, $4  }
0x10: {  	[hbm4b:s10+s2] =	stream.linear.scatter [tilespmem:s0], [sflag:$0x1], $0x8000, $0x38;
	[tilespmem:$0x1C480] =	vst v63  }
0x11: {  	_ =	swait.ge [sflag:s12], $0x8000  }
0x12: {  	[sflag:s12] =	ssyncset.done $0x0  }
0x13: {  	s5 =	simm.s32 $0x8000;
	[sflag:s12] =	ssyncadd.s32 $0xFFFF8000  }
.LBB2_1:
0x14: {  	s0 =	rddreg [dreg:$0x3]  }
0x15: {  	[tilespmem:s2], [sflag:$0x1] =	stream.linear.gather [hbm4b:s0+s2], $0x4000, $0x38;
	[tilespmem:$0x1C480] =	vst v63  }
0x16: {  	_ =	swait.ge [sflag:s12], $0x4000  }
0x17: {  	[sflag:s12] =	ssyncset.done $0x0  }
0x18: {  	s1 =	simm.s32 $0x4000;
	s28 =	rddreg [dreg:$0x4];
	[sflag:s12] =	ssyncadd.s32 $0xFFFFC000  }
0x19: {  	[tilespmem:s1], [sflag:$0x1] =	stream.linear.gather [hbm4b:s28+s2], $0x4000, $0x38;
	[tilespmem:$0x1C480] =	vst v63  }
0x1a: {  	_ =	swait.ge [sflag:s12], $0x4000  }
0x1b: {  	[sflag:s12] =	ssyncset.done $0x0  }
0x1c: {  	s30 =	simm.s32 $0x1C400;
	s29 =	rddreg [dreg:$0x5];
	[sflag:s12] =	ssyncadd.s32 $0xFFFFC000  }
0x1d: {  	[tilespmem:s30], [sflag:$0x1] =	stream.linear.gather [hbm4b:s29+s2], $0x80, $0x38;
	[tilespmem:$0x1C480] =	vst v63  }
0x1e: {  	_ =	swait.ge [sflag:s12], $0x80  }
0x1f: {  	[sflag:s12] =	ssyncset.done $0x0  }
0x20: {  	s31 =	simm.s32 $0x1C000;
	[sflag:s12] =	ssyncadd.s32 $0xFFFFFF80  }
0x21: {  	[tilespmem:s31], [sflag:$0x1] =	stream.linear.gather [hbm4b:s6+s2], $0x400, $0x38;
	[tilespmem:$0x1C480] =	vst v63  }
0x22: {  	_ =	swait.ge [sflag:s12], $0x400  }
0x23: {  	[sflag:s12] =	ssyncset.done $0x0  }
0x24: {  	[sflag:s12] =	ssyncadd.s32 $0xFFFFFC00  }
0x25: {  	s0 =	simm.s32 $0x4020;
	v2 =	vld [tilespmem:$0x1C400]  }
0x26: {  	v4 =	vld [tilespmem:s0+$0xFFFFFFE0]  }
0x27: {  	v1 =	vld [tilespmem:s0+$0x10]  }
0x28: {  	v3 =	vld [tilespmem:s0+$0x0]  }
0x29: {  	v5 =	vld [tilespmem:s0+$0xFFFFFFF0];
	_ =	sdelay $0x2  }
0x2a: {  	s1 =	simm.s32 $0x4060;
	v6 =	vmul.f32 v1, v2  }
0x2b: {  	v1 =	vld [tilespmem:s1+$0xFFFFFFE0];
	v7 =	vmul.f32 v3, v2  }
0x2c: {  	v3 =	vld [tilespmem:s1+$0x10];
	v8 =	vmul.f32 v4, v2;
	v9 =	vmul.f32 v5, v2;
	v5 =	vpack.i.f32.bf16 v6, v6  }
0x2d: {  	v4 =	vld [tilespmem:s1+$0x0];
	v10 =	vpack.i.f32.bf16 v7, v7;
	[tilespmem:s0+$0x10] =	vst v5  }
0x2e: {  	s14 =	simm.s32 $0x4;
	s13 =	simm.s32 $0x4060;
	v6 =	vpack.i.f32.bf16 v8, v8;
	v7 =	vpack.i.f32.bf16 v9, v9;
	v5 =	vld [tilespmem:s1+$0xFFFFFFF0];
	[tilespmem:s0+$0x0] =	vst v10  }
.LBB2_2:
0x2f: {  	s14 =	sadd.s32 $0x4, s14  }
0x30: {  	s1 =	sadd.s32 $0x40, s1;
	[tilespmem:s0+$0xFFFFFFF0] =	vst v7;
	v7 =	vmov v1;
	p0 =	slt.u32 s14, $0x3FC  }
.Ltmp2:
0x31: {  	v1 =	vld [tilespmem:s1+$0xFFFFFFE0];
	v8 =	vmul.f32 v3, v2;
	[tilespmem:s0+$0xFFFFFFE0] =	vst v6;
	s0 =	smov.u32 s13;
	(pc) =	sbr.rel @p0 .LBB2_2-.Ltmp2, $4  }
0x32: {  	s13 =	smov.u32 s1;
	v3 =	vld [tilespmem:s1+$0x10];
	v6 =	vmul.f32 v4, v2  }
0x33: {  	v7 =	vmul.f32 v7, v2;
	v4 =	vld [tilespmem:s1+$0x0];
	v9 =	vmul.f32 v5, v2;
	v8 =	vpack.i.f32.bf16 v8, v8  }
0x34: {  	v5 =	vld [tilespmem:s1+$0xFFFFFFF0];
	v10 =	vpack.i.f32.bf16 v6, v6;
	[tilespmem:s0+$0x10] =	vst v8  }
0x35: {  	v6 =	vpack.i.f32.bf16 v7, v7;
	v7 =	vpack.i.f32.bf16 v9, v9;
	[tilespmem:s0+$0x0] =	vst v10  }
0x36: {  	v1 =	vmul.f32 v1, v2  }
0x37: {  	[tilespmem:s0+$0xFFFFFFF0] =	vst v7;
	v3 =	vmul.f32 v3, v2  }
0x38: {  	[tilespmem:s0+$0xFFFFFFE0] =	vst v6;
	v4 =	vmul.f32 v4, v2;
	v1 =	vpack.i.f32.bf16 v1, v1  }
0x39: {  	v5 =	vmul.f32 v5, v2;
	v3 =	vpack.i.f32.bf16 v3, v3;
	[tilespmem:s13+$0xFFFFFFE0] =	vst v1  }
0x3a: {  	v4 =	vpack.i.f32.bf16 v4, v4;
	[tilespmem:s13+$0x10] =	vst v3  }
0x3b: {  	v3 =	vpack.i.f32.bf16 v5, v5;
	[tilespmem:s13+$0x0] =	vst v4  }
0x3c: {  	s19 =	simm.s32 $0x0;
	[tilespmem:s13+$0xFFFFFFF0] =	vst v3  }
0x3d: {  	[tilespmem:s5], [sflag:$0x1] =	stream.linear.gather [hbm4b:s7+s19], $0x8000, $0x38;
	[tilespmem:$0x1C480] =	vst v63  }
0x3e: {  	_ =	swait.ge [sflag:s12], $0x8000  }
0x3f: {  	[sflag:s12] =	ssyncset.done $0x0  }
0x40: {  	s20 =	simm.s32 $0x0;
	v4 =	vimm.f32 $0.0e+00;
	[sflag:s12] =	ssyncadd.s32 $0xFFFF8000  }
.LBB2_4:
0x41: {  	s0 =	sshll.u32 s20, $0x5;
	s1 =	sshllo.u32 s20, $0x1;
	s13 =	sshll.u32 s20, $0xB  }
0x42: {  	s14 =	sand.u32 $0x3FFFFFE0, s0;
	s4 =	sshll.u32 s1, $0x4;
	s13 =	sand.u32 $0x3FFFF800, s13  }
0x43: {  	s24 =	sand.u32 $0x380, s19;
	s15 =	sshll.u32 s1, $0xA;
	s25 =	sand.u32 $0x3FFFFFF0, s4  }
0x44: {  	s0 =	sand.u32 $0x40, s19;
	s21 =	sadd.s32 $0x8000, s13;
	s1 =	sand.u32 $0x3FFFFC00, s15  }
0x45: {  	v1 =	vld [tilespmem:s14+$0x1C000];
	s23 =	sor.u32 $0x10, s0;
	s22 =	sadd.s32 $0x8000, s1;
	s1 =	sadd.s32 s24, s21  }
0x46: {  	v3 =	vld [tilespmem:s25+$0x1C000];
	s25 =	sor.u32 $0x20, s0;
	s16 =	sadd.s32 s23, s1  }
0x47: {  	s26 =	sadd.s32 s25, s1;
	v11 =	vld [tilespmem:s16+$0x0]  }
0x48: {  	s13 =	sadd.s32 s24, s22;
	s4 =	sadd.s32 s0, s1;
	v13 =	vld [tilespmem:s26+$0x0]  }
0x49: {  	s17 =	sadd.s32 s23, s13;
	v9 =	vld [tilespmem:s4+$0x0]  }
0x4a: {  	s3 =	sadd.s32 s25, s13;
	v12 =	vld [tilespmem:s17+$0x0]  }
0x4b: {  	s26 =	sor.u32 $0x30, s0;
	s15 =	sadd.s32 s0, s13;
	v14 =	vld [tilespmem:s3+$0x0]  }
0x4c: {  	s1 =	sadd.s32 s26, s1;
	v15 =	vld [tilespmem:s15+$0x0]  }
0x4d: {  	s16 =	sadd.s32 s26, s13;
	v16 =	vld [tilespmem:s1+$0x0]  }
0x4e: {  	v17 =	vld [tilespmem:s16+$0x0];
	_ =	sdelay $0x1  }
0x4f: {  	v5 =	vsub.f32 v11, v1;
	v7 =	vsub.f32 v13, v1  }
0x50: {  	v8 =	vsub.f32 v9, v1;
	v6 =	vsub.f32 v12, v3  }
0x51: {  	s17 =	simm.s32 $0x40;
	v10 =	vsub.f32 v15, v3;
	v18 =	vsub.f32 v14, v3  }
0x52: {  	s3 =	sand.u32 $0x380, s17;
	s1 =	sand.u32 $0x40, s17;
	v19 =	vand.u32 $0x7FFFFFFF, v5;
	v5 =	vsub.f32 v16, v1;
	v20 =	vsub.f32 v17, v3  }
0x53: {  	s14 =	sadd.s32 s3, s21;
	s29 =	sor.u32 $0x10, s1;
	v8 =	vand.u32 $0x7FFFFFFF, v8;
	v22 =	vand.u32 $0x7FFFFFFF, v7;
	v10 =	vand.u32 $0x7FFFFFFF, v10  }
0x54: {  	s30 =	sadd.s32 s3, s22;
	s28 =	sadd.s32 s29, s14;
	v21 =	vand.u32 $0x7FFFFFFF, v6;
	v18 =	vand.u32 $0x7FFFFFFF, v18;
	v6 =	vmax.f32 v8, v10  }
0x55: {  	s31 =	sor.u32 $0x20, s1;
	vm0 =	vlt.f32 v8, v2;
	v7 =	vmax.f32 v19, v21;
	v6 =	vmax.f32 v4, v6;
	v4 =	vld [tilespmem:s28+$0x0];
	s28 =	sadd.s32 s29, s30  }
0x56: {  	s15 =	sshll.u32 s20, $0xA;
	v23 =	vand.u32 $0x7FFFFFFF, v5;
	v6 =	vmax.f32 v6, v7;
	v7 =	vmax.f32 v22, v18;
	v5 =	vld [tilespmem:s28+$0x0];
	s28 =	sadd.s32 s31, s14  }
0x57: {  	s15 =	sand.u32 $0x3FFFFC00, s15;
	vm2 =	vlt.f32 v19, v2;
	vm4 =	vlt.f32 v22, v2;
	v8 =	vmax.f32 v6, v7;
	v6 =	vld [tilespmem:s28+$0x0];
	s28 =	sadd.s32 s31, s30  }
0x58: {  	s17 =	sadd.s32 s1, s30;
	v20 =	vand.u32 $0x7FFFFFFF, v20;
	vm1 =	vlt.f32 v10, v2;
	vm3 =	vlt.f32 v21, v2;
	v7 =	vld [tilespmem:s28+$0x0];
	s28 =	sadd.s32 $0x10000, s15  }
0x59: {  	s16 =	sadd.s32 s1, s14;
	vm5 =	vlt.f32 v18, v2;
	v24 =	vmax.f32 v23, v20;
	v18 =	vnsel vm0, $0xFF800000, v9;
	v9 =	vld [tilespmem:s17+$0x0];
	s13 =	sadd.s32 s3, s28;
	s3 =	sor.u32 $0x30, s1  }
0x5a: {  	v11 =	vnsel vm2, $0xFF800000, v11;
	v12 =	vnsel vm3, $0xFF800000, v12;
	v10 =	vmax.f32 v8, v24;
	v8 =	vld [tilespmem:s16+$0x0];
	s24 =	sadd.s32 s24, s28;
	s14 =	sadd.s32 s3, s14  }
0x5b: {  	v13 =	vnsel vm4, $0xFF800000, v13;
	vm15 =	vlt.f32 v23, v2;
	v12 =	vpack.i.f32.bf16 v12, v11;
	s4 =	sadd.s32 s23, s24;
	s16 =	sadd.s32 s3, s30;
	v11 =	vld [tilespmem:s14+$0x0]  }
0x5c: {  	vm6 =	vlt.f32 v20, v2;
	v15 =	vnsel vm1, $0xFF800000, v15;
	v14 =	vnsel vm5, $0xFF800000, v14;
	[tilespmem:s4+$0x0] =	vst v12;
	v12 =	vld [tilespmem:s16+$0x0]  }
0x5d: {  	v16 =	vnsel vm15, $0xFF800000, v16;
	v19 =	vnsel vm6, $0xFF800000, v17;
	v20 =	vpack.i.f32.bf16 v14, v13  }
0x5e: {  	v18 =	vpack.i.f32.bf16 v15, v18;
	s0 =	sadd.s32 s0, s24;
	s17 =	sadd.s32 s25, s24;
	s26 =	sadd.s32 s26, s24;
	v17 =	vsub.f32 v4, v1;
	v15 =	vsub.f32 v5, v3  }
0x5f: {  	v16 =	vpack.i.f32.bf16 v19, v16;
	s24 =	sadd.s32 s1, s13;
	s25 =	sadd.s32 s29, s13;
	s23 =	sadd.s32 s31, s13;
	[tilespmem:s0+$0x0] =	vst v18;
	v19 =	vsub.f32 v9, v3;
	v13 =	vsub.f32 v6, v1  }
0x60: {  	s29 =	sadd.s32 s3, s13;
	s30 =	simm.s32 $0x4;
	s31 =	simm.s32 $0x80;
	[tilespmem:s17+$0x0] =	vst v20;
	v14 =	vsub.f32 v7, v3;
	v18 =	vsub.f32 v8, v1  }
.LBB2_5:
0x61: {  	s0 =	sand.u32 $0x380, s31;
	s3 =	sand.u32 $0x40, s31;
	v17 =	vand.u32 $0x7FFFFFFF, v17;
	v20 =	vsub.f32 v11, v1;
	v21 =	vsub.f32 v12, v3;
	[tilespmem:s26+$0x0] =	vst v16;
	v16 =	vmovc v12;
	s26 =	smov.u32 s29  }
0x62: {  	v15 =	vand.u32 $0x7FFFFFFF, v15;
	s14 =	sadd.s32 s0, s21;
	s15 =	sadd.s32 s0, s28;
	s1 =	sor.u32 $0x10, s3;
	v12 =	vand.u32 $0x7FFFFFFF, v18;
	v18 =	vand.u32 $0x7FFFFFFF, v19  }
0x63: {  	v13 =	vand.u32 $0x7FFFFFFF, v13;
	v14 =	vand.u32 $0x7FFFFFFF, v14;
	s16 =	sadd.s32 s0, s22;
	s0 =	sadd.s32 s3, s15;
	s13 =	sadd.s32 s1, s14;
	v19 =	vmax.f32 v12, v18  }
0x64: {  	s17 =	sor.u32 $0x20, s3;
	v20 =	vand.u32 $0x7FFFFFFF, v20;
	v22 =	vld [tilespmem:s13+$0x0];
	s13 =	sadd.s32 s1, s16;
	s1 =	sadd.s32 s1, s15;
	v10 =	vmax.f32 v10, v19;
	v19 =	vmax.f32 v17, v15  }
0x65: {  	s29 =	sadd.s32 s17, s14;
	v21 =	vand.u32 $0x7FFFFFFF, v21;
	v23 =	vld [tilespmem:s13+$0x0];
	s13 =	sadd.s32 s17, s15;
	v10 =	vmax.f32 v10, v19;
	v19 =	vmax.f32 v13, v14  }
0x66: {  	s4 =	sor.u32 $0x30, s3;
	vm0 =	vlt.f32 v12, v2;
	v12 =	vmax.f32 v20, v21;
	s17 =	sadd.s32 s17, s16;
	v24 =	vld [tilespmem:s29+$0x0];
	v10 =	vmax.f32 v10, v19  }
0x67: {  	s30 =	sadd.s32 $0x4, s30;
	vm2 =	vlt.f32 v17, v2;
	vm1 =	vlt.f32 v18, v2;
	s29 =	sadd.s32 s4, s15;
	v19 =	vld [tilespmem:s17+$0x0];
	s17 =	sadd.s32 s4, s14;
	v10 =	vmax.f32 v10, v12  }
0x68: {  	p0 =	slt.u32 s30, $0x3C;
	vm3 =	vlt.f32 v15, v2;
	vm4 =	vlt.f32 v13, v2;
	vm5 =	vlt.f32 v14, v2;
	s14 =	sadd.s32 s3, s14;
	v25 =	vld [tilespmem:s17+$0x0]  }
0x69: {  	vm6 =	vlt.f32 v21, v2;
	v13 =	vnsel vm0, $0xFF800000, v8;
	vm0 =	vlt.f32 v20, v2;
	s3 =	sadd.s32 s3, s16;
	v8 =	vld [tilespmem:s14+$0x0]  }
0x6a: {  	v15 =	vnsel vm2, $0xFF800000, v4;
	v17 =	vnsel vm3, $0xFF800000, v5;
	v14 =	vnsel vm1, $0xFF800000, v9;
	s4 =	sadd.s32 s4, s16;
	v4 =	vmovc v22;
	v9 =	vld [tilespmem:s3+$0x0];
	v5 =	vmovc v23  }
.Ltmp3:
0x6b: {  	v18 =	vnsel vm4, $0xFF800000, v6;
	v20 =	vnsel vm5, $0xFF800000, v7;
	v11 =	vnsel vm0, $0xFF800000, v11;
	v12 =	vld [tilespmem:s4+$0x0];
	v6 =	vmovc v24;
	(pc) =	sbr.rel @p0 .LBB2_5-.Ltmp3, $4  }
0x6c: {  	v21 =	vpack.i.f32.bf16 v17, v15;
	v16 =	vnsel vm6, $0xFF800000, v16;
	v13 =	vpack.i.f32.bf16 v14, v13;
	v7 =	vmovc v19  }
0x6d: {  	v20 =	vpack.i.f32.bf16 v20, v18;
	v17 =	vsub.f32 v4, v1;
	v15 =	vsub.f32 v5, v3;
	[tilespmem:s24+$0x0] =	vst v13;
	s24 =	smov.u32 s0  }
0x6e: {  	v16 =	vpack.i.f32.bf16 v16, v11;
	v13 =	vsub.f32 v6, v1;
	v14 =	vsub.f32 v7, v3;
	[tilespmem:s25+$0x0] =	vst v21;
	s25 =	smov.u32 s1  }
0x6f: {  	s31 =	sadd.s32 $0x40, s31;
	v11 =	vmov v25;
	v18 =	vsub.f32 v8, v1;
	v19 =	vsub.f32 v9, v3;
	[tilespmem:s23+$0x0] =	vst v20;
	s23 =	smov.u32 s13  }
0x70: {  	v17 =	vand.u32 $0x7FFFFFFF, v17  }
0x71: {  	v15 =	vand.u32 $0x7FFFFFFF, v15;
	v1 =	vsub.f32 v11, v1;
	v3 =	vsub.f32 v12, v3  }
0x72: {  	v13 =	vand.u32 $0x7FFFFFFF, v13;
	v14 =	vand.u32 $0x7FFFFFFF, v14;
	v18 =	vand.u32 $0x7FFFFFFF, v18  }
0x73: {  	v19 =	vand.u32 $0x7FFFFFFF, v19;
	v61 =	vmax.f32 v17, v15;
	v62 =	vmax.f32 v13, v14  }
0x74: {  	vm2 =	vlt.f32 v17, v2;
	vm3 =	vlt.f32 v15, v2;
	vm4 =	vlt.f32 v13, v2  }
0x75: {  	vm5 =	vlt.f32 v14, v2;
	v20 =	vmax.f32 v18, v19;
	v1 =	vand.u32 $0x7FFFFFFF, v1  }
0x76: {  	vm0 =	vlt.f32 v18, v2;
	v3 =	vand.u32 $0x7FFFFFFF, v3;
	vm1 =	vlt.f32 v19, v2  }
0x77: {  	s20 =	sadd.s32 $0x1, s20;
	v4 =	vnsel vm2, $0xFF800000, v4;
	v5 =	vnsel vm3, $0xFF800000, v5;
	v6 =	vnsel vm4, $0xFF800000, v6  }
0x78: {  	p0 =	sne.s32 s20, $0x10;
	v7 =	vnsel vm5, $0xFF800000, v7;
	v10 =	vmax.f32 v10, v20;
	v8 =	vnsel vm0, $0xFF800000, v8  }
.Ltmp4:
0x79: {  	[tilespmem:s26+$0x0] =	vst v16;
	vm14 =	vlt.f32 v1, v2;
	v9 =	vnsel vm1, $0xFF800000, v9;
	v4 =	vpack.i.f32.bf16 v5, v4;
	(pc) =	sbr.rel @p0 .LBB2_4-.Ltmp4, $4  }
0x7a: {  	vm15 =	vlt.f32 v3, v2;
	v6 =	vpack.i.f32.bf16 v7, v6;
	v10 =	vmax.f32 v10, v61;
	[tilespmem:s25+$0x0] =	vst v4  }
0x7b: {  	v8 =	vpack.i.f32.bf16 v9, v8;
	v5 =	vnsel vm14, $0xFF800000, v11;
	v63 =	vnsel vm15, $0xFF800000, v12;
	[tilespmem:s23+$0x0] =	vst v6  }
0x7c: {  	v1 =	vmax.f32 v1, v3;
	[tilespmem:s24+$0x0] =	vst v8;
	v4 =	vmax.f32 v10, v62;
	v3 =	vpack.i.f32.bf16 v63, v5  }
0x7d: {  	v4 =	vmax.f32 v4, v1;
	[tilespmem:s29+$0x0] =	vst v3  }
0x7e: {  	(xrf0) =	vmax.scan.msk.f32 $0xffff, v4;
	_ =	sdelay $0x5  }
0x7f: {  	(v2sf) =	vpush v2, $0x0;
	v1, _, _ =	vpop (xrf0)  }
0x80: {  	(v2sf) =	vpush v1, $0xF;
	_ =	sdelay $0xb  }
0x81: {  	(erf) = vrcp.f32 v2;
	_ =	sdelay $0x1  }
0x82: {  	s19 =	spop (v2sf)  }
0x83: {  	s0 =	spop (v2sf)  }
0x84: {  	p0 =	sge.f32 s0, s19  }
.Ltmp5:
0x85: {  	_ = 	snop;
	(pc) =	sbr.rel @p0 .LBB2_8-.Ltmp5, $3  }
0x86: {  	_ =	sdelay $0x1  }
0x87: {  	s20 =	simm.s32 $0x0;
	s21 =	simm.s32 $0x0  }
0x88: {  	s22 =	simm.s32 $0x0;
	s23 =	simm.s32 $0x0;
	s24 =	simm.s32 $0x0;
	v1 =	vpop (erf)  }
.LBB2_11:
0x89: {  	s0 =	sshll.u32 s24, $0x8  }
0x8a: {  	v3 =	vld [tilespmem:s0+$0x0]  }
0x8b: {  	v4 =	vld [tilespmem:s0+$0x10]  }
0x8c: {  	v5 =	vld [tilespmem:s0+$0x20]  }
0x8d: {  	v6 =	vld [tilespmem:s0+$0x30]  }
0x8e: {  	v7 =	vld [tilespmem:s0+$0x40]  }
0x8f: {  	v8 =	vld [tilespmem:s0+$0x50]  }
0x90: {  	v9 =	vld [tilespmem:s0+$0x60]  }
0x91: {  	v10 =	vld [tilespmem:s0+$0x70]  }
0x92: {  	v11 =	vld [tilespmem:s0+$0x80]  }
0x93: {  	v12 =	vld [tilespmem:s0+$0x90]  }
0x94: {  	v13 =	vld [tilespmem:s0+$0xA0]  }
0x95: {  	v14 =	vld [tilespmem:s0+$0xB0]  }
0x96: {  	v15 =	vld [tilespmem:s0+$0xC0]  }
0x97: {  	v16 =	vld [tilespmem:s0+$0xD0]  }
0x98: {  	v17 =	vld [tilespmem:s0+$0xE0]  }
0x99: {  	v18 =	vld [tilespmem:s0+$0xF0]  }
0x9a: {  	v19 =	vld [tilespmem:s0+$0x4000]  }
0x9b: {  	v20 =	vld [tilespmem:s0+$0x4010]  }
0x9c: {  	v21 =	vld [tilespmem:s0+$0x4020]  }
0x9d: {  	v22 =	vld [tilespmem:s0+$0x4030]  }
0x9e: {  	v23 =	vld [tilespmem:s0+$0x4040]  }
0x9f: {  	v26 =	vld [tilespmem:s0+$0x4050]  }
0xa0: {  	v29 =	vld [tilespmem:s0+$0x4060]  }
0xa1: {  	v32 =	vld [tilespmem:s0+$0x4070]  }
0xa2: {  	v33 =	vld [tilespmem:s0+$0x4080]  }
0xa3: {  	v34 =	vld [tilespmem:s0+$0x4090]  }
0xa4: {  	v30 =	vld [tilespmem:s0+$0x40A0]  }
0xa5: {  	v31 =	vld [tilespmem:s0+$0x40B0]  }
0xa6: {  	v27 =	vld [tilespmem:s0+$0x40C0]  }
0xa7: {  	v28 =	vld [tilespmem:s0+$0x40D0]  }
0xa8: {  	v24 =	vld [tilespmem:s0+$0x40E0]  }
0xa9: {  	s31 =	simm.s32 $0x10000;
	v25 =	vld [tilespmem:s0+$0x40F0]  }
0xaa: {  	v35 =	vld.idx.msk [tilespmem:v15+s31+$0x400], $0xffff  }
0xab: {  	v36 =	vld.idx.msk [tilespmem:v16+s31+$0x400], $0xffff  }
0xac: {  	v37 =	vld.idx.msk [tilespmem:v17+s31+$0x400], $0xffff  }
0xad: {  	v38 =	vld.idx.msk [tilespmem:v18+s31+$0x400], $0xffff  }
0xae: {  	v39 =	vld.idx.msk [tilespmem:v11+s31+$0x400], $0xffff  }
0xaf: {  	v40 =	vld.idx.msk [tilespmem:v12+s31+$0x400], $0xffff  }
0xb0: {  	v41 =	vld.idx.msk [tilespmem:v13+s31+$0x400], $0xffff  }
0xb1: {  	v42 =	vld.idx.msk [tilespmem:v14+s31+$0x400], $0xffff  }
0xb2: {  	v43 =	vld.idx.msk [tilespmem:v3+s31+$0x400], $0xffff  }
0xb3: {  	v44 =	vld.idx.msk [tilespmem:v4+s31+$0x400], $0xffff  }
0xb4: {  	v45 =	vld.idx.msk [tilespmem:v5+s31+$0x400], $0xffff  }
0xb5: {  	v46 =	vld.idx.msk [tilespmem:v6+s31+$0x400], $0xffff  }
0xb6: {  	v47 =	vld.idx.msk [tilespmem:v7+s31+$0x400], $0xffff  }
0xb7: {  	v48 =	vld.idx.msk [tilespmem:v8+s31+$0x400], $0xffff  }
0xb8: {  	v49 =	vld.idx.msk [tilespmem:v9+s31+$0x400], $0xffff;
	v35 =	vadd.bf16 v35, v27;
	v36 =	vadd.bf16 v36, v28  }
0xb9: {  	v50 =	vld.idx.msk [tilespmem:v10+s31+$0x400], $0xffff;
	v37 =	vadd.bf16 v37, v24;
	v38 =	vadd.bf16 v38, v25  }
0xba: {  	v51 =	vld.idx.msk [tilespmem:v4+s31+$0x0], $0xffff;
	v39 =	vadd.bf16 v39, v33;
	v40 =	vadd.bf16 v40, v34  }
0xbb: {  	v52 =	vld.idx.msk [tilespmem:v5+s31+$0x0], $0xffff;
	v41 =	vadd.bf16 v41, v30;
	v42 =	vadd.bf16 v42, v31  }
0xbc: {  	v53 =	vld.idx.msk [tilespmem:v6+s31+$0x0], $0xffff;
	v43 =	vadd.bf16 v43, v19;
	v44 =	vadd.bf16 v44, v20  }
0xbd: {  	v54 =	vld.idx.msk [tilespmem:v7+s31+$0x0], $0xffff;
	v45 =	vadd.bf16 v45, v21;
	v47 =	vadd.bf16 v47, v23  }
0xbe: {  	v55 =	vld.idx.msk [tilespmem:v8+s31+$0x0], $0xffff;
	v48 =	vadd.bf16 v48, v26;
	v49 =	vadd.bf16 v49, v29  }
0xbf: {  	v56 =	vld.idx.msk [tilespmem:v9+s31+$0x0], $0xffff;
	v46 =	vadd.bf16 v46, v22;
	v50 =	vadd.bf16 v50, v32  }
0xc0: {  	v63 =	vld.idx.msk [tilespmem:v3+s31+$0x0], $0xffff;
	v43 =	vmax.bf16 v43, v47;
	v44 =	vmax.bf16 v44, v48;
	v45 =	vmax.bf16 v45, v49  }
0xc1: {  	v57 =	vld.idx.msk [tilespmem:v10+s31+$0x0], $0xffff;
	v46 =	vmax.bf16 v46, v50;
	v39 =	vmax.bf16 v43, v39;
	v40 =	vmax.bf16 v44, v40  }
0xc2: {  	v48 =	vld.idx.msk [tilespmem:v12+s31+$0x0], $0xffff;
	v41 =	vmax.bf16 v45, v41;
	v42 =	vmax.bf16 v46, v42;
	v39 =	vmax.bf16 v39, v35  }
0xc3: {  	v43 =	vld.idx.msk [tilespmem:v11+s31+$0x0], $0xffff;
	v36 =	vmax.bf16 v40, v36;
	v37 =	vmax.bf16 v41, v37;
	v38 =	vmax.bf16 v42, v38  }
0xc4: {  	s1 =	sshll.u32 s23, $0x2;
	s3 =	sand.u32 $0x7, s20;
	v59 =	vadd.bf16 v54, v23;
	v35 =	vld.idx.msk [tilespmem:v13+s31+$0x0], $0xffff;
	v40 =	vmax.bf16 v39, v36;
	v37 =	vmax.bf16 v37, v38  }
0xc5: {  	s1 =	sand.u32 $0xFFFFFE00, s1;
	s3 =	sshll.u32 s3, $0x6;
	v60 =	vadd.bf16 v55, v26;
	v62 =	vadd.bf16 v63, v19;
	v42 =	vld.idx.msk [tilespmem:v18+s31+$0x0], $0xffff;
	v58 =	vmax.bf16 v40, v37  }
0xc6: {  	s1 =	sor.u32 s3, s1;
	v47 =	vadd.bf16 v57, v32;
	v41 =	vadd.bf16 v51, v20;
	v36 =	vld.idx.msk [tilespmem:v14+s31+$0x0], $0xffff;
	v61 =	vunpack.i.u.bf16.f32 v58  }
0xc7: {  	s1 =	sshrl.u32 s1, $0x2;
	v49 =	vmax.bf16 v62, v59;
	v45 =	vadd.bf16 v56, v29;
	v37 =	vld.idx.msk [tilespmem:v15+s31+$0x0], $0xffff;
	v63 =	vmul.f32 v61, v1  }
0xc8: {  	s21 =	sadd.s32 $0x14800, s1;
	v38 =	vadd.bf16 v52, v21;
	v39 =	vadd.bf16 v53, v22;
	v40 =	vld.idx.msk [tilespmem:v16+s31+$0x0], $0xffff;
	v44 =	vmax.bf16 v41, v60  }
0xc9: {  	s22 =	simm.s32 $0x0;
	s25 =	simm.s32 $0x10800;
	v41 =	vld.idx.msk [tilespmem:v17+s31+$0x0], $0xffff;
	v48 =	vadd.bf16 v48, v34;
	v46 =	vadd.bf16 v43, v33;
	v43 =	vunpack.i.l.bf16.f32 v58;
	[tilespmem:s21+$0x400] =	vst v63  }
.LBB2_12:
0xca: {  	v50 =	vld.idx.msk [tilespmem:v15+s25+$0x400], $0xffff;
	v38 =	vmax.bf16 v38, v45;
	v39 =	vmax.bf16 v39, v47;
	v35 =	vadd.bf16 v35, v30  }
0xcb: {  	v46 =	vmax.bf16 v49, v46;
	v36 =	vadd.bf16 v36, v31;
	v45 =	vld.idx.msk [tilespmem:v16+s25+$0x400], $0xffff;
	v44 =	vmax.bf16 v44, v48  }
0xcc: {  	v37 =	vadd.bf16 v37, v27;
	v47 =	vld.idx.msk [tilespmem:v17+s25+$0x400], $0xffff;
	v35 =	vmax.bf16 v38, v35;
	v38 =	vmul.f32 v43, v1  }
0xcd: {  	v36 =	vmax.bf16 v39, v36;
	v39 =	vadd.bf16 v40, v28;
	v43 =	vld.idx.msk [tilespmem:v18+s25+$0x400], $0xffff  }
0xce: {  	v37 =	vmax.bf16 v46, v37;
	v41 =	vadd.bf16 v41, v24;
	v40 =	vld.idx.msk [tilespmem:v11+s25+$0x400], $0xffff;
	[tilespmem:s21+$0x0] =	vst v38  }
0xcf: {  	v39 =	vmax.bf16 v44, v39;
	v42 =	vadd.bf16 v42, v25;
	v38 =	vld.idx.msk [tilespmem:v12+s25+$0x400], $0xffff  }
0xd0: {  	v35 =	vmax.bf16 v35, v41;
	v37 =	vmax.bf16 v37, v39;
	v44 =	vld.idx.msk [tilespmem:v13+s25+$0x400], $0xffff  }
0xd1: {  	v36 =	vmax.bf16 v36, v42;
	v39 =	vld.idx.msk [tilespmem:v14+s25+$0x400], $0xffff  }
0xd2: {  	v35 =	vmax.bf16 v35, v36;
	v41 =	vld.idx.msk [tilespmem:v3+s25+$0x400], $0xffff  }
0xd3: {  	v35 =	vmax.bf16 v37, v35;
	v36 =	vld.idx.msk [tilespmem:v4+s25+$0x400], $0xffff  }
0xd4: {  	v42 =	vunpack.i.u.bf16.f32 v35;
	v35 =	vunpack.i.l.bf16.f32 v35;
	v37 =	vld.idx.msk [tilespmem:v5+s25+$0x400], $0xffff  }
0xd5: {  	v35 =	vmul.f32 v35, v1;
	v42 =	vmul.f32 v42, v1;
	v46 =	vld.idx.msk [tilespmem:v6+s25+$0x400], $0xffff  }
0xd6: {  	v48 =	vld.idx.msk [tilespmem:v7+s25+$0x400], $0xffff  }
0xd7: {  	v49 =	vld.idx.msk [tilespmem:v8+s25+$0x400], $0xffff;
	[tilespmem:s21+$0xFFFFF800] =	vst v35  }
0xd8: {  	v50 =	vadd.bf16 v50, v27;
	v45 =	vadd.bf16 v45, v28;
	v35 =	vld.idx.msk [tilespmem:v9+s25+$0x400], $0xffff;
	[tilespmem:s21+$0xFFFFFC00] =	vst v42  }
0xd9: {  	s22 =	sadd.s32 $0x2, s22;
	v47 =	vadd.bf16 v47, v24;
	v43 =	vadd.bf16 v43, v25;
	v42 =	vld.idx.msk [tilespmem:v10+s25+$0x400], $0xffff  }
0xda: {  	p0 =	slt.u32 s22, $0xE;
	v40 =	vadd.bf16 v40, v33;
	v38 =	vadd.bf16 v38, v34;
	v51 =	vld.idx.msk [tilespmem:v4+s25+$0x0], $0xffff  }
0xdb: {  	v44 =	vadd.bf16 v44, v30;
	v39 =	vadd.bf16 v39, v31;
	v52 =	vld.idx.msk [tilespmem:v5+s25+$0x0], $0xffff  }
0xdc: {  	v41 =	vadd.bf16 v41, v19;
	v36 =	vadd.bf16 v36, v20;
	v53 =	vld.idx.msk [tilespmem:v6+s25+$0x0], $0xffff  }
0xdd: {  	v37 =	vadd.bf16 v37, v21;
	v48 =	vadd.bf16 v48, v23;
	v54 =	vld.idx.msk [tilespmem:v7+s25+$0x0], $0xffff  }
0xde: {  	v49 =	vadd.bf16 v49, v26;
	v35 =	vadd.bf16 v35, v29;
	v55 =	vld.idx.msk [tilespmem:v8+s25+$0x0], $0xffff  }
0xdf: {  	v46 =	vadd.bf16 v46, v22;
	v42 =	vadd.bf16 v42, v32;
	v56 =	vld.idx.msk [tilespmem:v9+s25+$0x0], $0xffff  }
0xe0: {  	v41 =	vmax.bf16 v41, v48;
	v36 =	vmax.bf16 v36, v49;
	v35 =	vmax.bf16 v37, v35;
	v57 =	vld.idx.msk [tilespmem:v10+s25+$0x0], $0xffff  }
0xe1: {  	v40 =	vmax.bf16 v41, v40;
	v36 =	vmax.bf16 v36, v38;
	v37 =	vmax.bf16 v46, v42;
	v48 =	vld.idx.msk [tilespmem:v3+s25+$0x0], $0xffff  }
0xe2: {  	v38 =	vmax.bf16 v40, v50;
	v35 =	vmax.bf16 v35, v44;
	v37 =	vmax.bf16 v37, v39;
	v41 =	vld.idx.msk [tilespmem:v11+s25+$0x0], $0xffff  }
0xe3: {  	v36 =	vmax.bf16 v36, v45;
	v39 =	vmax.bf16 v35, v47;
	v37 =	vmax.bf16 v37, v43;
	v42 =	vld.idx.msk [tilespmem:v12+s25+$0x0], $0xffff  }
0xe4: {  	v40 =	vmax.bf16 v38, v36;
	v43 =	vadd.bf16 v51, v20;
	v37 =	vmax.bf16 v39, v37;
	v35 =	vld.idx.msk [tilespmem:v13+s25+$0x0], $0xffff  }
.Ltmp6:
0xe5: {  	v38 =	vadd.bf16 v52, v21;
	v39 =	vadd.bf16 v53, v22;
	v50 =	vmax.bf16 v40, v37;
	v36 =	vld.idx.msk [tilespmem:v14+s25+$0x0], $0xffff;
	(pc) =	sbr.rel @p0 .LBB2_12-.Ltmp6, $4  }
0xe6: {  	v49 =	vadd.bf16 v54, v23;
	v44 =	vadd.bf16 v55, v26;
	v46 =	vunpack.i.u.bf16.f32 v50;
	v37 =	vld.idx.msk [tilespmem:v15+s25+$0x0], $0xffff  }
0xe7: {  	v45 =	vadd.bf16 v56, v29;
	v48 =	vadd.bf16 v48, v19;
	v51 =	vmul.f32 v46, v1;
	v40 =	vld.idx.msk [tilespmem:v16+s25+$0x0], $0xffff  }
0xe8: {  	s21 =	sadd.s32 $0x1000, s21;
	v44 =	vmax.bf16 v43, v44;
	v47 =	vadd.bf16 v57, v32;
	v46 =	vadd.bf16 v41, v33;
	v41 =	vld.idx.msk [tilespmem:v17+s25+$0x0], $0xffff  }
0xe9: {  	v43 =	vunpack.i.l.bf16.f32 v50;
	v49 =	vmax.bf16 v48, v49;
	v48 =	vadd.bf16 v42, v34;
	v42 =	vld.idx.msk [tilespmem:v18+s25+$0x0], $0xffff;
	[tilespmem:s21+$0x400] =	vst v51;
	s25 =	sadd.s32 $0x800, s25  }
0xea: {  	_ = 	snop  }
0xeb: {  	v3 =	vmax.bf16 v38, v45  }
0xec: {  	v4 =	vmax.bf16 v39, v47;
	v5 =	vadd.bf16 v35, v30;
	v6 =	vadd.bf16 v36, v31  }
0xed: {  	v7 =	vmax.bf16 v49, v46;
	v8 =	vadd.bf16 v37, v27;
	v9 =	vadd.bf16 v40, v28  }
0xee: {  	v10 =	vmax.bf16 v44, v48;
	v11 =	vadd.bf16 v41, v24;
	v12 =	vadd.bf16 v42, v25  }
0xef: {  	v3 =	vmax.bf16 v3, v5;
	v4 =	vmax.bf16 v4, v6;
	v61 =	vmax.bf16 v7, v8  }
0xf0: {  	v62 =	vmax.bf16 v10, v9;
	v3 =	vmax.bf16 v3, v11;
	v4 =	vmax.bf16 v4, v12  }
0xf1: {  	s24 =	sadd.s32 $0x1, s24;
	v5 =	vmax.bf16 v61, v62;
	v3 =	vmax.bf16 v3, v4  }
0xf2: {  	p0 =	sne.s32 s24, $0x40;
	v3 =	vmax.bf16 v5, v3  }
.Ltmp7:
0xf3: {  	v63 =	vmul.f32 v43, v1;
	v5 =	vunpack.i.l.bf16.f32 v3;
	(pc) =	sbr.rel @p0 .LBB2_11-.Ltmp7, $4  }
.Ltmp8:
0xf4: {  	v3 =	vunpack.i.u.bf16.f32 v3;
	v5 =	vmul.f32 v5, v1;
	(pc) =	sbr.rel @!p0 .LBB2_14-.Ltmp8, $4  }
0xf5: {  	[tilespmem:s21+$0x0] =	vst v63;
	v3 =	vmul.f32 v3, v1  }
0xf6: {  	[tilespmem:s21+$0xFFFFF800] =	vst v5  }
0xf7: {  	s23 =	sadd.s32 $0x10, s23;
	s20 =	sadd.s32 $0x1, s20;
	[tilespmem:s21+$0xFFFFFC00] =	vst v3  }
0xf8: {  	_ = 	snop  }
.LBB2_8:
0xf9: {  	s0 =	sshll.u32 s22, $0x8  }
0xfa: {  	v3 =	vld [tilespmem:s0+$0x0]  }
0xfb: {  	v4 =	vld [tilespmem:s0+$0x10]  }
0xfc: {  	v5 =	vld [tilespmem:s0+$0x20]  }
0xfd: {  	v6 =	vld [tilespmem:s0+$0x30]  }
0xfe: {  	v7 =	vld [tilespmem:s0+$0x40]  }
0xff: {  	v8 =	vld [tilespmem:s0+$0x50]  }
0x100: {  	v9 =	vld [tilespmem:s0+$0x60]  }
0x101: {  	v10 =	vld [tilespmem:s0+$0x70]  }
0x102: {  	v11 =	vld [tilespmem:s0+$0x80]  }
0x103: {  	v12 =	vld [tilespmem:s0+$0x90]  }
0x104: {  	v13 =	vld [tilespmem:s0+$0xA0]  }
0x105: {  	v14 =	vld [tilespmem:s0+$0xB0]  }
0x106: {  	v15 =	vld [tilespmem:s0+$0xC0]  }
0x107: {  	v16 =	vld [tilespmem:s0+$0xD0]  }
0x108: {  	v17 =	vld [tilespmem:s0+$0xE0]  }
0x109: {  	v18 =	vld [tilespmem:s0+$0xF0]  }
0x10a: {  	v19 =	vld [tilespmem:s0+$0x4000]  }
0x10b: {  	v20 =	vld [tilespmem:s0+$0x4010]  }
0x10c: {  	v21 =	vld [tilespmem:s0+$0x4020]  }
0x10d: {  	v22 =	vld [tilespmem:s0+$0x4030]  }
0x10e: {  	v23 =	vld [tilespmem:s0+$0x4040]  }
0x10f: {  	v24 =	vld [tilespmem:s0+$0x4050]  }
0x110: {  	v25 =	vld [tilespmem:s0+$0x4060]  }
0x111: {  	v26 =	vld [tilespmem:s0+$0x4080]  }
0x112: {  	v27 =	vld [tilespmem:s0+$0x4090]  }
0x113: {  	v28 =	vld [tilespmem:s0+$0x40A0]  }
0x114: {  	v29 =	vld [tilespmem:s0+$0x40B0]  }
0x115: {  	v32 =	vld [tilespmem:s0+$0x40C0]  }
0x116: {  	v33 =	vld [tilespmem:s0+$0x40D0]  }
0x117: {  	v30 =	vld [tilespmem:s0+$0x40E0]  }
0x118: {  	s23 =	simm.s32 $0x10000;
	v31 =	vld [tilespmem:s0+$0x40F0]  }
0x119: {  	v34 =	vld.idx.msk [tilespmem:v15+s23+$0x400], $0xffff  }
0x11a: {  	v35 =	vld.idx.msk [tilespmem:v16+s23+$0x400], $0xffff  }
0x11b: {  	v36 =	vld.idx.msk [tilespmem:v17+s23+$0x400], $0xffff  }
0x11c: {  	v37 =	vld.idx.msk [tilespmem:v18+s23+$0x400], $0xffff  }
0x11d: {  	v38 =	vld.idx.msk [tilespmem:v11+s23+$0x400], $0xffff  }
0x11e: {  	v39 =	vld.idx.msk [tilespmem:v12+s23+$0x400], $0xffff  }
0x11f: {  	v40 =	vld.idx.msk [tilespmem:v13+s23+$0x400], $0xffff  }
0x120: {  	v41 =	vld.idx.msk [tilespmem:v14+s23+$0x400], $0xffff  }
0x121: {  	v42 =	vld.idx.msk [tilespmem:v3+s23+$0x400], $0xffff  }
0x122: {  	v43 =	vld.idx.msk [tilespmem:v4+s23+$0x400], $0xffff  }
0x123: {  	v44 =	vld.idx.msk [tilespmem:v5+s23+$0x400], $0xffff  }
0x124: {  	v45 =	vld.idx.msk [tilespmem:v6+s23+$0x400], $0xffff  }
0x125: {  	v46 =	vld.idx.msk [tilespmem:v7+s23+$0x400], $0xffff;
	vm2 =	veq.bf16 v34, $-Inf;
	vm3 =	veq.bf16 v35, $-Inf;
	vm4 =	veq.bf16 v36, $-Inf  }
0x126: {  	v47 =	vld.idx.msk [tilespmem:v8+s23+$0x400], $0xffff;
	vm0 =	veq.bf16 v38, $-Inf;
	vm1 =	veq.bf16 v39, $-Inf;
	vm7 =	veq.bf16 v37, $-Inf  }
0x127: {  	v49 =	vld.idx.msk [tilespmem:v9+s23+$0x400], $0xffff;
	vm5 =	veq.bf16 v40, $-Inf;
	v48 =	vadd.bf16 v34, v32;
	v35 =	vadd.bf16 v35, v33  }
0x128: {  	v50 =	vld.idx.msk [tilespmem:v10+s23+$0x400], $0xffff;
	vm6 =	veq.bf16 v41, $-Inf;
	v36 =	vadd.bf16 v36, v30;
	v37 =	vadd.bf16 v37, v31  }
0x129: {  	v51 =	vld.idx.msk [tilespmem:v4+s23+$0x0], $0xffff;
	vm8 =	veq.bf16 v42, $-Inf;
	vm9 =	veq.bf16 v43, $-Inf;
	v38 =	vadd.bf16 v38, v26  }
0x12a: {  	v54 =	vld.idx.msk [tilespmem:v3+s23+$0x0], $0xffff;
	vm10 =	veq.bf16 v44, $-Inf;
	v39 =	vadd.bf16 v39, v27;
	v40 =	vadd.bf16 v40, v28  }
0x12b: {  	v61 =	vld.idx.msk [tilespmem:v9+s23+$0x0], $0xffff;
	vm11 =	veq.bf16 v45, $-Inf;
	v41 =	vadd.bf16 v41, v29;
	v42 =	vadd.bf16 v42, v19  }
0x12c: {  	vm12 =	veq.bf16 v46, $-Inf;
	v43 =	vadd.bf16 v43, v20;
	v44 =	vadd.bf16 v44, v21  }
0x12d: {  	vm13 =	veq.bf16 v47, $-Inf;
	v45 =	vadd.bf16 v45, v22;
	v46 =	vadd.bf16 v46, v23  }
0x12e: {  	vm14 =	veq.bf16 v49, $-Inf;
	v47 =	vadd.bf16 v47, v24;
	v49 =	vadd.bf16 v49, v25  }
0x12f: {  	v52 =	vld.idx.msk [tilespmem:v5+s23+$0x0], $0xffff;
	vm15 =	veq.bf16 v50, $-Inf;
	v63 =	vadd.bf16 v54, v19;
	v56 =	vadd.bf16 v51, v20  }
0x130: {  	v53 =	vld.idx.msk [tilespmem:v6+s23+$0x0], $0xffff;
	v59 =	vadd.bf16 v61, v25;
	v48 =	vsel vm2, v0, v48;
	v35 =	vsel vm3, v0, v35  }
0x131: {  	v55 =	vld.idx.msk [tilespmem:v7+s23+$0x0], $0xffff;
	v36 =	vsel vm4, v0, v36;
	v37 =	vsel vm7, v0, v37;
	v38 =	vsel vm0, v0, v38  }
0x132: {  	v62 =	vld.idx.msk [tilespmem:v10+s23+$0x0], $0xffff;
	v39 =	vsel vm1, v0, v39;
	v40 =	vsel vm5, v0, v40;
	v42 =	vsel vm8, v0, v42  }
0x133: {  	v43 =	vsel vm9, v0, v43;
	v41 =	vsel vm6, v0, v41;
	v44 =	vsel vm10, v0, v44  }
0x134: {  	v45 =	vsel vm11, v0, v45;
	v46 =	vsel vm12, v0, v46;
	v47 =	vsel vm13, v0, v47  }
0x135: {  	v34 =	vld [tilespmem:s0+$0x4070];
	v49 =	vsel vm14, v0, v49;
	vm0 =	veq.bf16 v54, $-Inf;
	vm1 =	veq.bf16 v51, $-Inf  }
0x136: {  	vm2 =	veq.bf16 v52, $-Inf;
	vm3 =	veq.bf16 v53, $-Inf;
	vm4 =	veq.bf16 v55, $-Inf  }
0x137: {  	v58 =	vld.idx.msk [tilespmem:v14+s23+$0x0], $0xffff;
	vm12 =	veq.bf16 v61, $-Inf;
	vm13 =	veq.bf16 v62, $-Inf;
	v42 =	vmax.bf16 v42, v46  }
0x138: {  	v43 =	vmax.bf16 v43, v47;
	v44 =	vmax.bf16 v44, v49;
	v49 =	vsel vm12, v0, v59  }
0x139: {  	v54 =	vld.idx.msk [tilespmem:v18+s23+$0x0], $0xffff;
	v38 =	vmax.bf16 v42, v38;
	v39 =	vmax.bf16 v43, v39;
	v40 =	vmax.bf16 v44, v40  }
0x13a: {  	v46 =	vld.idx.msk [tilespmem:v8+s23+$0x0], $0xffff;
	v44 =	vadd.bf16 v53, v22;
	v50 =	vadd.bf16 v50, v34;
	v38 =	vmax.bf16 v38, v48  }
0x13b: {  	v35 =	vmax.bf16 v39, v35;
	v36 =	vmax.bf16 v40, v36;
	v60 =	vadd.bf16 v62, v34  }
0x13c: {  	v42 =	vld.idx.msk [tilespmem:v16+s23+$0x0], $0xffff;
	v40 =	vsel vm0, v0, v63;
	v63 =	vadd.bf16 v58, v29;
	v35 =	vmax.bf16 v38, v35  }
0x13d: {  	v39 =	vld.idx.msk [tilespmem:v11+s23+$0x0], $0xffff;
	v38 =	vsel vm1, v0, v56;
	v44 =	vsel vm3, v0, v44;
	vm3 =	veq.bf16 v58, $-Inf  }
0x13e: {  	s26 =	simm.s32 $0x10800;
	v51 =	vld.idx.msk [tilespmem:v15+s23+$0x0], $0xffff;
	v50 =	vsel vm15, v0, v50;
	v63 =	vsel vm3, v0, v63;
	vm3 =	veq.bf16 v54, $-Inf  }
0x13f: {  	v48 =	vld.idx.msk [tilespmem:v14+s26+$0x400], $0xffff;
	v45 =	vmax.bf16 v45, v50;
	v57 =	vadd.bf16 v46, v24;
	vm5 =	veq.bf16 v46, $-Inf  }
0x140: {  	v56 =	vld.idx.msk [tilespmem:v18+s26+$0x400], $0xffff;
	v50 =	vsel vm13, v0, v60;
	v60 =	vadd.bf16 v54, v31;
	v41 =	vmax.bf16 v45, v41  }
0x141: {  	v58 =	vadd.bf16 v42, v33;
	v44 =	vmax.bf16 v44, v50;
	v37 =	vmax.bf16 v41, v37  }
0x142: {  	v43 =	vadd.bf16 v39, v26;
	v47 =	vsel vm5, v0, v57;
	vm0 =	veq.bf16 v39, $-Inf  }
0x143: {  	v46 =	vld.idx.msk [tilespmem:v17+s23+$0x0], $0xffff;
	v57 =	vadd.bf16 v51, v32;
	v44 =	vmax.bf16 v44, v63;
	v60 =	vsel vm3, v0, v60  }
0x144: {  	v45 =	vld.idx.msk [tilespmem:v13+s23+$0x0], $0xffff;
	vm6 =	veq.bf16 v48, $-Inf;
	v48 =	vadd.bf16 v48, v29;
	v36 =	vmax.bf16 v36, v37  }
0x145: {  	v50 =	vld.idx.msk [tilespmem:v17+s26+$0x400], $0xffff;
	v37 =	vadd.bf16 v52, v21;
	v38 =	vmax.bf16 v38, v47;
	vm9 =	veq.bf16 v56, $-Inf  }
0x146: {  	v41 =	vld.idx.msk [tilespmem:v12+s23+$0x0], $0xffff;
	v35 =	vmax.bf16 v35, v36;
	v36 =	vadd.bf16 v55, v23;
	v43 =	vsel vm0, v0, v43  }
0x147: {  	v63 =	vld.idx.msk [tilespmem:v5+s26+$0x400], $0xffff;
	vm0 =	veq.bf16 v51, $-Inf;
	v51 =	vadd.bf16 v56, v31;
	v48 =	vsel vm6, v0, v48  }
0x148: {  	v37 =	vsel vm2, v0, v37;
	v59 =	vadd.bf16 v46, v30;
	v39 =	vsel vm0, v0, v57  }
0x149: {  	v62 =	vadd.bf16 v45, v28;
	v36 =	vsel vm4, v0, v36;
	vm2 =	veq.bf16 v45, $-Inf  }
0x14a: {  	v37 =	vmax.bf16 v37, v49;
	vm3 =	veq.bf16 v50, $-Inf;
	v50 =	vadd.bf16 v50, v30  }
0x14b: {  	v47 =	vld.idx.msk [tilespmem:v16+s26+$0x400], $0xffff;
	v51 =	vsel vm9, v0, v51;
	v61 =	vadd.bf16 v41, v27;
	vm1 =	veq.bf16 v41, $-Inf  }
0x14c: {  	v36 =	vmax.bf16 v40, v36;
	vm8 =	veq.bf16 v63, $-Inf;
	v62 =	vsel vm2, v0, v62  }
0x14d: {  	v57 =	vld.idx.msk [tilespmem:v6+s26+$0x400], $0xffff;
	v36 =	vmax.bf16 v36, v43;
	vm2 =	veq.bf16 v46, $-Inf;
	v50 =	vsel vm3, v0, v50  }
0x14e: {  	v61 =	vsel vm1, v0, v61;
	vm1 =	veq.bf16 v42, $-Inf;
	v37 =	vmax.bf16 v37, v62  }
0x14f: {  	v45 =	vld.idx.msk [tilespmem:v15+s26+$0x400], $0xffff;
	v40 =	vsel vm2, v0, v59;
	v36 =	vmax.bf16 v36, v39;
	v39 =	vmax.bf16 v44, v60  }
0x150: {  	v43 =	vld.idx.msk [tilespmem:v12+s26+$0x400], $0xffff;
	vm2 =	veq.bf16 v47, $-Inf;
	v47 =	vadd.bf16 v47, v33;
	v38 =	vmax.bf16 v38, v61  }
0x151: {  	v46 =	vld.idx.msk [tilespmem:v13+s26+$0x400], $0xffff;
	v41 =	vsel vm1, v0, v58;
	v37 =	vmax.bf16 v37, v40;
	v61 =	vunpack.i.u.bf16.f32 v35  }
0x152: {  	v42 =	vld.idx.msk [tilespmem:v11+s26+$0x400], $0xffff;
	v35 =	vunpack.i.l.bf16.f32 v35;
	vm0 =	veq.bf16 v57, $-Inf;
	v38 =	vmax.bf16 v38, v41  }
0x153: {  	v62 =	vld.idx.msk [tilespmem:v4+s26+$0x400], $0xffff;
	v37 =	vmax.bf16 v37, v39;
	v40 =	vmul.f32 v61, v1;
	v53 =	vmul.f32 v35, v1  }
0x154: {  	v59 =	vld.idx.msk [tilespmem:v8+s26+$0x400], $0xffff;
	vm1 =	veq.bf16 v45, $-Inf;
	v45 =	vadd.bf16 v45, v32;
	v36 =	vmax.bf16 v36, v38  }
0x155: {  	v60 =	vld.idx.msk [tilespmem:v9+s26+$0x400], $0xffff;
	v39 =	vadd.bf16 v57, v22;
	v47 =	vsel vm2, v0, v47;
	v36 =	vmax.bf16 v36, v37  }
0x156: {  	v58 =	vld.idx.msk [tilespmem:v7+s26+$0x400], $0xffff;
	vm5 =	veq.bf16 v43, $-Inf;
	vm7 =	veq.bf16 v46, $-Inf;
	v43 =	vadd.bf16 v43, v27  }
0x157: {  	v46 =	vadd.bf16 v46, v28;
	v37 =	vadd.bf16 v63, v21;
	v45 =	vsel vm1, v0, v45  }
0x158: {  	v41 =	vld.idx.msk [tilespmem:v3+s26+$0x400], $0xffff;
	v39 =	vsel vm0, v0, v39;
	v35 =	vunpack.i.u.bf16.f32 v36;
	v36 =	vunpack.i.l.bf16.f32 v36  }
0x159: {  	v61 =	vld.idx.msk [tilespmem:v10+s26+$0x400], $0xffff;
	vm4 =	veq.bf16 v42, $-Inf;
	vm11 =	veq.bf16 v62, $-Inf;
	v42 =	vadd.bf16 v42, v26  }
0x15a: {  	v38 =	vadd.bf16 v62, v20;
	vm13 =	veq.bf16 v59, $-Inf;
	vm14 =	veq.bf16 v60, $-Inf  }
0x15b: {  	v49 =	vadd.bf16 v59, v24;
	v52 =	vadd.bf16 v60, v25;
	vm12 =	veq.bf16 v58, $-Inf  }
0x15c: {  	[tilespmem:$0x1FFD0] =	vst v4;
	v44 =	vadd.bf16 v58, v23;
	v43 =	vsel vm5, v0, v43;
	v46 =	vsel vm7, v0, v46  }
0x15d: {  	v62 =	vld.idx.msk [tilespmem:v4+s26+$0x0], $0xffff;
	[tilespmem:$0x1FFE0] =	vst v5;
	v37 =	vsel vm8, v0, v37;
	vm10 =	veq.bf16 v41, $-Inf;
	v41 =	vadd.bf16 v41, v19  }
0x15e: {  	v56 =	vld.idx.msk [tilespmem:v5+s26+$0x0], $0xffff;
	vm15 =	veq.bf16 v61, $-Inf;
	v54 =	vadd.bf16 v61, v34;
	v42 =	vsel vm4, v0, v42  }
0x15f: {  	[tilespmem:$0x1FFF0] =	vst v3;
	v38 =	vsel vm11, v0, v38;
	v49 =	vsel vm13, v0, v49;
	v52 =	vsel vm14, v0, v52  }
0x160: {  	v63 =	vld.idx.msk [tilespmem:v3+s26+$0x0], $0xffff;
	v44 =	vsel vm12, v0, v44;
	v38 =	vmax.bf16 v38, v49;
	v37 =	vmax.bf16 v37, v52  }
0x161: {  	v58 =	vld.idx.msk [tilespmem:v13+s26+$0x0], $0xffff;
	v41 =	vsel vm10, v0, v41;
	v54 =	vsel vm15, v0, v54;
	v38 =	vmax.bf16 v38, v43  }
0x162: {  	v49 =	vld.idx.msk [tilespmem:v6+s26+$0x0], $0xffff;
	v37 =	vmax.bf16 v37, v46;
	v41 =	vmax.bf16 v41, v44;
	v39 =	vmax.bf16 v39, v54  }
0x163: {  	v52 =	vld.idx.msk [tilespmem:v7+s26+$0x0], $0xffff;
	v38 =	vmax.bf16 v38, v47;
	v37 =	vmax.bf16 v37, v50;
	v47 =	vadd.bf16 v62, v20  }
0x164: {  	vm1 =	veq.bf16 v62, $-Inf;
	v41 =	vmax.bf16 v41, v42;
	v39 =	vmax.bf16 v39, v48  }
0x165: {  	v43 =	vld.idx.msk [tilespmem:v9+s26+$0x0], $0xffff;
	v50 =	vadd.bf16 v56, v21;
	vm2 =	veq.bf16 v56, $-Inf;
	v41 =	vmax.bf16 v41, v45  }
0x166: {  	v60 =	vld.idx.msk [tilespmem:v14+s26+$0x0], $0xffff;
	v39 =	vmax.bf16 v39, v51;
	v46 =	vadd.bf16 v63, v19;
	vm0 =	veq.bf16 v63, $-Inf  }
0x167: {  	v42 =	vld.idx.msk [tilespmem:v8+s26+$0x0], $0xffff;
	v44 =	vadd.bf16 v58, v28;
	v38 =	vmax.bf16 v41, v38;
	v37 =	vmax.bf16 v37, v39  }
0x168: {  	s31 =	sshll.u32 s21, $0x2;
	s1 =	sand.u32 $0x7, s20;
	v45 =	vld.idx.msk [tilespmem:v10+s26+$0x0], $0xffff;
	v54 =	vadd.bf16 v49, v22;
	v57 =	vadd.bf16 v52, v23;
	vm3 =	veq.bf16 v49, $-Inf  }
0x169: {  	s1 =	sshll.u32 s1, $0x6;
	s0 =	sand.u32 $0xFFFFFE00, s31;
	v51 =	vld.idx.msk [tilespmem:v12+s26+$0x0], $0xffff;
	vm4 =	veq.bf16 v52, $-Inf;
	v49 =	vsel vm1, v0, v47;
	v50 =	vsel vm2, v0, v50  }
0x16a: {  	s0 =	sor.u32 s1, s0;
	v41 =	vld.idx.msk [tilespmem:v11+s26+$0x0], $0xffff;
	vm2 =	veq.bf16 v58, $-Inf;
	v37 =	vmax.bf16 v38, v37;
	v56 =	vadd.bf16 v43, v25  }
0x16b: {  	s0 =	sshrl.u32 s0, $0x2;
	v39 =	vld.idx.msk [tilespmem:v16+s26+$0x0], $0xffff;
	vm14 =	veq.bf16 v43, $-Inf;
	v48 =	vsel vm0, v0, v46;
	v38 =	vunpack.i.u.bf16.f32 v37  }
0x16c: {  	s23 =	sadd.s32 $0x14800, s0;
	v55 =	vsel vm4, v0, v57;
	v59 =	vadd.bf16 v42, v24;
	v61 =	vmul.f32 v38, v1;
	v38 =	vld.idx.msk [tilespmem:v15+s26+$0x0], $0xffff  }
0x16d: {  	[tilespmem:s23+$0x0] =	vst v53;
	vm5 =	veq.bf16 v42, $-Inf;
	v53 =	vsel vm14, v0, v56;
	v62 =	vadd.bf16 v45, v34  }
0x16e: {  	vm15 =	veq.bf16 v45, $-Inf;
	v43 =	vadd.bf16 v51, v27;
	vm1 =	veq.bf16 v51, $-Inf  }
0x16f: {  	[tilespmem:s23+$0x400] =	vst v40;
	v40 =	vld.idx.msk [tilespmem:v17+s26+$0x0], $0xffff;
	v45 =	vadd.bf16 v60, v29;
	v51 =	vsel vm3, v0, v54;
	vm3 =	veq.bf16 v60, $-Inf  }
0x170: {  	s24 =	sadd.s32 $0x1000, s23;
	v42 =	vadd.bf16 v41, v26;
	vm0 =	veq.bf16 v41, $-Inf;
	v52 =	vsel vm5, v0, v59;
	v41 =	vld.idx.msk [tilespmem:v18+s26+$0x0], $0xffff  }
0x171: {  	s25 =	simm.s32 $0x2;
	[tilespmem:s24+$0x400] =	vst v61;
	v47 =	vadd.bf16 v39, v33;
	s26 =	simm.s32 $0x11000;
	v54 =	vsel vm15, v0, v62;
	v46 =	vadd.bf16 v38, v32  }
.LBB2_9:
0x172: {  	v56 =	vld.idx.msk [tilespmem:v15+s26+$0x400], $0xffff  }
0x173: {  	v48 =	vmax.bf16 v48, v55;
	v58 =	vld.idx.msk [tilespmem:v16+s26+$0x400], $0xffff;
	v49 =	vmax.bf16 v49, v52  }
0x174: {  	v50 =	vmax.bf16 v50, v53;
	v51 =	vmax.bf16 v51, v54;
	v52 =	vld.idx.msk [tilespmem:v17+s26+$0x400], $0xffff;
	v37 =	vunpack.i.l.bf16.f32 v37  }
0x175: {  	v53 =	vld.idx.msk [tilespmem:v18+s26+$0x400], $0xffff;
	v42 =	vsel vm0, v0, v42;
	v43 =	vsel vm1, v0, v43;
	v44 =	vsel vm2, v0, v44  }
0x176: {  	v3 =	vld [tilespmem:$0x1FFF0];
	v45 =	vsel vm3, v0, v45;
	vm0 =	veq.bf16 v38, $-Inf;
	vm1 =	veq.bf16 v39, $-Inf  }
0x177: {  	v4 =	vld [tilespmem:$0x1FFD0];
	v37 =	vmul.f32 v37, v1;
	v59 =	vmax.bf16 v48, v42;
	v60 =	vmax.bf16 v49, v43  }
0x178: {  	v5 =	vld [tilespmem:$0x1FFE0];
	v61 =	vmax.bf16 v50, v44;
	v62 =	vmax.bf16 v51, v45;
	v63 =	vsel vm0, v0, v46  }
0x179: {  	v38 =	vld.idx.msk [tilespmem:v11+s26+$0x400], $0xffff;
	v54 =	vsel vm1, v0, v47;
	v39 =	vmax.bf16 v59, v63;
	v59 =	vmul.f32 v36, v1  }
0x17a: {  	v44 =	vld.idx.msk [tilespmem:v13+s26+$0x400], $0xffff;
	v57 =	vadd.bf16 v41, v31;
	vm3 =	veq.bf16 v41, $-Inf;
	v41 =	vmax.bf16 v60, v54  }
0x17b: {  	v48 =	vld.idx.msk [tilespmem:v14+s26+$0x400], $0xffff;
	v55 =	vadd.bf16 v40, v30;
	vm2 =	veq.bf16 v40, $-Inf;
	v39 =	vmax.bf16 v39, v41  }
0x17c: {  	v63 =	vld.idx.msk [tilespmem:v8+s26+$0x400], $0xffff;
	vm4 =	veq.bf16 v56, $-Inf;
	vm0 =	veq.bf16 v58, $-Inf;
	vm1 =	veq.bf16 v52, $-Inf  }
0x17d: {  	v40 =	vld.idx.msk [tilespmem:v12+s26+$0x400], $0xffff;
	v49 =	vadd.bf16 v58, v33;
	v51 =	vadd.bf16 v52, v30;
	v57 =	vsel vm3, v0, v57  }
0x17e: {  	v52 =	vadd.bf16 v53, v31;
	v55 =	vsel vm2, v0, v55;
	v43 =	vmax.bf16 v62, v57;
	v62 =	vld.idx.msk [tilespmem:v7+s26+$0x400], $0xffff  }
0x17f: {  	vm2 =	veq.bf16 v38, $-Inf;
	v38 =	vadd.bf16 v38, v26;
	v42 =	vmax.bf16 v61, v55;
	v46 =	vld.idx.msk [tilespmem:v3+s26+$0x400], $0xffff  }
0x180: {  	v61 =	vmul.f32 v35, v1;
	vm5 =	veq.bf16 v44, $-Inf;
	vm6 =	veq.bf16 v48, $-Inf;
	v41 =	vld.idx.msk [tilespmem:v4+s26+$0x400], $0xffff  }
0x181: {  	v44 =	vadd.bf16 v44, v28;
	v48 =	vadd.bf16 v48, v29;
	v42 =	vmax.bf16 v42, v43;
	v45 =	vld.idx.msk [tilespmem:v5+s26+$0x400], $0xffff  }
0x182: {  	vm7 =	veq.bf16 v53, $-Inf;
	v49 =	vsel vm0, v0, v49;
	v60 =	vmax.bf16 v39, v42;
	v42 =	vld.idx.msk [tilespmem:v6+s26+$0x400], $0xffff;
	[tilespmem:s24+$0x0] =	vst v37  }
0x183: {  	[tilespmem:s23+$0xFFFFF800] =	vst v59;
	v51 =	vsel vm1, v0, v51;
	v52 =	vsel vm7, v0, v52;
	vm13 =	veq.bf16 v63, $-Inf;
	v37 =	vld.idx.msk [tilespmem:v9+s26+$0x400], $0xffff  }
0x184: {  	[tilespmem:s23+$0xFFFFFC00] =	vst v61;
	vm3 =	veq.bf16 v40, $-Inf;
	v40 =	vadd.bf16 v40, v27;
	v39 =	vadd.bf16 v63, v24;
	v61 =	vld.idx.msk [tilespmem:v10+s26+$0x400], $0xffff  }
0x185: {  	v44 =	vsel vm5, v0, v44;
	v48 =	vsel vm6, v0, v48;
	v35 =	vunpack.i.u.bf16.f32 v60;
	v53 =	vld.idx.msk [tilespmem:v4+s26+$0x0], $0xffff  }
0x186: {  	v36 =	vunpack.i.l.bf16.f32 v60;
	v60 =	vadd.bf16 v56, v32;
	v54 =	vld.idx.msk [tilespmem:v5+s26+$0x0], $0xffff;
	v40 =	vsel vm3, v0, v40  }
0x187: {  	v55 =	vld.idx.msk [tilespmem:v6+s26+$0x0], $0xffff;
	v39 =	vsel vm13, v0, v39;
	vm12 =	veq.bf16 v62, $-Inf;
	v43 =	vadd.bf16 v62, v23  }
0x188: {  	v56 =	vld.idx.msk [tilespmem:v7+s26+$0x0], $0xffff;
	v47 =	vsel vm4, v0, v60;
	v62 =	vsel vm2, v0, v38;
	vm10 =	veq.bf16 v46, $-Inf  }
0x189: {  	v58 =	vld.idx.msk [tilespmem:v9+s26+$0x0], $0xffff;
	vm11 =	veq.bf16 v41, $-Inf;
	vm8 =	veq.bf16 v45, $-Inf;
	v46 =	vadd.bf16 v46, v19  }
0x18a: {  	v57 =	vld.idx.msk [tilespmem:v8+s26+$0x0], $0xffff;
	v41 =	vadd.bf16 v41, v20;
	v45 =	vadd.bf16 v45, v21;
	vm9 =	veq.bf16 v42, $-Inf  }
0x18b: {  	v42 =	vadd.bf16 v42, v22;
	v43 =	vsel vm12, v0, v43;
	vm14 =	veq.bf16 v37, $-Inf  }
0x18c: {  	vm15 =	veq.bf16 v61, $-Inf;
	v37 =	vadd.bf16 v37, v25;
	v50 =	vadd.bf16 v61, v34  }
0x18d: {  	v60 =	vld.idx.msk [tilespmem:v3+s26+$0x0], $0xffff;
	v46 =	vsel vm10, v0, v46;
	v41 =	vsel vm11, v0, v41;
	v45 =	vsel vm8, v0, v45  }
0x18e: {  	v59 =	vld.idx.msk [tilespmem:v10+s26+$0x0], $0xffff;
	v5 =	vadd.bf16 v58, v25;
	vm1 =	veq.bf16 v53, $-Inf;
	vm2 =	veq.bf16 v54, $-Inf  }
0x18f: {  	vm3 =	veq.bf16 v55, $-Inf;
	vm4 =	veq.bf16 v56, $-Inf;
	vm5 =	veq.bf16 v57, $-Inf  }
0x190: {  	v42 =	vsel vm9, v0, v42;
	v43 =	vmax.bf16 v46, v43;
	v41 =	vmax.bf16 v41, v39  }
0x191: {  	v4 =	vld.idx.msk [tilespmem:v14+s26+$0x0], $0xffff;
	v46 =	vadd.bf16 v54, v21;
	v37 =	vsel vm14, v0, v37;
	v50 =	vsel vm15, v0, v50  }
0x192: {  	v43 =	vmax.bf16 v43, v62;
	v62 =	vmax.bf16 v41, v40;
	vm0 =	veq.bf16 v60, $-Inf  }
0x193: {  	vm14 =	veq.bf16 v58, $-Inf;
	vm15 =	veq.bf16 v59, $-Inf;
	v37 =	vmax.bf16 v45, v37  }
0x194: {  	v3 =	vld.idx.msk [tilespmem:v13+s26+$0x0], $0xffff;
	v42 =	vmax.bf16 v42, v50;
	v43 =	vmax.bf16 v43, v47;
	v50 =	vadd.bf16 v60, v19  }
0x195: {  	v61 =	vld.idx.msk [tilespmem:v11+s26+$0x0], $0xffff;
	v49 =	vmax.bf16 v62, v49;
	v47 =	vadd.bf16 v55, v22;
	v62 =	vadd.bf16 v57, v24  }
0x196: {  	v38 =	vld.idx.msk [tilespmem:v15+s26+$0x0], $0xffff;
	v60 =	vadd.bf16 v59, v34;
	v45 =	vadd.bf16 v4, v29;
	v37 =	vmax.bf16 v37, v44  }
0x197: {  	v42 =	vmax.bf16 v42, v48;
	v43 =	vmax.bf16 v43, v49;
	v44 =	vadd.bf16 v53, v20  }
0x198: {  	v63 =	vld.idx.msk [tilespmem:v12+s26+$0x0], $0xffff;
	v53 =	vsel vm14, v0, v5;
	v37 =	vmax.bf16 v37, v51;
	v42 =	vmax.bf16 v42, v52  }
0x199: {  	s25 =	sadd.s32 $0x2, s25;
	v52 =	vadd.bf16 v56, v23;
	v48 =	vsel vm0, v0, v50;
	v50 =	vsel vm2, v0, v46  }
0x19a: {  	p0 =	slt.u32 s25, $0xE;
	v39 =	vld.idx.msk [tilespmem:v16+s26+$0x0], $0xffff;
	v54 =	vsel vm15, v0, v60;
	vm0 =	veq.bf16 v61, $-Inf;
	v37 =	vmax.bf16 v37, v42  }
.Ltmp9:
0x19b: {  	vm2 =	veq.bf16 v3, $-Inf;
	v46 =	vadd.bf16 v38, v32;
	v37 =	vmax.bf16 v43, v37;
	(pc) =	sbr.rel @p0 .LBB2_9-.Ltmp9, $4  }
0x19c: {  	v49 =	vsel vm1, v0, v44;
	v44 =	vadd.bf16 v3, v28;
	v51 =	vunpack.i.u.bf16.f32 v37  }
0x19d: {  	vm1 =	veq.bf16 v63, $-Inf;
	v43 =	vadd.bf16 v63, v27;
	v42 =	vmul.f32 v51, v1  }
0x19e: {  	s23 =	smov.u32 s24;
	s24 =	sadd.s32 $0x1000, s24;
	v40 =	vld.idx.msk [tilespmem:v17+s26+$0x0], $0xffff;
	v55 =	vsel vm4, v0, v52;
	v52 =	vsel vm5, v0, v62;
	v51 =	vsel vm3, v0, v47  }
0x19f: {  	v41 =	vld.idx.msk [tilespmem:v18+s26+$0x0], $0xffff;
	s26 =	sadd.s32 $0x800, s26;
	vm3 =	veq.bf16 v4, $-Inf;
	v47 =	vadd.bf16 v39, v33;
	[tilespmem:s24+$0x400] =	vst v42;
	v42 =	vadd.bf16 v61, v26  }
0x1a0: {  	v3 =	vmax.bf16 v48, v55;
	v6 =	vmax.bf16 v49, v52  }
0x1a1: {  	v7 =	vmax.bf16 v50, v53;
	v8 =	vmax.bf16 v51, v54;
	v10 =	vsel vm1, v0, v43  }
0x1a2: {  	v11 =	vsel vm2, v0, v44;
	v12 =	vsel vm3, v0, v45;
	vm12 =	veq.bf16 v38, $-Inf  }
0x1a3: {  	vm13 =	veq.bf16 v39, $-Inf;
	v9 =	vsel vm0, v0, v42;
	v6 =	vmax.bf16 v6, v10  }
0x1a4: {  	v7 =	vmax.bf16 v7, v11;
	v8 =	vmax.bf16 v8, v12;
	v57 =	vsel vm12, v0, v46  }
0x1a5: {  	v58 =	vsel vm13, v0, v47;
	v4 =	vadd.bf16 v40, v30;
	v5 =	vadd.bf16 v41, v31  }
0x1a6: {  	v3 =	vmax.bf16 v3, v9;
	vm14 =	veq.bf16 v40, $-Inf;
	vm15 =	veq.bf16 v41, $-Inf  }
0x1a7: {  	v6 =	vmax.bf16 v6, v58;
	v4 =	vsel vm14, v0, v4;
	v5 =	vsel vm15, v0, v5  }
0x1a8: {  	v3 =	vmax.bf16 v3, v57;
	v4 =	vmax.bf16 v7, v4;
	v5 =	vmax.bf16 v8, v5  }
0x1a9: {  	v59 =	vmul.f32 v36, v1;
	s22 =	sadd.s32 $0x1, s22;
	v3 =	vmax.bf16 v3, v6;
	v4 =	vmax.bf16 v4, v5  }
0x1aa: {  	v60 =	vunpack.i.l.bf16.f32 v37;
	v61 =	vmul.f32 v35, v1;
	p0 =	seq.s32 s22, $0x40;
	v3 =	vmax.bf16 v3, v4  }
.Ltmp10:
0x1ab: {  	[tilespmem:s23+$0xFFFFF800] =	vst v59;
	v6 =	vmul.f32 v60, v1;
	v62 =	vunpack.i.l.bf16.f32 v3;
	(pc) =	sbr.rel @!p0 .LBB2_8-.Ltmp10, $4  }
0x1ac: {  	[tilespmem:s23+$0xFFFFFC00] =	vst v61;
	v3 =	vunpack.i.u.bf16.f32 v3;
	v63 =	vmul.f32 v62, v1  }
0x1ad: {  	[tilespmem:s24+$0x0] =	vst v6;
	v3 =	vmul.f32 v3, v1  }
0x1ae: {  	[tilespmem:s24+$0xFFFFF800] =	vst v63  }
0x1af: {  	s21 =	sadd.s32 $0x10, s21;
	s20 =	sadd.s32 $0x1, s20;
	[tilespmem:s24+$0xFFFFFC00] =	vst v3  }
.LBB2_14:
0x1b0: {  	s20 =	simm.s32 $0x0;
	s0 =	simm.s32 $0x14000  }
0x1b1: {  	[hbm4b:s8+s20] =	stream.linear.scatter [tilespmem:s0], [sflag:$0x1], $0x8000, $0x38;
	[tilespmem:$0x1C480] =	vst v63  }
0x1b2: {  	_ =	swait.ge [sflag:s12], $0x8000  }
0x1b3: {  	[sflag:s12] =	ssyncset.done $0x0  }
0x1b4: {  	[sflag:s12] =	ssyncadd.s32 $0xFFFF8000  }
0x1b5: {  	[tilespmem:s5], [sflag:$0x1] =	stream.linear.gather [hbm4b:s9+s20], $0x8000, $0x38;
	[tilespmem:$0x1C480] =	vst v63  }
0x1b6: {  	_ =	swait.ge [sflag:s12], $0x8000  }
0x1b7: {  	[sflag:s12] =	ssyncset.done $0x0  }
0x1b8: {  	v5 =	vimm.f32 $0.0e+00;
	s21 =	simm.s32 $0x0;
	[sflag:s12] =	ssyncadd.s32 $0xFFFF8000  }
.LBB2_15:
0x1b9: {  	s0 =	sshll.u32 s21, $0x5;
	s1 =	sshll.u32 s21, $0xD  }
0x1ba: {  	s25 =	sand.u32 $0x380, s20;
	s3 =	sand.u32 $0x1E0, s0;
	s1 =	sshra.s32 s1, $0x2  }
0x1bb: {  	s4 =	sand.u32 $0x3FFFFFE0, s0;
	s0 =	sand.u32 $0x40, s20;
	s22 =	sadd.s32 $0x8000, s1  }
0x1bc: {  	v3 =	vld [tilespmem:s3+$0x1C200];
	s23 =	sadd.s32 $0x8400, s1;
	s24 =	sor.u32 $0x10, s0;
	s1 =	sadd.s32 s25, s22  }
0x1bd: {  	v4 =	vld [tilespmem:s4+$0x1C210];
	s3 =	sadd.s32 s25, s23;
	s15 =	sadd.s32 s24, s1  }
0x1be: {  	s26 =	sor.u32 $0x20, s0;
	s16 =	sadd.s32 s24, s3;
	v12 =	vld [tilespmem:s15+$0x0]  }
0x1bf: {  	s17 =	sadd.s32 s26, s1;
	v13 =	vld [tilespmem:s16+$0x0]  }
0x1c0: {  	s5 =	sadd.s32 s26, s3;
	v14 =	vld [tilespmem:s17+$0x0]  }
0x1c1: {  	s13 =	sadd.s32 s0, s1;
	v15 =	vld [tilespmem:s5+$0x0]  }
0x1c2: {  	s28 =	sor.u32 $0x30, s0;
	s14 =	sadd.s32 s0, s3;
	v10 =	vld [tilespmem:s13+$0x0]  }
0x1c3: {  	s1 =	sadd.s32 s28, s1;
	v16 =	vld [tilespmem:s14+$0x0]  }
0x1c4: {  	v17 =	vld [tilespmem:s1+$0x0];
	s15 =	sadd.s32 s28, s3  }
0x1c5: {  	v18 =	vld [tilespmem:s15+$0x0];
	_ =	sdelay $0x1  }
0x1c6: {  	v6 =	vsub.f32 v12, v3;
	v7 =	vsub.f32 v13, v4  }
0x1c7: {  	v8 =	vsub.f32 v14, v3;
	v9 =	vsub.f32 v10, v3  }
0x1c8: {  	s16 =	simm.s32 $0x40;
	v11 =	vsub.f32 v16, v4;
	v19 =	vsub.f32 v15, v4  }
0x1c9: {  	s3 =	sand.u32 $0x380, s16;
	s1 =	sand.u32 $0x40, s16;
	v21 =	vsub.f32 v18, v4;
	v20 =	vand.u32 $0x7FFFFFFF, v6;
	v6 =	vsub.f32 v17, v3  }
0x1ca: {  	s4 =	sadd.s32 s3, s22;
	s13 =	sor.u32 $0x10, s1;
	v9 =	vand.u32 $0x7FFFFFFF, v9;
	v11 =	vand.u32 $0x7FFFFFFF, v11;
	v22 =	vand.u32 $0x7FFFFFFF, v7  }
0x1cb: {  	s14 =	sadd.s32 s3, s23;
	s15 =	sadd.s32 s13, s4;
	v23 =	vand.u32 $0x7FFFFFFF, v8;
	v19 =	vand.u32 $0x7FFFFFFF, v19;
	v7 =	vmax.f32 v9, v11  }
0x1cc: {  	s16 =	sor.u32 $0x20, s1;
	s17 =	sadd.s32 s13, s14;
	v8 =	vmax.f32 v20, v22;
	v21 =	vand.u32 $0x7FFFFFFF, v21;
	v7 =	vmax.f32 v5, v7;
	v5 =	vld [tilespmem:s15+$0x0]  }
0x1cd: {  	s5 =	sadd.s32 s16, s4;
	v24 =	vand.u32 $0x7FFFFFFF, v6;
	v6 =	vld [tilespmem:s17+$0x0];
	s17 =	sshll.u32 s21, $0xA;
	v7 =	vmax.f32 v7, v8;
	v8 =	vmax.f32 v23, v19  }
0x1ce: {  	vm0 =	vlt.f32 v9, v2;
	vm1 =	vlt.f32 v11, v2;
	s17 =	sand.u32 $0x3FFFFC00, s17;
	v9 =	vmax.f32 v7, v8;
	v7 =	vld [tilespmem:s5+$0x0];
	s5 =	sadd.s32 s16, s14  }
0x1cf: {  	s30 =	sor.u32 $0x30, s1;
	vm2 =	vlt.f32 v20, v2;
	vm3 =	vlt.f32 v22, v2;
	v25 =	vmax.f32 v24, v21;
	s29 =	sadd.s32 $0x10000, s17;
	v8 =	vld [tilespmem:s5+$0x0];
	s5 =	sadd.s32 s1, s4  }
0x1d0: {  	v12 =	vnsel vm2, $0xFF800000, v12;
	v13 =	vnsel vm3, $0xFF800000, v13;
	v11 =	vmax.f32 v9, v25;
	s17 =	sadd.s32 s25, s29;
	s4 =	sadd.s32 s30, s4;
	v9 =	vld [tilespmem:s5+$0x0]  }
0x1d1: {  	vm4 =	vlt.f32 v23, v2;
	v13 =	vpack.i.f32.bf16 v13, v12;
	s5 =	sadd.s32 s1, s14;
	s0 =	sadd.s32 s0, s17;
	s15 =	sadd.s32 s24, s17;
	v12 =	vld [tilespmem:s4+$0x0]  }
0x1d2: {  	vm5 =	vlt.f32 v19, v2;
	vm6 =	vlt.f32 v21, v2;
	v19 =	vnsel vm0, $0xFF800000, v10;
	s28 =	sadd.s32 s28, s17;
	v10 =	vld [tilespmem:s5+$0x0];
	s5 =	sadd.s32 s26, s17;
	s17 =	sadd.s32 s30, s14  }
0x1d3: {  	v16 =	vnsel vm1, $0xFF800000, v16;
	v14 =	vnsel vm4, $0xFF800000, v14;
	v15 =	vnsel vm5, $0xFF800000, v15;
	[tilespmem:s15+$0x0] =	vst v13;
	v13 =	vld [tilespmem:s17+$0x0]  }
0x1d4: {  	vm15 =	vlt.f32 v24, v2;
	v20 =	vnsel vm6, $0xFF800000, v18;
	v21 =	vpack.i.f32.bf16 v15, v14  }
0x1d5: {  	v19 =	vpack.i.f32.bf16 v16, v19;
	s3 =	sadd.s32 s3, s29;
	v18 =	vsub.f32 v5, v3;
	v16 =	vsub.f32 v6, v4  }
0x1d6: {  	s31 =	simm.s32 $0x4;
	v17 =	vnsel vm15, $0xFF800000, v17;
	s25 =	sadd.s32 s1, s3;
	s24 =	sadd.s32 s16, s3;
	[tilespmem:s0+$0x0] =	vst v19;
	v14 =	vsub.f32 v7, v3;
	v15 =	vsub.f32 v8, v4  }
0x1d7: {  	v17 =	vpack.i.f32.bf16 v20, v17;
	s26 =	sadd.s32 s13, s3;
	s30 =	sadd.s32 s30, s3;
	s0 =	simm.s32 $0x80;
	[tilespmem:s5+$0x0] =	vst v21;
	v19 =	vsub.f32 v9, v3;
	v20 =	vsub.f32 v10, v4  }
.LBB2_16:
0x1d8: {  	s1 =	sand.u32 $0x380, s0;
	s3 =	sand.u32 $0x40, s0;
	v18 =	vand.u32 $0x7FFFFFFF, v18;
	v21 =	vsub.f32 v12, v3;
	v22 =	vsub.f32 v13, v4;
	[tilespmem:s28+$0x0] =	vst v17;
	v17 =	vmovc v13;
	s28 =	smov.u32 s30  }
0x1d9: {  	v16 =	vand.u32 $0x7FFFFFFF, v16;
	s4 =	sadd.s32 s1, s22;
	s5 =	sadd.s32 s1, s29;
	s13 =	sor.u32 $0x10, s3;
	v13 =	vand.u32 $0x7FFFFFFF, v19;
	v19 =	vand.u32 $0x7FFFFFFF, v20  }
0x1da: {  	v14 =	vand.u32 $0x7FFFFFFF, v14;
	v15 =	vand.u32 $0x7FFFFFFF, v15;
	s15 =	sadd.s32 s1, s23;
	s1 =	sadd.s32 s3, s5;
	s14 =	sadd.s32 s13, s4;
	v20 =	vmax.f32 v13, v19  }
0x1db: {  	s16 =	sor.u32 $0x20, s3;
	v21 =	vand.u32 $0x7FFFFFFF, v21;
	v23 =	vld [tilespmem:s14+$0x0];
	s14 =	sadd.s32 s13, s15;
	s13 =	sadd.s32 s13, s5;
	v11 =	vmax.f32 v11, v20;
	v20 =	vmax.f32 v18, v16  }
0x1dc: {  	s17 =	sadd.s32 s16, s4;
	v22 =	vand.u32 $0x7FFFFFFF, v22;
	v24 =	vld [tilespmem:s14+$0x0];
	s14 =	sadd.s32 s16, s5;
	v11 =	vmax.f32 v11, v20;
	v20 =	vmax.f32 v14, v15  }
0x1dd: {  	vm0 =	vlt.f32 v13, v2;
	v13 =	vmax.f32 v21, v22;
	s16 =	sadd.s32 s16, s15;
	v25 =	vld [tilespmem:s17+$0x0];
	s17 =	sor.u32 $0x30, s3;
	v11 =	vmax.f32 v11, v20  }
0x1de: {  	s31 =	sadd.s32 $0x4, s31;
	vm2 =	vlt.f32 v18, v2;
	vm1 =	vlt.f32 v19, v2;
	v20 =	vld [tilespmem:s16+$0x0];
	s16 =	sadd.s32 s17, s4;
	s30 =	sadd.s32 s17, s5;
	v11 =	vmax.f32 v11, v13  }
0x1df: {  	p0 =	slt.u32 s31, $0x3C;
	vm3 =	vlt.f32 v16, v2;
	vm4 =	vlt.f32 v14, v2;
	vm5 =	vlt.f32 v15, v2;
	s4 =	sadd.s32 s3, s4;
	v26 =	vld [tilespmem:s16+$0x0]  }
0x1e0: {  	vm6 =	vlt.f32 v22, v2;
	v14 =	vnsel vm0, $0xFF800000, v9;
	vm0 =	vlt.f32 v21, v2;
	s3 =	sadd.s32 s3, s15;
	v9 =	vld [tilespmem:s4+$0x0]  }
0x1e1: {  	v16 =	vnsel vm2, $0xFF800000, v5;
	v18 =	vnsel vm3, $0xFF800000, v6;
	v15 =	vnsel vm1, $0xFF800000, v10;
	s4 =	sadd.s32 s17, s15;
	v5 =	vmovc v23;
	v10 =	vld [tilespmem:s3+$0x0];
	v6 =	vmovc v24  }
.Ltmp11:
0x1e2: {  	v19 =	vnsel vm4, $0xFF800000, v7;
	v21 =	vnsel vm5, $0xFF800000, v8;
	v12 =	vnsel vm0, $0xFF800000, v12;
	v13 =	vld [tilespmem:s4+$0x0];
	v7 =	vmovc v25;
	(pc) =	sbr.rel @p0 .LBB2_16-.Ltmp11, $4  }
0x1e3: {  	v22 =	vpack.i.f32.bf16 v18, v16;
	v17 =	vnsel vm6, $0xFF800000, v17;
	v14 =	vpack.i.f32.bf16 v15, v14;
	v8 =	vmovc v20  }
0x1e4: {  	v21 =	vpack.i.f32.bf16 v21, v19;
	v18 =	vsub.f32 v5, v3;
	v16 =	vsub.f32 v6, v4;
	[tilespmem:s25+$0x0] =	vst v14;
	s25 =	smov.u32 s1  }
0x1e5: {  	v17 =	vpack.i.f32.bf16 v17, v12;
	v14 =	vsub.f32 v7, v3;
	v15 =	vsub.f32 v8, v4;
	[tilespmem:s26+$0x0] =	vst v22;
	s26 =	smov.u32 s13  }
0x1e6: {  	s0 =	sadd.s32 $0x40, s0;
	v12 =	vmov v26;
	v19 =	vsub.f32 v9, v3;
	v20 =	vsub.f32 v10, v4;
	[tilespmem:s24+$0x0] =	vst v21;
	s24 =	smov.u32 s14  }
0x1e7: {  	v18 =	vand.u32 $0x7FFFFFFF, v18  }
0x1e8: {  	v16 =	vand.u32 $0x7FFFFFFF, v16;
	v3 =	vsub.f32 v12, v3;
	v4 =	vsub.f32 v13, v4  }
0x1e9: {  	v14 =	vand.u32 $0x7FFFFFFF, v14;
	v15 =	vand.u32 $0x7FFFFFFF, v15;
	v19 =	vand.u32 $0x7FFFFFFF, v19  }
0x1ea: {  	v20 =	vand.u32 $0x7FFFFFFF, v20;
	v61 =	vmax.f32 v18, v16;
	v62 =	vmax.f32 v14, v15  }
0x1eb: {  	vm2 =	vlt.f32 v18, v2;
	vm3 =	vlt.f32 v16, v2;
	vm4 =	vlt.f32 v14, v2  }
0x1ec: {  	vm5 =	vlt.f32 v15, v2;
	v21 =	vmax.f32 v19, v20;
	v3 =	vand.u32 $0x7FFFFFFF, v3  }
0x1ed: {  	vm0 =	vlt.f32 v19, v2;
	v4 =	vand.u32 $0x7FFFFFFF, v4;
	vm1 =	vlt.f32 v20, v2  }
0x1ee: {  	s21 =	sadd.s32 $0x1, s21;
	v5 =	vnsel vm2, $0xFF800000, v5;
	v6 =	vnsel vm3, $0xFF800000, v6;
	v7 =	vnsel vm4, $0xFF800000, v7  }
0x1ef: {  	p0 =	sne.s32 s21, $0x10;
	v8 =	vnsel vm5, $0xFF800000, v8;
	v11 =	vmax.f32 v11, v21;
	v9 =	vnsel vm0, $0xFF800000, v9  }
.Ltmp12:
0x1f0: {  	[tilespmem:s28+$0x0] =	vst v17;
	vm14 =	vlt.f32 v3, v2;
	v10 =	vnsel vm1, $0xFF800000, v10;
	v5 =	vpack.i.f32.bf16 v6, v5;
	(pc) =	sbr.rel @p0 .LBB2_15-.Ltmp12, $4  }
0x1f1: {  	vm15 =	vlt.f32 v4, v2;
	v7 =	vpack.i.f32.bf16 v8, v7;
	v11 =	vmax.f32 v11, v61;
	[tilespmem:s26+$0x0] =	vst v5  }
0x1f2: {  	v9 =	vpack.i.f32.bf16 v10, v9;
	v6 =	vnsel vm14, $0xFF800000, v12;
	v63 =	vnsel vm15, $0xFF800000, v13;
	[tilespmem:s24+$0x0] =	vst v7  }
0x1f3: {  	v3 =	vmax.f32 v3, v4;
	[tilespmem:s25+$0x0] =	vst v9;
	v5 =	vmax.f32 v11, v62;
	v4 =	vpack.i.f32.bf16 v63, v6  }
0x1f4: {  	v5 =	vmax.f32 v5, v3;
	[tilespmem:s30+$0x0] =	vst v4  }
0x1f5: {  	(xrf0) =	vmax.scan.msk.f32 $0xffff, v5;
	_ =	sdelay $0x5  }
0x1f6: {  	v2, _, _ =	vpop (xrf0)  }
0x1f7: {  	(v2sf) =	vpush v2, $0xF;
	_ =	sdelay $0xe  }
0x1f8: {  	s0 =	spop (v2sf)  }
0x1f9: {  	p0 =	sge.f32 s0, s19  }
.Ltmp13:
0x1fa: {  	_ = 	snop;
	(pc) =	sbr.rel @p0 .LBB2_19-.Ltmp13, $3  }
0x1fb: {  	_ =	sdelay $0x1  }
0x1fc: {  	s20 =	simm.s32 $0x0;
	s21 =	simm.s32 $0x0  }
0x1fd: {  	s22 =	simm.s32 $0x0;
	s23 =	simm.s32 $0x0;
	s19 =	simm.s32 $0x0  }
.LBB2_22:
0x1fe: {  	s0 =	sshll.u32 s23, $0x8  }
0x1ff: {  	v2 =	vld [tilespmem:s0+$0x0]  }
0x200: {  	v3 =	vld [tilespmem:s0+$0x10]  }
0x201: {  	v4 =	vld [tilespmem:s0+$0x20]  }
0x202: {  	v5 =	vld [tilespmem:s0+$0x30]  }
0x203: {  	v6 =	vld [tilespmem:s0+$0x40]  }
0x204: {  	v7 =	vld [tilespmem:s0+$0x50]  }
0x205: {  	v8 =	vld [tilespmem:s0+$0x60]  }
0x206: {  	v9 =	vld [tilespmem:s0+$0x70]  }
0x207: {  	v10 =	vld [tilespmem:s0+$0x80]  }
0x208: {  	v11 =	vld [tilespmem:s0+$0x90]  }
0x209: {  	v12 =	vld [tilespmem:s0+$0xA0]  }
0x20a: {  	v13 =	vld [tilespmem:s0+$0xB0]  }
0x20b: {  	v14 =	vld [tilespmem:s0+$0xC0]  }
0x20c: {  	v15 =	vld [tilespmem:s0+$0xD0]  }
0x20d: {  	v16 =	vld [tilespmem:s0+$0xE0]  }
0x20e: {  	v17 =	vld [tilespmem:s0+$0xF0]  }
0x20f: {  	v18 =	vld [tilespmem:s0+$0x4000]  }
0x210: {  	v19 =	vld [tilespmem:s0+$0x4010]  }
0x211: {  	v20 =	vld [tilespmem:s0+$0x4020]  }
0x212: {  	v21 =	vld [tilespmem:s0+$0x4030]  }
0x213: {  	v22 =	vld [tilespmem:s0+$0x4040]  }
0x214: {  	v25 =	vld [tilespmem:s0+$0x4050]  }
0x215: {  	v28 =	vld [tilespmem:s0+$0x4060]  }
0x216: {  	v31 =	vld [tilespmem:s0+$0x4070]  }
0x217: {  	v32 =	vld [tilespmem:s0+$0x4080]  }
0x218: {  	v33 =	vld [tilespmem:s0+$0x4090]  }
0x219: {  	v29 =	vld [tilespmem:s0+$0x40A0]  }
0x21a: {  	v30 =	vld [tilespmem:s0+$0x40B0]  }
0x21b: {  	v26 =	vld [tilespmem:s0+$0x40C0]  }
0x21c: {  	v27 =	vld [tilespmem:s0+$0x40D0]  }
0x21d: {  	v23 =	vld [tilespmem:s0+$0x40E0]  }
0x21e: {  	s31 =	simm.s32 $0x10000;
	v24 =	vld [tilespmem:s0+$0x40F0]  }
0x21f: {  	v34 =	vld.idx.msk [tilespmem:v14+s31+$0x400], $0xffff  }
0x220: {  	v35 =	vld.idx.msk [tilespmem:v15+s31+$0x400], $0xffff  }
0x221: {  	v36 =	vld.idx.msk [tilespmem:v16+s31+$0x400], $0xffff  }
0x222: {  	v37 =	vld.idx.msk [tilespmem:v17+s31+$0x400], $0xffff  }
0x223: {  	v38 =	vld.idx.msk [tilespmem:v10+s31+$0x400], $0xffff  }
0x224: {  	v39 =	vld.idx.msk [tilespmem:v11+s31+$0x400], $0xffff  }
0x225: {  	v40 =	vld.idx.msk [tilespmem:v12+s31+$0x400], $0xffff  }
0x226: {  	v41 =	vld.idx.msk [tilespmem:v13+s31+$0x400], $0xffff  }
0x227: {  	v42 =	vld.idx.msk [tilespmem:v2+s31+$0x400], $0xffff  }
0x228: {  	v43 =	vld.idx.msk [tilespmem:v3+s31+$0x400], $0xffff  }
0x229: {  	v44 =	vld.idx.msk [tilespmem:v4+s31+$0x400], $0xffff  }
0x22a: {  	v45 =	vld.idx.msk [tilespmem:v5+s31+$0x400], $0xffff  }
0x22b: {  	v46 =	vld.idx.msk [tilespmem:v6+s31+$0x400], $0xffff  }
0x22c: {  	v47 =	vld.idx.msk [tilespmem:v7+s31+$0x400], $0xffff  }
0x22d: {  	v48 =	vld.idx.msk [tilespmem:v8+s31+$0x400], $0xffff;
	v34 =	vadd.bf16 v34, v26;
	v35 =	vadd.bf16 v35, v27  }
0x22e: {  	v49 =	vld.idx.msk [tilespmem:v9+s31+$0x400], $0xffff;
	v36 =	vadd.bf16 v36, v23;
	v37 =	vadd.bf16 v37, v24  }
0x22f: {  	v50 =	vld.idx.msk [tilespmem:v3+s31+$0x0], $0xffff;
	v38 =	vadd.bf16 v38, v32;
	v39 =	vadd.bf16 v39, v33  }
0x230: {  	v51 =	vld.idx.msk [tilespmem:v4+s31+$0x0], $0xffff;
	v40 =	vadd.bf16 v40, v29;
	v41 =	vadd.bf16 v41, v30  }
0x231: {  	v52 =	vld.idx.msk [tilespmem:v5+s31+$0x0], $0xffff;
	v42 =	vadd.bf16 v42, v18;
	v43 =	vadd.bf16 v43, v19  }
0x232: {  	v53 =	vld.idx.msk [tilespmem:v6+s31+$0x0], $0xffff;
	v44 =	vadd.bf16 v44, v20;
	v46 =	vadd.bf16 v46, v22  }
0x233: {  	v54 =	vld.idx.msk [tilespmem:v7+s31+$0x0], $0xffff;
	v47 =	vadd.bf16 v47, v25;
	v48 =	vadd.bf16 v48, v28  }
0x234: {  	v55 =	vld.idx.msk [tilespmem:v8+s31+$0x0], $0xffff;
	v45 =	vadd.bf16 v45, v21;
	v49 =	vadd.bf16 v49, v31  }
0x235: {  	v63 =	vld.idx.msk [tilespmem:v2+s31+$0x0], $0xffff;
	v42 =	vmax.bf16 v42, v46;
	v43 =	vmax.bf16 v43, v47;
	v44 =	vmax.bf16 v44, v48  }
0x236: {  	v56 =	vld.idx.msk [tilespmem:v9+s31+$0x0], $0xffff;
	v45 =	vmax.bf16 v45, v49;
	v38 =	vmax.bf16 v42, v38;
	v39 =	vmax.bf16 v43, v39  }
0x237: {  	v47 =	vld.idx.msk [tilespmem:v11+s31+$0x0], $0xffff;
	v40 =	vmax.bf16 v44, v40;
	v41 =	vmax.bf16 v45, v41;
	v38 =	vmax.bf16 v38, v34  }
0x238: {  	v42 =	vld.idx.msk [tilespmem:v10+s31+$0x0], $0xffff;
	v35 =	vmax.bf16 v39, v35;
	v36 =	vmax.bf16 v40, v36;
	v37 =	vmax.bf16 v41, v37  }
0x239: {  	s1 =	sshll.u32 s22, $0x2;
	s3 =	sand.u32 $0x7, s19;
	v57 =	vadd.bf16 v50, v19;
	v34 =	vld.idx.msk [tilespmem:v12+s31+$0x0], $0xffff;
	v39 =	vmax.bf16 v38, v35;
	v36 =	vmax.bf16 v36, v37  }
0x23a: {  	s1 =	sand.u32 $0xFFFFFE00, s1;
	s3 =	sshll.u32 s3, $0x6;
	v59 =	vadd.bf16 v53, v22;
	v62 =	vadd.bf16 v63, v18;
	v40 =	vld.idx.msk [tilespmem:v16+s31+$0x0], $0xffff;
	v58 =	vmax.bf16 v39, v36  }
0x23b: {  	s1 =	sor.u32 s3, s1;
	v60 =	vadd.bf16 v54, v25;
	v46 =	vadd.bf16 v56, v31;
	v35 =	vld.idx.msk [tilespmem:v13+s31+$0x0], $0xffff;
	v61 =	vunpack.i.u.bf16.f32 v58  }
0x23c: {  	s1 =	sshrl.u32 s1, $0x2;
	v48 =	vmax.bf16 v62, v59;
	v44 =	vadd.bf16 v55, v28;
	v36 =	vld.idx.msk [tilespmem:v14+s31+$0x0], $0xffff;
	v63 =	vmul.f32 v61, v1  }
0x23d: {  	s20 =	sadd.s32 $0x14800, s1;
	v43 =	vmax.bf16 v57, v60;
	v37 =	vadd.bf16 v51, v20;
	v38 =	vadd.bf16 v52, v21;
	v39 =	vld.idx.msk [tilespmem:v15+s31+$0x0], $0xffff  }
0x23e: {  	s21 =	simm.s32 $0x0;
	s24 =	simm.s32 $0x10800;
	v41 =	vld.idx.msk [tilespmem:v17+s31+$0x0], $0xffff;
	v47 =	vadd.bf16 v47, v33;
	v45 =	vadd.bf16 v42, v32;
	v42 =	vunpack.i.l.bf16.f32 v58;
	[tilespmem:s20+$0x400] =	vst v63  }
.LBB2_23:
0x23f: {  	v49 =	vld.idx.msk [tilespmem:v14+s24+$0x400], $0xffff;
	v37 =	vmax.bf16 v37, v44;
	v38 =	vmax.bf16 v38, v46;
	v34 =	vadd.bf16 v34, v29  }
0x240: {  	v45 =	vmax.bf16 v48, v45;
	v35 =	vadd.bf16 v35, v30;
	v44 =	vld.idx.msk [tilespmem:v15+s24+$0x400], $0xffff;
	v43 =	vmax.bf16 v43, v47  }
0x241: {  	v36 =	vadd.bf16 v36, v26;
	v46 =	vld.idx.msk [tilespmem:v16+s24+$0x400], $0xffff;
	v34 =	vmax.bf16 v37, v34;
	v37 =	vmul.f32 v42, v1  }
0x242: {  	v35 =	vmax.bf16 v38, v35;
	v38 =	vadd.bf16 v39, v27;
	v42 =	vld.idx.msk [tilespmem:v17+s24+$0x400], $0xffff  }
0x243: {  	v36 =	vmax.bf16 v45, v36;
	v40 =	vadd.bf16 v40, v23;
	v39 =	vld.idx.msk [tilespmem:v10+s24+$0x400], $0xffff;
	[tilespmem:s20+$0x0] =	vst v37  }
0x244: {  	v38 =	vmax.bf16 v43, v38;
	v41 =	vadd.bf16 v41, v24;
	v37 =	vld.idx.msk [tilespmem:v11+s24+$0x400], $0xffff  }
0x245: {  	v34 =	vmax.bf16 v34, v40;
	v36 =	vmax.bf16 v36, v38;
	v43 =	vld.idx.msk [tilespmem:v12+s24+$0x400], $0xffff  }
0x246: {  	v35 =	vmax.bf16 v35, v41;
	v38 =	vld.idx.msk [tilespmem:v13+s24+$0x400], $0xffff  }
0x247: {  	v34 =	vmax.bf16 v34, v35;
	v40 =	vld.idx.msk [tilespmem:v2+s24+$0x400], $0xffff  }
0x248: {  	v34 =	vmax.bf16 v36, v34;
	v35 =	vld.idx.msk [tilespmem:v3+s24+$0x400], $0xffff  }
0x249: {  	v41 =	vunpack.i.u.bf16.f32 v34;
	v34 =	vunpack.i.l.bf16.f32 v34;
	v36 =	vld.idx.msk [tilespmem:v4+s24+$0x400], $0xffff  }
0x24a: {  	v34 =	vmul.f32 v34, v1;
	v41 =	vmul.f32 v41, v1;
	v45 =	vld.idx.msk [tilespmem:v5+s24+$0x400], $0xffff  }
0x24b: {  	v47 =	vld.idx.msk [tilespmem:v6+s24+$0x400], $0xffff  }
0x24c: {  	v48 =	vld.idx.msk [tilespmem:v7+s24+$0x400], $0xffff;
	[tilespmem:s20+$0xFFFFF800] =	vst v34  }
0x24d: {  	v49 =	vadd.bf16 v49, v26;
	v44 =	vadd.bf16 v44, v27;
	v34 =	vld.idx.msk [tilespmem:v8+s24+$0x400], $0xffff;
	[tilespmem:s20+$0xFFFFFC00] =	vst v41  }
0x24e: {  	s21 =	sadd.s32 $0x2, s21;
	v46 =	vadd.bf16 v46, v23;
	v42 =	vadd.bf16 v42, v24;
	v41 =	vld.idx.msk [tilespmem:v9+s24+$0x400], $0xffff  }
0x24f: {  	p0 =	slt.u32 s21, $0xE;
	v39 =	vadd.bf16 v39, v32;
	v37 =	vadd.bf16 v37, v33;
	v50 =	vld.idx.msk [tilespmem:v3+s24+$0x0], $0xffff  }
0x250: {  	v43 =	vadd.bf16 v43, v29;
	v38 =	vadd.bf16 v38, v30;
	v51 =	vld.idx.msk [tilespmem:v4+s24+$0x0], $0xffff  }
0x251: {  	v40 =	vadd.bf16 v40, v18;
	v35 =	vadd.bf16 v35, v19;
	v52 =	vld.idx.msk [tilespmem:v5+s24+$0x0], $0xffff  }
0x252: {  	v36 =	vadd.bf16 v36, v20;
	v47 =	vadd.bf16 v47, v22;
	v53 =	vld.idx.msk [tilespmem:v6+s24+$0x0], $0xffff  }
0x253: {  	v48 =	vadd.bf16 v48, v25;
	v34 =	vadd.bf16 v34, v28;
	v54 =	vld.idx.msk [tilespmem:v7+s24+$0x0], $0xffff  }
0x254: {  	v45 =	vadd.bf16 v45, v21;
	v41 =	vadd.bf16 v41, v31;
	v55 =	vld.idx.msk [tilespmem:v8+s24+$0x0], $0xffff  }
0x255: {  	v40 =	vmax.bf16 v40, v47;
	v35 =	vmax.bf16 v35, v48;
	v34 =	vmax.bf16 v36, v34;
	v56 =	vld.idx.msk [tilespmem:v9+s24+$0x0], $0xffff  }
0x256: {  	v39 =	vmax.bf16 v40, v39;
	v35 =	vmax.bf16 v35, v37;
	v36 =	vmax.bf16 v45, v41;
	v47 =	vld.idx.msk [tilespmem:v2+s24+$0x0], $0xffff  }
0x257: {  	v37 =	vmax.bf16 v39, v49;
	v34 =	vmax.bf16 v34, v43;
	v36 =	vmax.bf16 v36, v38;
	v40 =	vld.idx.msk [tilespmem:v10+s24+$0x0], $0xffff  }
0x258: {  	v35 =	vmax.bf16 v35, v44;
	v38 =	vmax.bf16 v34, v46;
	v36 =	vmax.bf16 v36, v42;
	v41 =	vld.idx.msk [tilespmem:v11+s24+$0x0], $0xffff  }
0x259: {  	v39 =	vmax.bf16 v37, v35;
	v42 =	vadd.bf16 v50, v19;
	v36 =	vmax.bf16 v38, v36;
	v34 =	vld.idx.msk [tilespmem:v12+s24+$0x0], $0xffff  }
.Ltmp14:
0x25a: {  	v37 =	vadd.bf16 v51, v20;
	v38 =	vadd.bf16 v52, v21;
	v49 =	vmax.bf16 v39, v36;
	v35 =	vld.idx.msk [tilespmem:v13+s24+$0x0], $0xffff;
	(pc) =	sbr.rel @p0 .LBB2_23-.Ltmp14, $4  }
0x25b: {  	v48 =	vadd.bf16 v53, v22;
	v43 =	vadd.bf16 v54, v25;
	v45 =	vunpack.i.u.bf16.f32 v49;
	v36 =	vld.idx.msk [tilespmem:v14+s24+$0x0], $0xffff  }
0x25c: {  	v44 =	vadd.bf16 v55, v28;
	v47 =	vadd.bf16 v47, v18;
	v50 =	vmul.f32 v45, v1;
	v39 =	vld.idx.msk [tilespmem:v15+s24+$0x0], $0xffff  }
0x25d: {  	s20 =	sadd.s32 $0x1000, s20;
	v43 =	vmax.bf16 v42, v43;
	v46 =	vadd.bf16 v56, v31;
	v45 =	vadd.bf16 v40, v32;
	v40 =	vld.idx.msk [tilespmem:v16+s24+$0x0], $0xffff  }
0x25e: {  	v42 =	vunpack.i.l.bf16.f32 v49;
	v48 =	vmax.bf16 v47, v48;
	v47 =	vadd.bf16 v41, v33;
	v41 =	vld.idx.msk [tilespmem:v17+s24+$0x0], $0xffff;
	[tilespmem:s20+$0x400] =	vst v50;
	s24 =	sadd.s32 $0x800, s24  }
0x25f: {  	_ = 	snop  }
0x260: {  	v2 =	vmax.bf16 v37, v44  }
0x261: {  	v3 =	vmax.bf16 v38, v46;
	v4 =	vadd.bf16 v34, v29;
	v5 =	vadd.bf16 v35, v30  }
0x262: {  	v6 =	vmax.bf16 v48, v45;
	v7 =	vadd.bf16 v36, v26;
	v8 =	vadd.bf16 v39, v27  }
0x263: {  	v9 =	vmax.bf16 v43, v47;
	v10 =	vadd.bf16 v40, v23;
	v11 =	vadd.bf16 v41, v24  }
0x264: {  	v2 =	vmax.bf16 v2, v4;
	v3 =	vmax.bf16 v3, v5;
	v62 =	vmax.bf16 v6, v7  }
0x265: {  	v63 =	vmax.bf16 v9, v8;
	v2 =	vmax.bf16 v2, v10;
	v3 =	vmax.bf16 v3, v11  }
0x266: {  	s23 =	sadd.s32 $0x1, s23;
	v4 =	vmax.bf16 v62, v63;
	v2 =	vmax.bf16 v2, v3  }
0x267: {  	p0 =	sne.s32 s23, $0x40;
	v2 =	vmax.bf16 v4, v2  }
.Ltmp15:
0x268: {  	v3 =	vmul.f32 v42, v1;
	v4 =	vunpack.i.l.bf16.f32 v2;
	(pc) =	sbr.rel @p0 .LBB2_22-.Ltmp15, $4  }
.Ltmp16:
0x269: {  	v2 =	vunpack.i.u.bf16.f32 v2;
	v4 =	vmul.f32 v4, v1;
	(pc) =	sbr.rel @!p0 .LBB2_25-.Ltmp16, $4  }
0x26a: {  	[tilespmem:s20+$0x0] =	vst v3;
	v2 =	vmul.f32 v2, v1  }
0x26b: {  	[tilespmem:s20+$0xFFFFF800] =	vst v4  }
0x26c: {  	s22 =	sadd.s32 $0x10, s22;
	s19 =	sadd.s32 $0x1, s19;
	[tilespmem:s20+$0xFFFFFC00] =	vst v2  }
0x26d: {  	_ = 	snop  }
.LBB2_19:
0x26e: {  	s0 =	sshll.u32 s21, $0x8  }
0x26f: {  	v2 =	vld [tilespmem:s0+$0x0]  }
0x270: {  	v3 =	vld [tilespmem:s0+$0x10]  }
0x271: {  	v4 =	vld [tilespmem:s0+$0x20]  }
0x272: {  	v5 =	vld [tilespmem:s0+$0x30]  }
0x273: {  	v6 =	vld [tilespmem:s0+$0x40]  }
0x274: {  	v7 =	vld [tilespmem:s0+$0x50]  }
0x275: {  	v8 =	vld [tilespmem:s0+$0x60]  }
0x276: {  	v9 =	vld [tilespmem:s0+$0x70]  }
0x277: {  	v10 =	vld [tilespmem:s0+$0x80]  }
0x278: {  	v11 =	vld [tilespmem:s0+$0x90]  }
0x279: {  	v12 =	vld [tilespmem:s0+$0xA0]  }
0x27a: {  	v13 =	vld [tilespmem:s0+$0xB0]  }
0x27b: {  	v14 =	vld [tilespmem:s0+$0xC0]  }
0x27c: {  	v15 =	vld [tilespmem:s0+$0xD0]  }
0x27d: {  	v16 =	vld [tilespmem:s0+$0xE0]  }
0x27e: {  	v17 =	vld [tilespmem:s0+$0xF0]  }
0x27f: {  	v18 =	vld [tilespmem:s0+$0x4000]  }
0x280: {  	v19 =	vld [tilespmem:s0+$0x4010]  }
0x281: {  	v20 =	vld [tilespmem:s0+$0x4020]  }
0x282: {  	v21 =	vld [tilespmem:s0+$0x4030]  }
0x283: {  	v22 =	vld [tilespmem:s0+$0x4040]  }
0x284: {  	v23 =	vld [tilespmem:s0+$0x4050]  }
0x285: {  	v24 =	vld [tilespmem:s0+$0x4060]  }
0x286: {  	v25 =	vld [tilespmem:s0+$0x4080]  }
0x287: {  	v26 =	vld [tilespmem:s0+$0x4090]  }
0x288: {  	v27 =	vld [tilespmem:s0+$0x40A0]  }
0x289: {  	v28 =	vld [tilespmem:s0+$0x40B0]  }
0x28a: {  	v31 =	vld [tilespmem:s0+$0x40C0]  }
0x28b: {  	v32 =	vld [tilespmem:s0+$0x40D0]  }
0x28c: {  	v29 =	vld [tilespmem:s0+$0x40E0]  }
0x28d: {  	s22 =	simm.s32 $0x10000;
	v30 =	vld [tilespmem:s0+$0x40F0]  }
0x28e: {  	v33 =	vld.idx.msk [tilespmem:v14+s22+$0x400], $0xffff  }
0x28f: {  	v34 =	vld.idx.msk [tilespmem:v15+s22+$0x400], $0xffff  }
0x290: {  	v35 =	vld.idx.msk [tilespmem:v16+s22+$0x400], $0xffff  }
0x291: {  	v36 =	vld.idx.msk [tilespmem:v17+s22+$0x400], $0xffff  }
0x292: {  	v37 =	vld.idx.msk [tilespmem:v10+s22+$0x400], $0xffff  }
0x293: {  	v38 =	vld.idx.msk [tilespmem:v11+s22+$0x400], $0xffff  }
0x294: {  	v39 =	vld.idx.msk [tilespmem:v12+s22+$0x400], $0xffff  }
0x295: {  	v40 =	vld.idx.msk [tilespmem:v13+s22+$0x400], $0xffff  }
0x296: {  	v41 =	vld.idx.msk [tilespmem:v2+s22+$0x400], $0xffff  }
0x297: {  	v42 =	vld.idx.msk [tilespmem:v3+s22+$0x400], $0xffff  }
0x298: {  	v43 =	vld.idx.msk [tilespmem:v4+s22+$0x400], $0xffff  }
0x299: {  	v44 =	vld.idx.msk [tilespmem:v5+s22+$0x400], $0xffff  }
0x29a: {  	v45 =	vld.idx.msk [tilespmem:v6+s22+$0x400], $0xffff;
	vm2 =	veq.bf16 v33, $-Inf;
	vm3 =	veq.bf16 v34, $-Inf;
	vm4 =	veq.bf16 v35, $-Inf  }
0x29b: {  	v46 =	vld.idx.msk [tilespmem:v7+s22+$0x400], $0xffff;
	vm0 =	veq.bf16 v37, $-Inf;
	vm1 =	veq.bf16 v38, $-Inf;
	vm7 =	veq.bf16 v36, $-Inf  }
0x29c: {  	v48 =	vld.idx.msk [tilespmem:v8+s22+$0x400], $0xffff;
	vm5 =	veq.bf16 v39, $-Inf;
	v47 =	vadd.bf16 v33, v31;
	v34 =	vadd.bf16 v34, v32  }
0x29d: {  	v49 =	vld.idx.msk [tilespmem:v9+s22+$0x400], $0xffff;
	vm6 =	veq.bf16 v40, $-Inf;
	v35 =	vadd.bf16 v35, v29;
	v36 =	vadd.bf16 v36, v30  }
0x29e: {  	v50 =	vld.idx.msk [tilespmem:v3+s22+$0x0], $0xffff;
	vm8 =	veq.bf16 v41, $-Inf;
	vm9 =	veq.bf16 v42, $-Inf;
	v37 =	vadd.bf16 v37, v25  }
0x29f: {  	v53 =	vld.idx.msk [tilespmem:v2+s22+$0x0], $0xffff;
	vm10 =	veq.bf16 v43, $-Inf;
	v38 =	vadd.bf16 v38, v26;
	v39 =	vadd.bf16 v39, v27  }
0x2a0: {  	v57 =	vld.idx.msk [tilespmem:v8+s22+$0x0], $0xffff;
	vm11 =	veq.bf16 v44, $-Inf;
	v40 =	vadd.bf16 v40, v28;
	v41 =	vadd.bf16 v41, v18  }
0x2a1: {  	vm12 =	veq.bf16 v45, $-Inf;
	v42 =	vadd.bf16 v42, v19;
	v43 =	vadd.bf16 v43, v20  }
0x2a2: {  	vm13 =	veq.bf16 v46, $-Inf;
	v44 =	vadd.bf16 v44, v21;
	v45 =	vadd.bf16 v45, v22  }
0x2a3: {  	v51 =	vld.idx.msk [tilespmem:v4+s22+$0x0], $0xffff;
	vm14 =	veq.bf16 v48, $-Inf;
	v46 =	vadd.bf16 v46, v23;
	v48 =	vadd.bf16 v48, v24  }
0x2a4: {  	v52 =	vld.idx.msk [tilespmem:v5+s22+$0x0], $0xffff;
	vm15 =	veq.bf16 v49, $-Inf;
	v59 =	vadd.bf16 v53, v18;
	v60 =	vadd.bf16 v50, v19  }
0x2a5: {  	v54 =	vld.idx.msk [tilespmem:v6+s22+$0x0], $0xffff;
	v62 =	vadd.bf16 v57, v24;
	v47 =	vsel vm2, v0, v47;
	v34 =	vsel vm3, v0, v34  }
0x2a6: {  	v56 =	vld.idx.msk [tilespmem:v7+s22+$0x0], $0xffff;
	v35 =	vsel vm4, v0, v35;
	v36 =	vsel vm7, v0, v36;
	v37 =	vsel vm0, v0, v37  }
0x2a7: {  	v58 =	vld.idx.msk [tilespmem:v9+s22+$0x0], $0xffff;
	v38 =	vsel vm1, v0, v38;
	v39 =	vsel vm5, v0, v39;
	v41 =	vsel vm8, v0, v41  }
0x2a8: {  	v42 =	vsel vm9, v0, v42;
	v40 =	vsel vm6, v0, v40;
	v43 =	vsel vm10, v0, v43  }
0x2a9: {  	v44 =	vsel vm11, v0, v44;
	v45 =	vsel vm12, v0, v45;
	v46 =	vsel vm13, v0, v46  }
0x2aa: {  	v48 =	vsel vm14, v0, v48;
	vm0 =	veq.bf16 v53, $-Inf;
	vm1 =	veq.bf16 v50, $-Inf  }
0x2ab: {  	v33 =	vld [tilespmem:s0+$0x4070];
	vm2 =	veq.bf16 v51, $-Inf;
	vm3 =	veq.bf16 v52, $-Inf;
	vm4 =	veq.bf16 v54, $-Inf  }
0x2ac: {  	vm5 =	veq.bf16 v56, $-Inf;
	vm12 =	veq.bf16 v57, $-Inf;
	vm13 =	veq.bf16 v58, $-Inf  }
0x2ad: {  	v61 =	vld.idx.msk [tilespmem:v13+s22+$0x0], $0xffff;
	v41 =	vmax.bf16 v41, v45;
	v42 =	vmax.bf16 v42, v46;
	v43 =	vmax.bf16 v43, v48  }
0x2ae: {  	v50 =	vld.idx.msk [tilespmem:v14+s22+$0x0], $0xffff;
	v46 =	vadd.bf16 v56, v23;
	v48 =	vsel vm12, v0, v62;
	v37 =	vmax.bf16 v41, v37  }
0x2af: {  	v53 =	vld.idx.msk [tilespmem:v17+s22+$0x0], $0xffff;
	v38 =	vmax.bf16 v42, v38;
	v39 =	vmax.bf16 v43, v39;
	v43 =	vadd.bf16 v52, v21  }
0x2b0: {  	v45 =	vld.idx.msk [tilespmem:v16+s22+$0x0], $0xffff;
	v49 =	vadd.bf16 v49, v33;
	v37 =	vmax.bf16 v37, v47;
	v34 =	vmax.bf16 v38, v34  }
0x2b1: {  	v41 =	vld.idx.msk [tilespmem:v15+s22+$0x0], $0xffff;
	v35 =	vmax.bf16 v39, v35;
	v63 =	vadd.bf16 v58, v33;
	v39 =	vsel vm0, v0, v59  }
0x2b2: {  	s25 =	simm.s32 $0x10800;
	v38 =	vld.idx.msk [tilespmem:v10+s22+$0x0], $0xffff;
	v46 =	vsel vm5, v0, v46;
	v34 =	vmax.bf16 v37, v34;
	v37 =	vsel vm1, v0, v60  }
0x2b3: {  	v47 =	vld.idx.msk [tilespmem:v13+s25+$0x400], $0xffff;
	v60 =	vadd.bf16 v61, v28;
	v43 =	vsel vm3, v0, v43;
	vm3 =	veq.bf16 v61, $-Inf  }
0x2b4: {  	v49 =	vsel vm15, v0, v49;
	v61 =	vadd.bf16 v50, v31;
	v56 =	vadd.bf16 v53, v30  }
0x2b5: {  	v37 =	vmax.bf16 v37, v46;
	v44 =	vmax.bf16 v44, v49;
	v49 =	vsel vm13, v0, v63  }
0x2b6: {  	v63 =	vadd.bf16 v45, v29;
	v40 =	vmax.bf16 v44, v40;
	v62 =	vadd.bf16 v41, v32  }
0x2b7: {  	v44 =	vld.idx.msk [tilespmem:v12+s22+$0x0], $0xffff;
	v43 =	vmax.bf16 v43, v49;
	v36 =	vmax.bf16 v40, v36;
	v57 =	vadd.bf16 v38, v25  }
0x2b8: {  	v40 =	vld.idx.msk [tilespmem:v11+s22+$0x0], $0xffff;
	vm0 =	veq.bf16 v38, $-Inf;
	vm6 =	veq.bf16 v47, $-Inf;
	v35 =	vmax.bf16 v35, v36  }
0x2b9: {  	v47 =	vadd.bf16 v47, v28;
	v36 =	vadd.bf16 v51, v20;
	v34 =	vmax.bf16 v34, v35  }
0x2ba: {  	v35 =	vadd.bf16 v54, v22;
	v42 =	vsel vm0, v0, v57;
	vm0 =	veq.bf16 v50, $-Inf  }
0x2bb: {  	v47 =	vsel vm6, v0, v47;
	v36 =	vsel vm2, v0, v36;
	v38 =	vsel vm0, v0, v61  }
0x2bc: {  	v61 =	vunpack.i.u.bf16.f32 v34;
	v34 =	vunpack.i.l.bf16.f32 v34;
	v59 =	vadd.bf16 v44, v27  }
0x2bd: {  	v50 =	vld.idx.msk [tilespmem:v17+s25+$0x400], $0xffff;
	v35 =	vsel vm4, v0, v35;
	vm2 =	veq.bf16 v44, $-Inf;
	v58 =	vadd.bf16 v40, v26  }
0x2be: {  	v36 =	vmax.bf16 v36, v48;
	vm1 =	veq.bf16 v40, $-Inf;
	v35 =	vmax.bf16 v39, v35  }
0x2bf: {  	v46 =	vld.idx.msk [tilespmem:v15+s25+$0x400], $0xffff;
	v52 =	vmul.f32 v34, v1;
	v35 =	vmax.bf16 v35, v42;
	v57 =	vsel vm1, v0, v58  }
0x2c0: {  	v49 =	vld.idx.msk [tilespmem:v16+s25+$0x400], $0xffff;
	v58 =	vsel vm2, v0, v59;
	v59 =	vsel vm3, v0, v60;
	vm1 =	veq.bf16 v41, $-Inf  }
0x2c1: {  	v44 =	vld.idx.msk [tilespmem:v14+s25+$0x400], $0xffff;
	vm2 =	veq.bf16 v45, $-Inf;
	vm3 =	veq.bf16 v53, $-Inf;
	v35 =	vmax.bf16 v35, v38  }
0x2c2: {  	v42 =	vld.idx.msk [tilespmem:v11+s25+$0x400], $0xffff;
	vm9 =	veq.bf16 v50, $-Inf;
	v50 =	vadd.bf16 v50, v30;
	v37 =	vmax.bf16 v37, v57  }
0x2c3: {  	v41 =	vld.idx.msk [tilespmem:v10+s25+$0x400], $0xffff;
	v36 =	vmax.bf16 v36, v58;
	v43 =	vmax.bf16 v43, v59;
	v40 =	vsel vm1, v0, v62  }
0x2c4: {  	v45 =	vld.idx.msk [tilespmem:v12+s25+$0x400], $0xffff;
	v39 =	vsel vm2, v0, v63;
	v60 =	vsel vm3, v0, v56;
	vm2 =	veq.bf16 v46, $-Inf  }
0x2c5: {  	v62 =	vld.idx.msk [tilespmem:v2+s25+$0x400], $0xffff;
	vm3 =	veq.bf16 v49, $-Inf;
	v46 =	vadd.bf16 v46, v32;
	v49 =	vadd.bf16 v49, v29  }
0x2c6: {  	v63 =	vld.idx.msk [tilespmem:v3+s25+$0x400], $0xffff;
	v37 =	vmax.bf16 v37, v40;
	v36 =	vmax.bf16 v36, v39;
	v38 =	vmax.bf16 v43, v60  }
0x2c7: {  	v56 =	vld.idx.msk [tilespmem:v4+s25+$0x400], $0xffff;
	v39 =	vmul.f32 v61, v1;
	vm1 =	veq.bf16 v44, $-Inf;
	v44 =	vadd.bf16 v44, v31  }
0x2c8: {  	v57 =	vld.idx.msk [tilespmem:v5+s25+$0x400], $0xffff;
	v50 =	vsel vm9, v0, v50;
	v35 =	vmax.bf16 v35, v37;
	v36 =	vmax.bf16 v36, v38  }
0x2c9: {  	v58 =	vld.idx.msk [tilespmem:v6+s25+$0x400], $0xffff;
	v46 =	vsel vm2, v0, v46;
	v49 =	vsel vm3, v0, v49;
	v35 =	vmax.bf16 v35, v36  }
0x2ca: {  	v59 =	vld.idx.msk [tilespmem:v7+s25+$0x400], $0xffff;
	vm5 =	veq.bf16 v42, $-Inf;
	v42 =	vadd.bf16 v42, v26;
	v44 =	vsel vm1, v0, v44  }
0x2cb: {  	v60 =	vld.idx.msk [tilespmem:v8+s25+$0x400], $0xffff;
	v34 =	vunpack.i.u.bf16.f32 v35;
	v35 =	vunpack.i.l.bf16.f32 v35;
	vm4 =	veq.bf16 v41, $-Inf  }
0x2cc: {  	v61 =	vld.idx.msk [tilespmem:v9+s25+$0x400], $0xffff;
	vm7 =	veq.bf16 v45, $-Inf;
	v41 =	vadd.bf16 v41, v25;
	v45 =	vadd.bf16 v45, v27  }
0x2cd: {  	vm10 =	veq.bf16 v62, $-Inf;
	vm11 =	veq.bf16 v63, $-Inf;
	vm8 =	veq.bf16 v56, $-Inf  }
0x2ce: {  	vm0 =	veq.bf16 v57, $-Inf;
	v40 =	vadd.bf16 v62, v18;
	v37 =	vadd.bf16 v63, v19  }
0x2cf: {  	[tilespmem:$0x1FFB0] =	vst v3;
	vm12 =	veq.bf16 v58, $-Inf;
	v36 =	vadd.bf16 v56, v20;
	v38 =	vadd.bf16 v57, v21  }
0x2d0: {  	v55 =	vld.idx.msk [tilespmem:v4+s25+$0x0], $0xffff;
	vm13 =	veq.bf16 v59, $-Inf;
	v43 =	vadd.bf16 v58, v22;
	v48 =	vadd.bf16 v59, v23  }
0x2d1: {  	v42 =	vsel vm5, v0, v42;
	vm14 =	veq.bf16 v60, $-Inf;
	vm15 =	veq.bf16 v61, $-Inf  }
0x2d2: {  	v51 =	vadd.bf16 v60, v24;
	v53 =	vadd.bf16 v61, v33;
	v41 =	vsel vm4, v0, v41  }
0x2d3: {  	v62 =	vld.idx.msk [tilespmem:v3+s25+$0x0], $0xffff;
	v45 =	vsel vm7, v0, v45;
	v40 =	vsel vm10, v0, v40;
	v37 =	vsel vm11, v0, v37  }
0x2d4: {  	[tilespmem:$0x1FFC0] =	vst v2;
	v43 =	vsel vm12, v0, v43;
	v48 =	vsel vm13, v0, v48;
	v36 =	vsel vm8, v0, v36  }
0x2d5: {  	v63 =	vld.idx.msk [tilespmem:v2+s25+$0x0], $0xffff;
	v38 =	vsel vm0, v0, v38;
	vm2 =	veq.bf16 v55, $-Inf;
	v40 =	vmax.bf16 v40, v43  }
0x2d6: {  	v57 =	vld.idx.msk [tilespmem:v12+s25+$0x0], $0xffff;
	v51 =	vsel vm14, v0, v51;
	v37 =	vmax.bf16 v37, v48;
	v53 =	vsel vm15, v0, v53  }
0x2d7: {  	v59 =	vld.idx.msk [tilespmem:v13+s25+$0x0], $0xffff;
	v36 =	vmax.bf16 v36, v51;
	v38 =	vmax.bf16 v38, v53;
	v40 =	vmax.bf16 v40, v41  }
0x2d8: {  	v48 =	vld.idx.msk [tilespmem:v5+s25+$0x0], $0xffff;
	v37 =	vmax.bf16 v37, v42;
	v36 =	vmax.bf16 v36, v45;
	v38 =	vmax.bf16 v38, v47  }
0x2d9: {  	v51 =	vld.idx.msk [tilespmem:v6+s25+$0x0], $0xffff;
	v40 =	vmax.bf16 v40, v44;
	v37 =	vmax.bf16 v37, v46;
	v46 =	vadd.bf16 v62, v19  }
0x2da: {  	v41 =	vld.idx.msk [tilespmem:v7+s25+$0x0], $0xffff;
	vm1 =	veq.bf16 v62, $-Inf;
	v36 =	vmax.bf16 v36, v49;
	v38 =	vmax.bf16 v38, v50  }
0x2db: {  	v42 =	vld.idx.msk [tilespmem:v8+s25+$0x0], $0xffff;
	v45 =	vadd.bf16 v63, v18;
	v37 =	vmax.bf16 v40, v37;
	v49 =	vadd.bf16 v55, v20  }
0x2dc: {  	v44 =	vld.idx.msk [tilespmem:v9+s25+$0x0], $0xffff;
	vm0 =	veq.bf16 v63, $-Inf;
	v43 =	vadd.bf16 v57, v27;
	v36 =	vmax.bf16 v36, v38  }
0x2dd: {  	v40 =	vld.idx.msk [tilespmem:v10+s25+$0x0], $0xffff;
	v36 =	vmax.bf16 v37, v36;
	v53 =	vadd.bf16 v48, v21;
	vm3 =	veq.bf16 v48, $-Inf  }
0x2de: {  	v50 =	vld.idx.msk [tilespmem:v11+s25+$0x0], $0xffff;
	v47 =	vsel vm0, v0, v45;
	v48 =	vsel vm1, v0, v46;
	v49 =	vsel vm2, v0, v49  }
0x2df: {  	s31 =	sshll.u32 s20, $0x2;
	s1 =	sand.u32 $0x7, s19;
	vm2 =	veq.bf16 v57, $-Inf;
	v56 =	vadd.bf16 v51, v22;
	v37 =	vunpack.i.u.bf16.f32 v36  }
0x2e0: {  	s1 =	sshll.u32 s1, $0x6;
	s0 =	sand.u32 $0xFFFFFE00, s31;
	v38 =	vld.idx.msk [tilespmem:v15+s25+$0x0], $0xffff;
	v58 =	vadd.bf16 v41, v23;
	v55 =	vadd.bf16 v42, v24;
	vm4 =	veq.bf16 v51, $-Inf  }
0x2e1: {  	s0 =	sor.u32 s1, s0;
	vm5 =	veq.bf16 v41, $-Inf;
	vm14 =	veq.bf16 v42, $-Inf;
	v60 =	vmul.f32 v37, v1;
	v37 =	vld.idx.msk [tilespmem:v14+s25+$0x0], $0xffff  }
0x2e2: {  	s0 =	sshrl.u32 s0, $0x2;
	v61 =	vadd.bf16 v44, v33;
	vm15 =	veq.bf16 v44, $-Inf;
	v44 =	vadd.bf16 v59, v28  }
0x2e3: {  	s22 =	sadd.s32 $0x14800, s0;
	v41 =	vadd.bf16 v40, v25;
	v42 =	vadd.bf16 v50, v26;
	vm0 =	veq.bf16 v40, $-Inf  }
0x2e4: {  	[tilespmem:s22+$0x400] =	vst v39;
	v39 =	vld.idx.msk [tilespmem:v16+s25+$0x0], $0xffff;
	vm1 =	veq.bf16 v50, $-Inf;
	v50 =	vsel vm3, v0, v53;
	v54 =	vsel vm4, v0, v56  }
0x2e5: {  	s23 =	sadd.s32 $0x1000, s22;
	[tilespmem:s22+$0x0] =	vst v52;
	v51 =	vsel vm5, v0, v58;
	v52 =	vsel vm14, v0, v55;
	v40 =	vld.idx.msk [tilespmem:v17+s25+$0x0], $0xffff;
	vm3 =	veq.bf16 v59, $-Inf  }
0x2e6: {  	s24 =	simm.s32 $0x2;
	s25 =	simm.s32 $0x11000;
	v53 =	vsel vm15, v0, v61;
	[tilespmem:s23+$0x400] =	vst v60;
	v46 =	vadd.bf16 v38, v32;
	v45 =	vadd.bf16 v37, v31  }
.LBB2_20:
0x2e7: {  	v55 =	vld.idx.msk [tilespmem:v14+s25+$0x400], $0xffff  }
0x2e8: {  	v57 =	vld.idx.msk [tilespmem:v15+s25+$0x400], $0xffff  }
0x2e9: {  	v48 =	vmax.bf16 v48, v51;
	v51 =	vld.idx.msk [tilespmem:v16+s25+$0x400], $0xffff  }
0x2ea: {  	v47 =	vmax.bf16 v47, v54;
	v49 =	vmax.bf16 v49, v52;
	v52 =	vld.idx.msk [tilespmem:v17+s25+$0x400], $0xffff  }
0x2eb: {  	v50 =	vmax.bf16 v50, v53;
	v2 =	vld [tilespmem:$0x1FFC0];
	v36 =	vunpack.i.l.bf16.f32 v36;
	v58 =	vmul.f32 v35, v1  }
0x2ec: {  	v3 =	vld [tilespmem:$0x1FFB0];
	v60 =	vmul.f32 v34, v1;
	v41 =	vsel vm0, v0, v41;
	v42 =	vsel vm1, v0, v42  }
0x2ed: {  	v43 =	vsel vm2, v0, v43;
	v44 =	vsel vm3, v0, v44;
	vm0 =	veq.bf16 v37, $-Inf;
	v37 =	vld.idx.msk [tilespmem:v10+s25+$0x400], $0xffff  }
0x2ee: {  	vm1 =	veq.bf16 v38, $-Inf;
	v63 =	vmax.bf16 v48, v42;
	v48 =	vmax.bf16 v49, v43;
	v43 =	vld.idx.msk [tilespmem:v12+s25+$0x400], $0xffff  }
0x2ef: {  	v36 =	vmul.f32 v36, v1;
	v62 =	vmax.bf16 v47, v41;
	v49 =	vmax.bf16 v50, v44;
	v47 =	vld.idx.msk [tilespmem:v13+s25+$0x400], $0xffff  }
0x2f0: {  	v50 =	vsel vm0, v0, v45;
	v53 =	vsel vm1, v0, v46;
	v44 =	vld.idx.msk [tilespmem:v4+s25+$0x400], $0xffff;
	[tilespmem:s22+$0xFFFFF800] =	vst v58  }
0x2f1: {  	[tilespmem:s22+$0xFFFFFC00] =	vst v60;
	v38 =	vmax.bf16 v62, v50;
	v61 =	vadd.bf16 v39, v29;
	vm2 =	veq.bf16 v39, $-Inf;
	v39 =	vld.idx.msk [tilespmem:v11+s25+$0x400], $0xffff  }
0x2f2: {  	v56 =	vadd.bf16 v40, v30;
	vm3 =	veq.bf16 v40, $-Inf;
	v40 =	vmax.bf16 v63, v53;
	v53 =	vld.idx.msk [tilespmem:v4+s25+$0x0], $0xffff  }
0x2f3: {  	v38 =	vmax.bf16 v38, v40;
	vm4 =	veq.bf16 v55, $-Inf;
	v46 =	vadd.bf16 v55, v31;
	v55 =	vld.idx.msk [tilespmem:v6+s25+$0x0], $0xffff  }
0x2f4: {  	vm0 =	veq.bf16 v57, $-Inf;
	v54 =	vsel vm2, v0, v61;
	v61 =	vadd.bf16 v57, v32;
	v57 =	vld.idx.msk [tilespmem:v8+s25+$0x0], $0xffff  }
0x2f5: {  	vm1 =	veq.bf16 v51, $-Inf;
	v56 =	vsel vm3, v0, v56;
	v41 =	vmax.bf16 v48, v54;
	v54 =	vld.idx.msk [tilespmem:v5+s25+$0x0], $0xffff  }
0x2f6: {  	vm7 =	veq.bf16 v52, $-Inf;
	v63 =	vadd.bf16 v51, v29;
	v42 =	vmax.bf16 v49, v56;
	v56 =	vld.idx.msk [tilespmem:v7+s25+$0x0], $0xffff  }
0x2f7: {  	v60 =	vadd.bf16 v52, v30;
	vm2 =	veq.bf16 v37, $-Inf;
	v37 =	vadd.bf16 v37, v25;
	v45 =	vld.idx.msk [tilespmem:v2+s25+$0x400], $0xffff  }
0x2f8: {  	vm5 =	veq.bf16 v43, $-Inf;
	vm6 =	veq.bf16 v47, $-Inf;
	vm8 =	veq.bf16 v44, $-Inf;
	v40 =	vld.idx.msk [tilespmem:v3+s25+$0x400], $0xffff  }
0x2f9: {  	v43 =	vadd.bf16 v43, v27;
	v47 =	vadd.bf16 v47, v28;
	v41 =	vmax.bf16 v41, v42;
	v42 =	vld.idx.msk [tilespmem:v6+s25+$0x400], $0xffff  }
0x2fa: {  	v44 =	vadd.bf16 v44, v20;
	v46 =	vsel vm4, v0, v46;
	v50 =	vsel vm1, v0, v63;
	v52 =	vld.idx.msk [tilespmem:v3+s25+$0x0], $0xffff  }
0x2fb: {  	v51 =	vsel vm7, v0, v60;
	v48 =	vsel vm0, v0, v61;
	v59 =	vmax.bf16 v38, v41;
	v41 =	vld.idx.msk [tilespmem:v5+s25+$0x400], $0xffff  }
0x2fc: {  	v61 =	vsel vm2, v0, v37;
	v38 =	vld.idx.msk [tilespmem:v7+s25+$0x400], $0xffff;
	vm3 =	veq.bf16 v39, $-Inf;
	v39 =	vadd.bf16 v39, v26  }
0x2fd: {  	[tilespmem:s23+$0x0] =	vst v36;
	v43 =	vsel vm5, v0, v43;
	v47 =	vsel vm6, v0, v47;
	v44 =	vsel vm8, v0, v44  }
0x2fe: {  	vm2 =	veq.bf16 v53, $-Inf;
	v34 =	vunpack.i.u.bf16.f32 v59;
	v35 =	vunpack.i.l.bf16.f32 v59;
	v36 =	vld.idx.msk [tilespmem:v8+s25+$0x400], $0xffff  }
0x2ff: {  	v62 =	vld.idx.msk [tilespmem:v9+s25+$0x400], $0xffff;
	vm4 =	veq.bf16 v55, $-Inf;
	v39 =	vsel vm3, v0, v39;
	v3 =	vadd.bf16 v57, v24  }
0x300: {  	vm3 =	veq.bf16 v54, $-Inf;
	vm5 =	veq.bf16 v56, $-Inf;
	vm10 =	veq.bf16 v45, $-Inf  }
0x301: {  	v59 =	vld.idx.msk [tilespmem:v2+s25+$0x0], $0xffff;
	vm11 =	veq.bf16 v40, $-Inf;
	vm12 =	veq.bf16 v42, $-Inf;
	v45 =	vadd.bf16 v45, v18  }
0x302: {  	v40 =	vadd.bf16 v40, v19;
	v42 =	vadd.bf16 v42, v22;
	vm1 =	veq.bf16 v52, $-Inf  }
0x303: {  	vm9 =	veq.bf16 v41, $-Inf;
	vm13 =	veq.bf16 v38, $-Inf;
	v41 =	vadd.bf16 v41, v21  }
0x304: {  	v38 =	vadd.bf16 v38, v23;
	vm14 =	veq.bf16 v36, $-Inf;
	vm15 =	veq.bf16 v62, $-Inf  }
0x305: {  	v58 =	vld.idx.msk [tilespmem:v9+s25+$0x0], $0xffff;
	v36 =	vadd.bf16 v36, v24;
	v49 =	vadd.bf16 v62, v33;
	v45 =	vsel vm10, v0, v45  }
0x306: {  	v40 =	vsel vm11, v0, v40;
	v42 =	vsel vm12, v0, v42;
	vm0 =	veq.bf16 v59, $-Inf  }
0x307: {  	v41 =	vsel vm9, v0, v41;
	v38 =	vsel vm13, v0, v38;
	v42 =	vmax.bf16 v45, v42  }
0x308: {  	v45 =	vadd.bf16 v53, v20;
	v36 =	vsel vm14, v0, v36;
	v49 =	vsel vm15, v0, v49  }
0x309: {  	v40 =	vmax.bf16 v40, v38;
	v42 =	vmax.bf16 v42, v61;
	vm14 =	veq.bf16 v57, $-Inf  }
0x30a: {  	v60 =	vld.idx.msk [tilespmem:v10+s25+$0x0], $0xffff;
	vm15 =	veq.bf16 v58, $-Inf;
	v36 =	vmax.bf16 v44, v36;
	v41 =	vmax.bf16 v41, v49  }
0x30b: {  	v2 =	vld.idx.msk [tilespmem:v13+s25+$0x0], $0xffff;
	v61 =	vmax.bf16 v40, v39;
	v42 =	vmax.bf16 v42, v46;
	v44 =	vadd.bf16 v59, v18  }
0x30c: {  	v63 =	vld.idx.msk [tilespmem:v12+s25+$0x0], $0xffff;
	v46 =	vadd.bf16 v54, v21;
	v59 =	vadd.bf16 v58, v33;
	v36 =	vmax.bf16 v36, v43  }
0x30d: {  	v37 =	vld.idx.msk [tilespmem:v14+s25+$0x0], $0xffff;
	v41 =	vmax.bf16 v41, v47;
	v49 =	vmax.bf16 v61, v48;
	v43 =	vadd.bf16 v52, v19  }
0x30e: {  	v61 =	vadd.bf16 v56, v23;
	v52 =	vsel vm14, v0, v3;
	v36 =	vmax.bf16 v36, v50  }
0x30f: {  	v62 =	vld.idx.msk [tilespmem:v11+s25+$0x0], $0xffff;
	v41 =	vmax.bf16 v41, v51;
	v42 =	vmax.bf16 v42, v49;
	v51 =	vadd.bf16 v55, v22  }
0x310: {  	s24 =	sadd.s32 $0x2, s24;
	v47 =	vsel vm0, v0, v44;
	v44 =	vadd.bf16 v2, v28;
	v49 =	vsel vm2, v0, v45  }
0x311: {  	p0 =	slt.u32 s24, $0xE;
	v38 =	vld.idx.msk [tilespmem:v15+s25+$0x0], $0xffff;
	v53 =	vsel vm15, v0, v59;
	vm0 =	veq.bf16 v60, $-Inf;
	v36 =	vmax.bf16 v36, v41  }
.Ltmp17:
0x312: {  	vm2 =	veq.bf16 v63, $-Inf;
	v45 =	vadd.bf16 v37, v31;
	v36 =	vmax.bf16 v42, v36;
	(pc) =	sbr.rel @p0 .LBB2_20-.Ltmp17, $4  }
0x313: {  	v48 =	vsel vm1, v0, v43;
	v43 =	vadd.bf16 v63, v27;
	v50 =	vunpack.i.u.bf16.f32 v36  }
0x314: {  	vm1 =	veq.bf16 v62, $-Inf;
	v42 =	vadd.bf16 v62, v26;
	v41 =	vmul.f32 v50, v1  }
0x315: {  	s22 =	smov.u32 s23;
	s23 =	sadd.s32 $0x1000, s23;
	v39 =	vld.idx.msk [tilespmem:v16+s25+$0x0], $0xffff;
	v54 =	vsel vm4, v0, v51;
	v51 =	vsel vm5, v0, v61;
	v50 =	vsel vm3, v0, v46  }
0x316: {  	v40 =	vld.idx.msk [tilespmem:v17+s25+$0x0], $0xffff;
	s25 =	sadd.s32 $0x800, s25;
	vm3 =	veq.bf16 v2, $-Inf;
	v46 =	vadd.bf16 v38, v32;
	[tilespmem:s23+$0x400] =	vst v41;
	v41 =	vadd.bf16 v60, v25  }
0x317: {  	v2 =	vmax.bf16 v47, v54;
	v5 =	vmax.bf16 v48, v51  }
0x318: {  	v6 =	vmax.bf16 v49, v52;
	v7 =	vmax.bf16 v50, v53;
	v9 =	vsel vm1, v0, v42  }
0x319: {  	v10 =	vsel vm2, v0, v43;
	v11 =	vsel vm3, v0, v44;
	vm12 =	veq.bf16 v37, $-Inf  }
0x31a: {  	vm13 =	veq.bf16 v38, $-Inf;
	v8 =	vsel vm0, v0, v41;
	v5 =	vmax.bf16 v5, v9  }
0x31b: {  	v6 =	vmax.bf16 v6, v10;
	v7 =	vmax.bf16 v7, v11;
	v59 =	vsel vm12, v0, v45  }
0x31c: {  	v60 =	vsel vm13, v0, v46;
	v3 =	vadd.bf16 v39, v29;
	v4 =	vadd.bf16 v40, v30  }
0x31d: {  	v2 =	vmax.bf16 v2, v8;
	vm14 =	veq.bf16 v39, $-Inf;
	vm15 =	veq.bf16 v40, $-Inf  }
0x31e: {  	v5 =	vmax.bf16 v5, v60;
	v3 =	vsel vm14, v0, v3;
	v4 =	vsel vm15, v0, v4  }
0x31f: {  	v2 =	vmax.bf16 v2, v59;
	v3 =	vmax.bf16 v6, v3;
	v4 =	vmax.bf16 v7, v4  }
0x320: {  	v61 =	vmul.f32 v35, v1;
	s21 =	sadd.s32 $0x1, s21;
	v2 =	vmax.bf16 v2, v5;
	v3 =	vmax.bf16 v3, v4  }
0x321: {  	v62 =	vunpack.i.l.bf16.f32 v36;
	p0 =	seq.s32 s21, $0x40;
	v2 =	vmax.bf16 v2, v3;
	v3 =	vmul.f32 v34, v1  }
.Ltmp18:
0x322: {  	[tilespmem:s22+$0xFFFFF800] =	vst v61;
	v5 =	vmul.f32 v62, v1;
	v63 =	vunpack.i.l.bf16.f32 v2;
	(pc) =	sbr.rel @!p0 .LBB2_19-.Ltmp18, $4  }
.Ltmp19:
0x323: {  	v2 =	vunpack.i.u.bf16.f32 v2;
	[tilespmem:s22+$0xFFFFFC00] =	vst v3;
	v3 =	vmul.f32 v63, v1;
	(pc) =	sbr.rel @p0 .LBB2_25-.Ltmp19, $4  }
0x324: {  	[tilespmem:s23+$0x0] =	vst v5;
	v2 =	vmul.f32 v2, v1  }
0x325: {  	[tilespmem:s23+$0xFFFFF800] =	vst v3  }
0x326: {  	s20 =	sadd.s32 $0x10, s20;
	s19 =	sadd.s32 $0x1, s19;
	[tilespmem:s23+$0xFFFFFC00] =	vst v2  }
0x327: {  	_ = 	snop  }
.LBB2_26:
0x328: {  	_ =	sfence.sel $0x180000  }
0x329: {  	[bflag:$0x0] =	sbarrier.arrive $0xFFFF  }
0x32a: {  	_ =	strace $0x90000047  }
0x32b: {  	s0 =	stileid.u32;
	[bflag:$0x2] =	sbarrier.arrive $0xFFFF  }
0x32c: {  	p0 =	sne.s32 s0, $0x0;
	s0 =	rddreg [dreg:$0x2]  }
0x32d: {  	s0 =	sadd.s32 @!p0 $0x100000, s0  }
0x32e: {  	[sflag:s0] =	ssyncadd.tile.s32 @!p0 $0x1;
	_ =	shalt  }
.Lfunc_end2:
_tile_overlayer_lowered:
.L_overlay_start_2:
0x32f: {  	(tag) =	ssettag $0x2  }
0x330: {  	s0 =	rddreg [dreg:$0x0];
	s2 =	stileid.u32  }
0x331: {  	s1 =	rddreg [dreg:$0x1];
	p0 =	sne.s32 s2, $0x0  }
0x332: {  	s3 =	rddreg [dreg:$0x2];
	[bflag:$0x3] =	sbarrier.arrive $0xFFFF;
	s2 =	simm.s32 @!p0 $0x1C01  }
0x333: {  	[timem:s3], [sflag:s2] =	dma.local @!p0 [hbm:s0], s1  }
0x334: {  	s0 =	simm.s32 @!p0 $0x1  }
0x335: {  	_ =	swait.ge @!p0 [sflag:s0], s1  }
0x336: {  	s1 =	ssub.s32 @!p0 $0x0, s1;
	[sflag:s0] =	ssyncset.done @!p0 $0x0  }
0x337: {  	[sflag:s0] =	ssyncadd.s32 @!p0 s1  }
0x338: {  	[bflag:$0x3] =	sbarrier.arrive $0xFFFF  }
0x339: {  	_ =	shalt  }

</sc_bundles>
